<compile_context>
chip_gen: v7x
topology: tpu7x:2x2x1
jax: 0.10.2.dev20260603
libtpu: 0.0.44.dev20260713+nightly
codegen_flags: <defaults>
</compile_context>

<pallas_src>
import functools

import jax
import jax.numpy as jnp
from jax import lax
from jax.experimental import pallas as pl
from jax.experimental.pallas import tpu as pltpu
from jax.experimental.pallas import tpu_sc as plsc

_NC = 2
_NS = 16
_L = 16
_BE = 40
_HIGH = jax.lax.Precision.DEFAULT



def _ab_body(px_ref, wpp_ref, wwi_ref, wwj_ref, a_ref, b_ref):
    wpi = jnp.dot(wpp_ref[...], wwi_ref[...], precision=_HIGH)
    wpj = jnp.dot(wpp_ref[...], wwj_ref[...], precision=_HIGH)
    x = px_ref[...]
    a_ref[...] = jnp.dot(x, wpi, precision=_HIGH)
    b_ref[...] = jnp.dot(x, wpj, precision=_HIGH)


def _compute_ab(px, W_pp, W_wi, W_wj):
    n, d = px.shape
    blk = 2000
    w_spec = pl.BlockSpec((d, d), lambda i: (0, 0))
    row_spec = pl.BlockSpec((blk, d), lambda i: (i, 0))
    return pl.pallas_call(
        _ab_body,
        grid=(n // blk,),
        in_specs=[row_spec, w_spec, w_spec, w_spec],
        out_specs=[row_spec, row_spec],
        out_shape=[jax.ShapeDtypeStruct((n, d), jnp.float32)] * 2,
    )(px, W_pp, W_wi, W_wj)



def _sc_body(npad, a_hbm, b_hbm, diff_hbm, idxi_hbm, idxj_hbm,
             u_hbm, s2_hbm,
             ii0, ii1, ii2, ii3, ii4, ii5, ij0, ij1, ij2, ij3, ij4, ij5,
             a0, a1, a2, b0, b1, b2, d0, d1, d2, acc,
             sg0, sg1, sg2, su0, su1, su2, ss0, ss1, ss2,
             sx0, sx1, sx2, sx3, sx4, sx5):
    e, d = diff_hbm.shape
    cid = lax.axis_index("c")
    sid = lax.axis_index("s")
    nw = _NC * _NS
    wid = sid * _NC + cid
    rps = npad // _NS

    ii, ij = [ii0, ii1, ii2, ii3, ii4, ii5], [ij0, ij1, ij2, ij3, ij4, ij5]
    bufa, bufb, bufd = [a0, a1, a2], [b0, b1, b2], [d0, d1, d2]
    semg, semu, sems = [sg0, sg1, sg2], [su0, su1, su2], [ss0, ss1, ss2]
    semx = [sx0, sx1, sx2, sx3, sx4, sx5]
    nblk = idxi_hbm.shape[1]
    last = nblk - 1
    base_w = wid * (e // nw)

    def zrow(r, car):
        for cc in range(d // _L):
            a0[r, pl.ds(cc * _L, _L)] = jnp.zeros((_L,), jnp.float32)
        return car
    lax.fori_loop(0, _BE, zrow, 0)
    nfull = rps // _BE
    def zcopy(t, car):
        pltpu.sync_copy(a0, acc.at[pl.ds(sid * rps + t * _BE, _BE)])
        return car
    lax.fori_loop(0, nfull, zcopy, 0)
    rem = rps - nfull * _BE
    if rem:
        pltpu.sync_copy(a0.at[pl.ds(0, rem)],
                        acc.at[pl.ds(sid * rps + nfull * _BE, rem)])
    plsc.subcore_barrier()

    def fire_idx(c, x):
        pltpu.async_copy(idxi_hbm.at[wid, c], ii[x], semx[x])
        pltpu.async_copy(idxj_hbm.at[wid, c], ij[x], semx[x])

    def wait_idx(c, x):
        pltpu.make_async_copy(idxi_hbm.at[wid, c], ii[x], semx[x]).wait()
        pltpu.make_async_copy(idxj_hbm.at[wid, c], ij[x], semx[x]).wait()

    def fire(c, p, x):
        pltpu.async_copy(a_hbm.at[ii[x]], bufa[p], semg[p])
        pltpu.async_copy(b_hbm.at[ij[x]], bufb[p], semg[p])
        pltpu.async_copy(diff_hbm.at[pl.ds(base_w + c * _BE, _BE)],
                         bufd[p], semg[p])

    def wait_gathers(c, p, x):
        pltpu.make_async_copy(a_hbm.at[ii[x]], bufa[p], semg[p]).wait()
        pltpu.make_async_copy(b_hbm.at[ij[x]], bufb[p], semg[p]).wait()
        pltpu.make_async_copy(diff_hbm.at[pl.ds(base_w + c * _BE, _BE)],
                              bufd[p], semg[p]).wait()

    def fire_writes(c, p, x):
        pltpu.async_copy(bufa[p], u_hbm.at[pl.ds(base_w + c * _BE, _BE)],
                         semu[p])
        pltpu.async_copy(bufa[p], acc.at[ii[x]], sems[p], add=True)

    def wait_writes(c, p, x):
        pltpu.make_async_copy(bufa[p], u_hbm.at[pl.ds(base_w + c * _BE, _BE)],
                              semu[p]).wait()
        pltpu.make_async_copy(bufa[p], acc.at[ii[x]], sems[p]).wait()

    def compute(p):
        va, vb, vd = bufa[p], bufb[p], bufd[p]

        def row(r, car):
            for cc in range(d // _L):
                sl = pl.ds(cc * _L, _L)
                va[r, sl] = (va[r, sl] + vb[r, sl]) * vd[r, sl]
            return car
        lax.fori_loop(0, _BE, row, 0)

    fire_idx(0, 0)
    fire_idx(1, 1)
    fire_idx(2, 2)
    wait_idx(0, 0)
    fire(0, 0, 0)
    wait_idx(1, 1)
    fire(1, 1, 1)

    def outer(i, car):
        for bb in range(6):
            c = 6 * i + bb
            p = bb % 3
            x = bb
            p2, x2 = (bb + 2) % 3, (bb + 2) % 6

            @pl.when(c <= last)
            def _():
                @pl.when(c >= 1)
                def _():
                    wait_writes(c - 1, (bb + 2) % 3, (bb + 5) % 6)

                @pl.when(c + 2 <= last)
                def _():
                    wait_idx(c + 2, x2)
                    fire(c + 2, p2, x2)

                wait_gathers(c, p, x)

                @pl.when(c + 3 <= last)
                def _():
                    fire_idx(c + 3, (bb + 3) % 6)
                compute(p)
                fire_writes(c, p, x)
        return car

    lax.fori_loop(0, (nblk + 5) // 6, outer, 0)
    wait_writes(last, last % 3, last % 6)

    plsc.subcore_barrier()
    pltpu.sync_copy(acc.at[pl.ds(sid * rps, rps)],
                    s2_hbm.at[pl.ds((cid * _NS + sid) * rps, rps)])


def _sc_gather_scale_scatter(npad, a, b, diff, idx_i3, idx_j3):
    e, d = diff.shape
    nchunk = e // _BE
    k = pl.kernel(
        functools.partial(_sc_body, npad),
        out_type=[jax.ShapeDtypeStruct((e, d), jnp.float32),
                  jax.ShapeDtypeStruct((2 * npad, d), jnp.float32)],
        mesh=plsc.VectorSubcoreMesh(core_axis_name="c", subcore_axis_name="s"),
        scratch_types=(
            [pltpu.VMEM((_BE,), jnp.int32)] * 12
            + [pltpu.VMEM((_BE, d), jnp.float32)] * 9
            + [pltpu.VMEM_SHARED((npad, d), jnp.float32)]
            + [pltpu.SemaphoreType.DMA] * 15
        ),
    )
    return k(a, b, diff, idx_i3, idx_j3)



def _ix_body(n, u_ref, wii_ref, s2_ref, ix_ref, pxo_ref):
    wii = wii_ref[...]
    ix_ref[...] = jnp.dot(u_ref[...], wii, precision=_HIGH)

    @pl.when(pl.program_id(0) == 0)
    def _():
        npad = s2_ref.shape[0] // 2
        s = s2_ref[:npad] + s2_ref[npad:]
        pxo_ref[...] = jnp.dot(s[:n, :], wii, precision=_HIGH)


def _compute_ix_out(u, W_ii, s2, n):
    e, d = u.shape
    npad2 = s2.shape[0]
    blk = 2560
    return pl.pallas_call(
        functools.partial(_ix_body, n),
        grid=(e // blk,),
        in_specs=[pl.BlockSpec((blk, d), lambda i: (i, 0)),
                  pl.BlockSpec((d, d), lambda i: (0, 0)),
                  pl.BlockSpec((npad2, d), lambda i: (0, 0))],
        out_specs=[pl.BlockSpec((blk, d), lambda i: (i, 0)),
                   pl.BlockSpec((n, d), lambda i: (0, 0))],
        out_shape=[jax.ShapeDtypeStruct((e, d), jnp.float32),
                   jax.ShapeDtypeStruct((n, d), jnp.float32)],
    )(u, W_ii, s2)


def kernel(px, diff, W_pp, W_wi, W_wj, W_ii, idx_i, idx_j):
    n, d = px.shape
    e = diff.shape[0]
    nw = _NC * _NS
    rps = (-(-n // _NS) + 7) // 8 * 8
    npad = rps * _NS
    nblk_t = e // (nw * _BE)
    a, b = _compute_ab(px, W_pp, W_wi, W_wj)
    i3 = idx_i.astype(jnp.int32).reshape(nw, nblk_t, _BE)
    j3 = idx_j.astype(jnp.int32).reshape(nw, nblk_t, _BE)
    u, s2 = _sc_gather_scale_scatter(npad, a, b, diff, i3, j3)
    ix, px_out = _compute_ix_out(u, W_ii, s2, n)
    return (px_out, ix)

# --- scband reference (transcript-rebuilt; emitter-appended) ---
"""Pipeline reference for scband-eqvar-layer-42039139893968 (READ-ONLY COPY).

The authoritative reference and input builder live on the scoring server;
editing this copy changes nothing except your own understanding.
"""

import jax, jax.numpy as jnp
import numpy as np

N = 10000
E = 320000
D = 128

def setup_inputs(seed: int = 0) -> dict:
    key = jax.random.key(seed)
    k1, k2, k3, k4, k5, k6, k7, k8 = jax.random.split(key, 8)
    idx_i = jax.random.randint(k1, (E,), 0, N)
    idx_j = jax.random.randint(k2, (E,), 0, N)
    px = jax.random.normal(k3, (N, D), dtype=jnp.float32)
    diff = jax.random.normal(k4, (E, D), dtype=jnp.float32)
    s = 1.0 / np.sqrt(D)
    W_pp = jax.random.normal(k5, (D, D), dtype=jnp.float32) * s
    W_wi = jax.random.normal(k6, (D, D), dtype=jnp.float32) * s
    W_wj = jax.random.normal(k7, (D, D), dtype=jnp.float32) * s
    W_ii = jax.random.normal(k8, (D, D), dtype=jnp.float32) * s
    return {"px": px, "diff": diff, "W_pp": W_pp, "W_wi": W_wi, "W_wj": W_wj, "W_ii": W_ii, "idx_i": idx_i, "idx_j": idx_j}

def reference(px, diff, W_pp, W_wi, W_wj, W_ii, idx_i, idx_j):
    # PPLayer: linear, no bias, no activation
    px1 = px @ W_pp
    # PIXLayer: gather by idx_i and idx_j, two linear maps, sum
    prop_i = jnp.take(px1, idx_i, axis=0)
    prop_j = jnp.take(px1, idx_j, axis=0)
    ix = prop_i @ W_wi + prop_j @ W_wj
    # ScaleLayer: elementwise product with edge feature diff
    ix = ix * diff
    # IILayer: linear, no bias, no activation
    ix = ix @ W_ii
    # IPLayer: scatter_add over destination nodes
    px_out = jax.ops.segment_sum(ix, idx_i, num_segments=N)
    return (px_out, ix)

if __name__ == "__main__":
    import jax
    _d = setup_inputs()
    print(jax.jit(kernel)(*tuple(_d.values())))

</pallas_src>

<mosaic_0001>
#map = affine_map<(d0, d1) -> (0, 0)>
#map1 = affine_map<(d0, d1) -> (0, 0, 0)>
module attributes {stable_mosaic.version = 14 : i64} {
  func.func @_sc_body(%arg0: i32, %arg1: i32, %arg2: memref<10000x128xf32, #tpu.memory_space<hbm>>, %arg3: memref<10000x128xf32, #tpu.memory_space<hbm>>, %arg4: memref<320000x128xf32, #tpu.memory_space<hbm>>, %arg5: memref<32x250x40xi32, #tpu.memory_space<hbm>>, %arg6: memref<32x250x40xi32, #tpu.memory_space<hbm>>, %arg7: memref<320000x128xf32, #tpu.memory_space<hbm>>, %arg8: memref<20224x128xf32, #tpu.memory_space<hbm>>, %arg9: memref<40xi32, #tpu.memory_space<vmem>>, %arg10: memref<40xi32, #tpu.memory_space<vmem>>, %arg11: memref<40xi32, #tpu.memory_space<vmem>>, %arg12: memref<40xi32, #tpu.memory_space<vmem>>, %arg13: memref<40xi32, #tpu.memory_space<vmem>>, %arg14: memref<40xi32, #tpu.memory_space<vmem>>, %arg15: memref<40xi32, #tpu.memory_space<vmem>>, %arg16: memref<40xi32, #tpu.memory_space<vmem>>, %arg17: memref<40xi32, #tpu.memory_space<vmem>>, %arg18: memref<40xi32, #tpu.memory_space<vmem>>, %arg19: memref<40xi32, #tpu.memory_space<vmem>>, %arg20: memref<40xi32, #tpu.memory_space<vmem>>, %arg21: memref<40x128xf32, #tpu.memory_space<vmem>>, %arg22: memref<40x128xf32, #tpu.memory_space<vmem>>, %arg23: memref<40x128xf32, #tpu.memory_space<vmem>>, %arg24: memref<40x128xf32, #tpu.memory_space<vmem>>, %arg25: memref<40x128xf32, #tpu.memory_space<vmem>>, %arg26: memref<40x128xf32, #tpu.memory_space<vmem>>, %arg27: memref<40x128xf32, #tpu.memory_space<vmem>>, %arg28: memref<40x128xf32, #tpu.memory_space<vmem>>, %arg29: memref<40x128xf32, #tpu.memory_space<vmem>>, %arg30: memref<10112x128xf32, #tpu.memory_space<vmem_shared>>, %arg31: memref<!tpu.dma_semaphore, #tpu.memory_space<semaphore_mem>>, %arg32: memref<!tpu.dma_semaphore, #tpu.memory_space<semaphore_mem>>, %arg33: memref<!tpu.dma_semaphore, #tpu.memory_space<semaphore_mem>>, %arg34: memref<!tpu.dma_semaphore, #tpu.memory_space<semaphore_mem>>, %arg35: memref<!tpu.dma_semaphore, #tpu.memory_space<semaphore_mem>>, %arg36: memref<!tpu.dma_semaphore, #tpu.memory_space<semaphore_mem>>, %arg37: memref<!tpu.dma_semaphore, #tpu.memory_space<semaphore_mem>>, %arg38: memref<!tpu.dma_semaphore, #tpu.memory_space<semaphore_mem>>, %arg39: memref<!tpu.dma_semaphore, #tpu.memory_space<semaphore_mem>>, %arg40: memref<!tpu.dma_semaphore, #tpu.memory_space<semaphore_mem>>, %arg41: memref<!tpu.dma_semaphore, #tpu.memory_space<semaphore_mem>>, %arg42: memref<!tpu.dma_semaphore, #tpu.memory_space<semaphore_mem>>, %arg43: memref<!tpu.dma_semaphore, #tpu.memory_space<semaphore_mem>>, %arg44: memref<!tpu.dma_semaphore, #tpu.memory_space<semaphore_mem>>, %arg45: memref<!tpu.dma_semaphore, #tpu.memory_space<semaphore_mem>>) attributes {dimension_semantics = [#tpu.dimension_semantics<core_parallel>, #tpu.dimension_semantics<subcore_parallel>], iteration_bounds = array<i64: 2, 16>, scalar_prefetch = 0 : i64, scratch_operands = 37 : i64, tpu.core_type = #tpu.core_type<sc_vector_subcore>, window_params = [{transform_indices = #map}, {transform_indices = #map}, {transform_indices = #map}, {transform_indices = #map1}, {transform_indices = #map1}, {transform_indices = #map}, {transform_indices = #map}]} {
    %mul3A = arith.constant 2 : i32
    %mul3A_0 = arith.muli %arg1, %mul3A : i32
    %add3A = arith.addi %mul3A_0, %arg0 : i32
    %mul3A_1 = arith.constant 10000 : i32
    %mul3A_2 = arith.muli %add3A, %mul3A_1 : i32
    %scan3A = arith.constant 0 : i32
    %scan3A_3 = arith.constant 0 : i32
    %scan3A_4 = arith.constant 40 : i32
    %scan3A_5 = arith.addi %scan3A_3, %scan3A_4 : i32
    %scan3A_6 = arith.constant 1 : i32
    scf.for %scan3A_133 = %scan3A_3 to %scan3A_5 step %scan3A_6  : i32 {
      %broadcast_in_dim3A = arith.constant 0.000000e+00 : f32
      %broadcast_in_dim3A_134 = vector.broadcast %broadcast_in_dim3A : f32 to vector<16xf32>
      %swap3A = arith.index_cast %scan3A_133 : i32 to index
      %swap3A_135 = arith.constant 0 : index
      %swap3A_136 = tpu.vector_load %arg21[%swap3A, %swap3A_135] {strides = array<i32>} : memref<40x128xf32, #tpu.memory_space<vmem>>, vector<1x16xf32>,
      %swap3A_137 = vector.shape_cast %swap3A_136 : vector<1x16xf32> to vector<16xf32>
      %swap3A_138 = vector.shape_cast %broadcast_in_dim3A_134 : vector<16xf32> to vector<1x16xf32>
      tpu.vector_store %arg21[%swap3A, %swap3A_135], %swap3A_138 {strides = array<i32>} : memref<40x128xf32, #tpu.memory_space<vmem>>, vector<1x16xf32>,
      %broadcast_in_dim3A_139 = arith.constant 0.000000e+00 : f32
      %broadcast_in_dim3A_140 = vector.broadcast %broadcast_in_dim3A_139 : f32 to vector<16xf32>
      %swap3A_141 = arith.index_cast %scan3A_133 : i32 to index
      %swap3A_142 = arith.constant 16 : index
      %swap3A_143 = tpu.vector_load %arg21[%swap3A_141, %swap3A_142] {strides = array<i32>} : memref<40x128xf32, #tpu.memory_space<vmem>>, vector<1x16xf32>,
      %swap3A_144 = vector.shape_cast %swap3A_143 : vector<1x16xf32> to vector<16xf32>
      %swap3A_145 = vector.shape_cast %broadcast_in_dim3A_140 : vector<16xf32> to vector<1x16xf32>
      tpu.vector_store %arg21[%swap3A_141, %swap3A_142], %swap3A_145 {strides = array<i32>} : memref<40x128xf32, #tpu.memory_space<vmem>>, vector<1x16xf32>,
      %broadcast_in_dim3A_146 = arith.constant 0.000000e+00 : f32
      %broadcast_in_dim3A_147 = vector.broadcast %broadcast_in_dim3A_146 : f32 to vector<16xf32>
      %swap3A_148 = arith.index_cast %scan3A_133 : i32 to index
      %swap3A_149 = arith.constant 32 : index
      %swap3A_150 = tpu.vector_load %arg21[%swap3A_148, %swap3A_149] {strides = array<i32>} : memref<40x128xf32, #tpu.memory_space<vmem>>, vector<1x16xf32>,
      %swap3A_151 = vector.shape_cast %swap3A_150 : vector<1x16xf32> to vector<16xf32>
      %swap3A_152 = vector.shape_cast %broadcast_in_dim3A_147 : vector<16xf32> to vector<1x16xf32>
      tpu.vector_store %arg21[%swap3A_148, %swap3A_149], %swap3A_152 {strides = array<i32>} : memref<40x128xf32, #tpu.memory_space<vmem>>, vector<1x16xf32>,
      %broadcast_in_dim3A_153 = arith.constant 0.000000e+00 : f32
      %broadcast_in_dim3A_154 = vector.broadcast %broadcast_in_dim3A_153 : f32 to vector<16xf32>
      %swap3A_155 = arith.index_cast %scan3A_133 : i32 to index
      %swap3A_156 = arith.constant 48 : index
      %swap3A_157 = tpu.vector_load %arg21[%swap3A_155, %swap3A_156] {strides = array<i32>} : memref<40x128xf32, #tpu.memory_space<vmem>>, vector<1x16xf32>,
      %swap3A_158 = vector.shape_cast %swap3A_157 : vector<1x16xf32> to vector<16xf32>
      %swap3A_159 = vector.shape_cast %broadcast_in_dim3A_154 : vector<16xf32> to vector<1x16xf32>
      tpu.vector_store %arg21[%swap3A_155, %swap3A_156], %swap3A_159 {strides = array<i32>} : memref<40x128xf32, #tpu.memory_space<vmem>>, vector<1x16xf32>,
      %broadcast_in_dim3A_160 = arith.constant 0.000000e+00 : f32
      %broadcast_in_dim3A_161 = vector.broadcast %broadcast_in_dim3A_160 : f32 to vector<16xf32>
      %swap3A_162 = arith.index_cast %scan3A_133 : i32 to index
      %swap3A_163 = arith.constant 64 : index
      %swap3A_164 = tpu.vector_load %arg21[%swap3A_162, %swap3A_163] {strides = array<i32>} : memref<40x128xf32, #tpu.memory_space<vmem>>, vector<1x16xf32>,
      %swap3A_165 = vector.shape_cast %swap3A_164 : vector<1x16xf32> to vector<16xf32>
      %swap3A_166 = vector.shape_cast %broadcast_in_dim3A_161 : vector<16xf32> to vector<1x16xf32>
      tpu.vector_store %arg21[%swap3A_162, %swap3A_163], %swap3A_166 {strides = array<i32>} : memref<40x128xf32, #tpu.memory_space<vmem>>, vector<1x16xf32>,
      %broadcast_in_dim3A_167 = arith.constant 0.000000e+00 : f32
      %broadcast_in_dim3A_168 = vector.broadcast %broadcast_in_dim3A_167 : f32 to vector<16xf32>
      %swap3A_169 = arith.index_cast %scan3A_133 : i32 to index
      %swap3A_170 = arith.constant 80 : index
      %swap3A_171 = tpu.vector_load %arg21[%swap3A_169, %swap3A_170] {strides = array<i32>} : memref<40x128xf32, #tpu.memory_space<vmem>>, vector<1x16xf32>,
      %swap3A_172 = vector.shape_cast %swap3A_171 : vector<1x16xf32> to vector<16xf32>
      %swap3A_173 = vector.shape_cast %broadcast_in_dim3A_168 : vector<16xf32> to vector<1x16xf32>
      tpu.vector_store %arg21[%swap3A_169, %swap3A_170], %swap3A_173 {strides = array<i32>} : memref<40x128xf32, #tpu.memory_space<vmem>>, vector<1x16xf32>,
      %broadcast_in_dim3A_174 = arith.constant 0.000000e+00 : f32
      %broadcast_in_dim3A_175 = vector.broadcast %broadcast_in_dim3A_174 : f32 to vector<16xf32>
      %swap3A_176 = arith.index_cast %scan3A_133 : i32 to index
      %swap3A_177 = arith.constant 96 : index
      %swap3A_178 = tpu.vector_load %arg21[%swap3A_176, %swap3A_177] {strides = array<i32>} : memref<40x128xf32, #tpu.memory_space<vmem>>, vector<1x16xf32>,
      %swap3A_179 = vector.shape_cast %swap3A_178 : vector<1x16xf32> to vector<16xf32>
      %swap3A_180 = vector.shape_cast %broadcast_in_dim3A_175 : vector<16xf32> to vector<1x16xf32>
      tpu.vector_store %arg21[%swap3A_176, %swap3A_177], %swap3A_180 {strides = array<i32>} : memref<40x128xf32, #tpu.memory_space<vmem>>, vector<1x16xf32>,
      %broadcast_in_dim3A_181 = arith.constant 0.000000e+00 : f32
      %broadcast_in_dim3A_182 = vector.broadcast %broadcast_in_dim3A_181 : f32 to vector<16xf32>
      %swap3A_183 = arith.index_cast %scan3A_133 : i32 to index
      %swap3A_184 = arith.constant 112 : index
      %swap3A_185 = tpu.vector_load %arg21[%swap3A_183, %swap3A_184] {strides = array<i32>} : memref<40x128xf32, #tpu.memory_space<vmem>>, vector<1x16xf32>,
      %swap3A_186 = vector.shape_cast %swap3A_185 : vector<1x16xf32> to vector<16xf32>
      %swap3A_187 = vector.shape_cast %broadcast_in_dim3A_182 : vector<16xf32> to vector<1x16xf32>
      tpu.vector_store %arg21[%swap3A_183, %swap3A_184], %swap3A_187 {strides = array<i32>} : memref<40x128xf32, #tpu.memory_space<vmem>>, vector<1x16xf32>,
    }
    %scan3A_7 = arith.constant 40 : i32
    %scan3A_8 = arith.constant 0 : i32
    %scan3A_9 = arith.constant 0 : i32
    %scan3A_10 = arith.constant 15 : i32
    %scan3A_11 = arith.addi %scan3A_9, %scan3A_10 : i32
    %scan3A_12 = arith.constant 1 : i32
    scf.for %scan3A_133 = %scan3A_9 to %scan3A_11 step %scan3A_12  : i32 {
      %mul3A_134 = arith.constant 632 : i32
      %mul3A_135 = arith.muli %arg1, %mul3A_134 : i32
      %mul3A_136 = arith.constant 40 : i32
      %mul3A_137 = arith.muli %scan3A_133, %mul3A_136 : i32
      %add3A_138 = arith.addi %mul3A_135, %mul3A_137 : i32
      "tpu.region"() ({
        %run_scoped3A = tpu.sem_alloc : memref<!tpu.dma_semaphore, #tpu.memory_space<semaphore_mem>>
        %dma_start3A_139 = arith.constant 0 : i32
        %dma_start3A_140 = tpu.memref_slice %arg30[%add3A_138, %dma_start3A_139] : memref<10112x128xf32, #tpu.memory_space<vmem_shared>> -> memref<40x128xf32, #tpu.memory_space<vmem_shared>>
        %dma_start3A_141 = arith.constant 0 : i32
        %dma_start3A_142 = tpu.memref_slice %arg30[%add3A_138, %dma_start3A_141] : memref<10112x128xf32, #tpu.memory_space<vmem_shared>> -> memref<40x128xf32, #tpu.memory_space<vmem_shared>>
        tpu.enqueue_dma source(%arg21 : memref<40x128xf32, #tpu.memory_space<vmem>>) target(%dma_start3A_142 : memref<40x128xf32, #tpu.memory_space<vmem_shared>>) target_semaphore(%run_scoped3A : memref<!tpu.dma_semaphore, #tpu.memory_space<semaphore_mem>>)
        %dma_wait3A_143 = arith.constant 0 : i32
        %dma_wait3A_144 = tpu.memref_slice %arg30[%add3A_138, %dma_wait3A_143] : memref<10112x128xf32, #tpu.memory_space<vmem_shared>> -> memref<40x128xf32, #tpu.memory_space<vmem_shared>>
        %dma_wait3A_145 = arith.constant 0 : i32
        %dma_wait3A_146 = tpu.memref_slice %arg30[%add3A_138, %dma_wait3A_145] : memref<10112x128xf32, #tpu.memory_space<vmem_shared>> -> memref<40x128xf32, #tpu.memory_space<vmem_shared>>
        tpu.wait_dma2 semaphore(%run_scoped3A : memref<!tpu.dma_semaphore, #tpu.memory_space<semaphore_mem>>) src(%arg21 : memref<40x128xf32, #tpu.memory_space<vmem>>) dst(%dma_wait3A_146 : memref<40x128xf32, #tpu.memory_space<vmem_shared>>)
        tpu.yield
      }) : () -> ()
    }
    %scan3A_13 = arith.constant 15 : i32
    %mul3A_14 = arith.constant 632 : i32
    %mul3A_15 = arith.muli %arg1, %mul3A_14 : i32
    %add3A_16 = arith.constant 600 : i32
    %add3A_17 = arith.addi %mul3A_15, %add3A_16 : i32
    "tpu.region"() ({
      %run_scoped3A = tpu.sem_alloc : memref<!tpu.dma_semaphore, #tpu.memory_space<semaphore_mem>>
      %dma_start3A_133 = arith.constant 0 : i32
      %dma_start3A_134 = arith.constant 0 : i32
      %dma_start3A_135 = tpu.memref_slice %arg21[%dma_start3A_133, %dma_start3A_134] : memref<40x128xf32, #tpu.memory_space<vmem>> -> memref<32x128xf32, #tpu.memory_space<vmem>>
      %dma_start3A_136 = arith.constant 0 : i32
      %dma_start3A_137 = tpu.memref_slice %arg30[%add3A_17, %dma_start3A_136] : memref<10112x128xf32, #tpu.memory_space<vmem_shared>> -> memref<32x128xf32, #tpu.memory_space<vmem_shared>>
      %dma_start3A_138 = arith.constant 0 : i32
      %dma_start3A_139 = tpu.memref_slice %arg30[%add3A_17, %dma_start3A_138] : memref<10112x128xf32, #tpu.memory_space<vmem_shared>> -> memref<32x128xf32, #tpu.memory_space<vmem_shared>>
      %dma_start3A_140 = arith.constant 0 : i32
      %dma_start3A_141 = arith.constant 0 : i32
      %dma_start3A_142 = tpu.memref_slice %arg21[%dma_start3A_140, %dma_start3A_141] : memref<40x128xf32, #tpu.memory_space<vmem>> -> memref<32x128xf32, #tpu.memory_space<vmem>>
      tpu.enqueue_dma source(%dma_start3A_142 : memref<32x128xf32, #tpu.memory_space<vmem>>) target(%dma_start3A_139 : memref<32x128xf32, #tpu.memory_space<vmem_shared>>) target_semaphore(%run_scoped3A : memref<!tpu.dma_semaphore, #tpu.memory_space<semaphore_mem>>)
      %dma_wait3A_143 = arith.constant 0 : i32
      %dma_wait3A_144 = arith.constant 0 : i32
      %dma_wait3A_145 = tpu.memref_slice %arg21[%dma_wait3A_143, %dma_wait3A_144] : memref<40x128xf32, #tpu.memory_space<vmem>> -> memref<32x128xf32, #tpu.memory_space<vmem>>
      %dma_wait3A_146 = arith.constant 0 : i32
      %dma_wait3A_147 = tpu.memref_slice %arg30[%add3A_17, %dma_wait3A_146] : memref<10112x128xf32, #tpu.memory_space<vmem_shared>> -> memref<32x128xf32, #tpu.memory_space<vmem_shared>>
      %dma_wait3A_148 = arith.constant 0 : i32
      %dma_wait3A_149 = tpu.memref_slice %arg30[%add3A_17, %dma_wait3A_148] : memref<10112x128xf32, #tpu.memory_space<vmem_shared>> -> memref<32x128xf32, #tpu.memory_space<vmem_shared>>
      %dma_wait3A_150 = arith.constant 0 : i32
      %dma_wait3A_151 = arith.constant 0 : i32
      %dma_wait3A_152 = tpu.memref_slice %arg21[%dma_wait3A_150, %dma_wait3A_151] : memref<40x128xf32, #tpu.memory_space<vmem>> -> memref<32x128xf32, #tpu.memory_space<vmem>>
      tpu.wait_dma2 semaphore(%run_scoped3A : memref<!tpu.dma_semaphore, #tpu.memory_space<semaphore_mem>>) src(%dma_wait3A_152 : memref<32x128xf32, #tpu.memory_space<vmem>>) dst(%dma_wait3A_149 : memref<32x128xf32, #tpu.memory_space<vmem_shared>>)
      tpu.yield
    }) : () -> ()
    %barrier3A = arith.constant 0 : index
    tpu.barrier barrier_id(%barrier3A)
    %dma_start3A = arith.constant 0 : i32
    %dma_start3A_18 = arith.constant 0 : i32
    %dma_start3A_19 = tpu.memref_slice %arg5[%add3A, %dma_start3A, %dma_start3A_18] : memref<32x250x40xi32, #tpu.memory_space<hbm>> -> memref<1x1x40xi32, #tpu.memory_space<hbm>>
    %dma_start3A_20 = tpu.memref_squeeze %dma_start3A_19 : memref<1x1x40xi32, #tpu.memory_space<hbm>> -> memref<40xi32, #tpu.memory_space<hbm>>
    %dma_start3A_21 = arith.constant 0 : i32
    %dma_start3A_22 = tpu.memref_slice %arg5[%add3A, %dma_start3A, %dma_start3A_21] : memref<32x250x40xi32, #tpu.memory_space<hbm>> -> memref<1x1x40xi32, #tpu.memory_space<hbm>>
    %dma_start3A_23 = tpu.memref_squeeze %dma_start3A_22 : memref<1x1x40xi32, #tpu.memory_space<hbm>> -> memref<40xi32, #tpu.memory_space<hbm>>
    tpu.enqueue_dma source(%dma_start3A_23 : memref<40xi32, #tpu.memory_space<hbm>>) target(%arg9 : memref<40xi32, #tpu.memory_space<vmem>>) target_semaphore(%arg40 : memref<!tpu.dma_semaphore, #tpu.memory_space<semaphore_mem>>)
    %dma_start3A_24 = arith.constant 0 : i32
    %dma_start3A_25 = arith.constant 0 : i32
    %dma_start3A_26 = tpu.memref_slice %arg6[%add3A, %dma_start3A_24, %dma_start3A_25] : memref<32x250x40xi32, #tpu.memory_space<hbm>> -> memref<1x1x40xi32, #tpu.memory_space<hbm>>
    %dma_start3A_27 = tpu.memref_squeeze %dma_start3A_26 : memref<1x1x40xi32, #tpu.memory_space<hbm>> -> memref<40xi32, #tpu.memory_space<hbm>>
    %dma_start3A_28 = arith.constant 0 : i32
    %dma_start3A_29 = tpu.memref_slice %arg6[%add3A, %dma_start3A_24, %dma_start3A_28] : memref<32x250x40xi32, #tpu.memory_space<hbm>> -> memref<1x1x40xi32, #tpu.memory_space<hbm>>
    %dma_start3A_30 = tpu.memref_squeeze %dma_start3A_29 : memref<1x1x40xi32, #tpu.memory_space<hbm>> -> memref<40xi32, #tpu.memory_space<hbm>>
    tpu.enqueue_dma source(%dma_start3A_30 : memref<40xi32, #tpu.memory_space<hbm>>) target(%arg15 : memref<40xi32, #tpu.memory_space<vmem>>) target_semaphore(%arg40 : memref<!tpu.dma_semaphore, #tpu.memory_space<semaphore_mem>>)
    %dma_start3A_31 = arith.constant 1 : i32
    %dma_start3A_32 = arith.constant 0 : i32
    %dma_start3A_33 = tpu.memref_slice %arg5[%add3A, %dma_start3A_31, %dma_start3A_32] : memref<32x250x40xi32, #tpu.memory_space<hbm>> -> memref<1x1x40xi32, #tpu.memory_space<hbm>>
    %dma_start3A_34 = tpu.memref_squeeze %dma_start3A_33 : memref<1x1x40xi32, #tpu.memory_space<hbm>> -> memref<40xi32, #tpu.memory_space<hbm>>
    %dma_start3A_35 = arith.constant 0 : i32
    %dma_start3A_36 = tpu.memref_slice %arg5[%add3A, %dma_start3A_31, %dma_start3A_35] : memref<32x250x40xi32, #tpu.memory_space<hbm>> -> memref<1x1x40xi32, #tpu.memory_space<hbm>>
    %dma_start3A_37 = tpu.memref_squeeze %dma_start3A_36 : memref<1x1x40xi32, #tpu.memory_space<hbm>> -> memref<40xi32, #tpu.memory_space<hbm>>
    tpu.enqueue_dma source(%dma_start3A_37 : memref<40xi32, #tpu.memory_space<hbm>>) target(%arg10 : memref<40xi32, #tpu.memory_space<vmem>>) target_semaphore(%arg41 : memref<!tpu.dma_semaphore, #tpu.memory_space<semaphore_mem>>)
    %dma_start3A_38 = arith.constant 1 : i32
    %dma_start3A_39 = arith.constant 0 : i32
    %dma_start3A_40 = tpu.memref_slice %arg6[%add3A, %dma_start3A_38, %dma_start3A_39] : memref<32x250x40xi32, #tpu.memory_space<hbm>> -> memref<1x1x40xi32, #tpu.memory_space<hbm>>
    %dma_start3A_41 = tpu.memref_squeeze %dma_start3A_40 : memref<1x1x40xi32, #tpu.memory_space<hbm>> -> memref<40xi32, #tpu.memory_space<hbm>>
    %dma_start3A_42 = arith.constant 0 : i32
    %dma_start3A_43 = tpu.memref_slice %arg6[%add3A, %dma_start3A_38, %dma_start3A_42] : memref<32x250x40xi32, #tpu.memory_space<hbm>> -> memref<1x1x40xi32, #tpu.memory_space<hbm>>
    %dma_start3A_44 = tpu.memref_squeeze %dma_start3A_43 : memref<1x1x40xi32, #tpu.memory_space<hbm>> -> memref<40xi32, #tpu.memory_space<hbm>>
    tpu.enqueue_dma source(%dma_start3A_44 : memref<40xi32, #tpu.memory_space<hbm>>) target(%arg16 : memref<40xi32, #tpu.memory_space<vmem>>) target_semaphore(%arg41 : memref<!tpu.dma_semaphore, #tpu.memory_space<semaphore_mem>>)
    %dma_start3A_45 = arith.constant 2 : i32
    %dma_start3A_46 = arith.constant 0 : i32
    %dma_start3A_47 = tpu.memref_slice %arg5[%add3A, %dma_start3A_45, %dma_start3A_46] : memref<32x250x40xi32, #tpu.memory_space<hbm>> -> memref<1x1x40xi32, #tpu.memory_space<hbm>>
    %dma_start3A_48 = tpu.memref_squeeze %dma_start3A_47 : memref<1x1x40xi32, #tpu.memory_space<hbm>> -> memref<40xi32, #tpu.memory_space<hbm>>
    %dma_start3A_49 = arith.constant 0 : i32
    %dma_start3A_50 = tpu.memref_slice %arg5[%add3A, %dma_start3A_45, %dma_start3A_49] : memref<32x250x40xi32, #tpu.memory_space<hbm>> -> memref<1x1x40xi32, #tpu.memory_space<hbm>>
    %dma_start3A_51 = tpu.memref_squeeze %dma_start3A_50 : memref<1x1x40xi32, #tpu.memory_space<hbm>> -> memref<40xi32, #tpu.memory_space<hbm>>
    tpu.enqueue_dma source(%dma_start3A_51 : memref<40xi32, #tpu.memory_space<hbm>>) target(%arg11 : memref<40xi32, #tpu.memory_space<vmem>>) target_semaphore(%arg42 : memref<!tpu.dma_semaphore, #tpu.memory_space<semaphore_mem>>)
    %dma_start3A_52 = arith.constant 2 : i32
    %dma_start3A_53 = arith.constant 0 : i32
    %dma_start3A_54 = tpu.memref_slice %arg6[%add3A, %dma_start3A_52, %dma_start3A_53] : memref<32x250x40xi32, #tpu.memory_space<hbm>> -> memref<1x1x40xi32, #tpu.memory_space<hbm>>
    %dma_start3A_55 = tpu.memref_squeeze %dma_start3A_54 : memref<1x1x40xi32, #tpu.memory_space<hbm>> -> memref<40xi32, #tpu.memory_space<hbm>>
    %dma_start3A_56 = arith.constant 0 : i32
    %dma_start3A_57 = tpu.memref_slice %arg6[%add3A, %dma_start3A_52, %dma_start3A_56] : memref<32x250x40xi32, #tpu.memory_space<hbm>> -> memref<1x1x40xi32, #tpu.memory_space<hbm>>
    %dma_start3A_58 = tpu.memref_squeeze %dma_start3A_57 : memref<1x1x40xi32, #tpu.memory_space<hbm>> -> memref<40xi32, #tpu.memory_space<hbm>>
    tpu.enqueue_dma source(%dma_start3A_58 : memref<40xi32, #tpu.memory_space<hbm>>) target(%arg17 : memref<40xi32, #tpu.memory_space<vmem>>) target_semaphore(%arg42 : memref<!tpu.dma_semaphore, #tpu.memory_space<semaphore_mem>>)
    %dma_wait3A = arith.constant 0 : i32
    %dma_wait3A_59 = arith.constant 0 : i32
    %dma_wait3A_60 = tpu.memref_slice %arg5[%add3A, %dma_wait3A, %dma_wait3A_59] : memref<32x250x40xi32, #tpu.memory_space<hbm>> -> memref<1x1x40xi32, #tpu.memory_space<hbm>>
    %dma_wait3A_61 = tpu.memref_squeeze %dma_wait3A_60 : memref<1x1x40xi32, #tpu.memory_space<hbm>> -> memref<40xi32, #tpu.memory_space<hbm>>
    %dma_wait3A_62 = arith.constant 0 : i32
    %dma_wait3A_63 = tpu.memref_slice %arg5[%add3A, %dma_wait3A, %dma_wait3A_62] : memref<32x250x40xi32, #tpu.memory_space<hbm>> -> memref<1x1x40xi32, #tpu.memory_space<hbm>>
    %dma_wait3A_64 = tpu.memref_squeeze %dma_wait3A_63 : memref<1x1x40xi32, #tpu.memory_space<hbm>> -> memref<40xi32, #tpu.memory_space<hbm>>
    tpu.wait_dma2 semaphore(%arg40 : memref<!tpu.dma_semaphore, #tpu.memory_space<semaphore_mem>>) src(%dma_wait3A_64 : memref<40xi32, #tpu.memory_space<hbm>>) dst(%arg9 : memref<40xi32, #tpu.memory_space<vmem>>)
    %dma_wait3A_65 = arith.constant 0 : i32
    %dma_wait3A_66 = arith.constant 0 : i32
    %dma_wait3A_67 = tpu.memref_slice %arg6[%add3A, %dma_wait3A_65, %dma_wait3A_66] : memref<32x250x40xi32, #tpu.memory_space<hbm>> -> memref<1x1x40xi32, #tpu.memory_space<hbm>>
    %dma_wait3A_68 = tpu.memref_squeeze %dma_wait3A_67 : memref<1x1x40xi32, #tpu.memory_space<hbm>> -> memref<40xi32, #tpu.memory_space<hbm>>
    %dma_wait3A_69 = arith.constant 0 : i32
    %dma_wait3A_70 = tpu.memref_slice %arg6[%add3A, %dma_wait3A_65, %dma_wait3A_69] : memref<32x250x40xi32, #tpu.memory_space<hbm>> -> memref<1x1x40xi32, #tpu.memory_space<hbm>>
    %dma_wait3A_71 = tpu.memref_squeeze %dma_wait3A_70 : memref<1x1x40xi32, #tpu.memory_space<hbm>> -> memref<40xi32, #tpu.memory_space<hbm>>
    tpu.wait_dma2 semaphore(%arg40 : memref<!tpu.dma_semaphore, #tpu.memory_space<semaphore_mem>>) src(%dma_wait3A_71 : memref<40xi32, #tpu.memory_space<hbm>>) dst(%arg15 : memref<40xi32, #tpu.memory_space<vmem>>)
    %dma_start3A_72 = arith.constant 0 : i32
    %dma_start3A_73 = arith.constant 0 : i32
    %dma_start3A_74 = tpu.memref_slice %arg2[%dma_start3A_72, %dma_start3A_73] : memref<10000x128xf32, #tpu.memory_space<hbm>> -> memref<10000x128xf32, #tpu.memory_space<hbm>>
    tpu.enqueue_indirect_dma source(%dma_start3A_74 : memref<10000x128xf32, #tpu.memory_space<hbm>>) target(%arg21 : memref<40x128xf32, #tpu.memory_space<vmem>>) offsets(%arg9 : memref<40xi32, #tpu.memory_space<vmem>>) semaphore(%arg31 : memref<!tpu.dma_semaphore, #tpu.memory_space<semaphore_mem>>)
    %dma_start3A_75 = arith.constant 0 : i32
    %dma_start3A_76 = arith.constant 0 : i32
    %dma_start3A_77 = tpu.memref_slice %arg3[%dma_start3A_75, %dma_start3A_76] : memref<10000x128xf32, #tpu.memory_space<hbm>> -> memref<10000x128xf32, #tpu.memory_space<hbm>>
    tpu.enqueue_indirect_dma source(%dma_start3A_77 : memref<10000x128xf32, #tpu.memory_space<hbm>>) target(%arg24 : memref<40x128xf32, #tpu.memory_space<vmem>>) offsets(%arg15 : memref<40xi32, #tpu.memory_space<vmem>>) semaphore(%arg31 : memref<!tpu.dma_semaphore, #tpu.memory_space<semaphore_mem>>)
    %add3A_78 = arith.constant 0 : i32
    %add3A_79 = arith.addi %mul3A_2, %add3A_78 : i32
    %dma_start3A_80 = arith.constant 0 : i32
    %dma_start3A_81 = tpu.memref_slice %arg4[%add3A_79, %dma_start3A_80] : memref<320000x128xf32, #tpu.memory_space<hbm>> -> memref<40x128xf32, #tpu.memory_space<hbm>>
    %dma_start3A_82 = arith.constant 0 : i32
    %dma_start3A_83 = tpu.memref_slice %arg4[%add3A_79, %dma_start3A_82] : memref<320000x128xf32, #tpu.memory_space<hbm>> -> memref<40x128xf32, #tpu.memory_space<hbm>>
    tpu.enqueue_dma source(%dma_start3A_83 : memref<40x128xf32, #tpu.memory_space<hbm>>) target(%arg27 : memref<40x128xf32, #tpu.memory_space<vmem>>) target_semaphore(%arg31 : memref<!tpu.dma_semaphore, #tpu.memory_space<semaphore_mem>>)
    %dma_wait3A_84 = arith.constant 1 : i32
    %dma_wait3A_85 = arith.constant 0 : i32
    %dma_wait3A_86 = tpu.memref_slice %arg5[%add3A, %dma_wait3A_84, %dma_wait3A_85] : memref<32x250x40xi32, #tpu.memory_space<hbm>> -> memref<1x1x40xi32, #tpu.memory_space<hbm>>
    %dma_wait3A_87 = tpu.memref_squeeze %dma_wait3A_86 : memref<1x1x40xi32, #tpu.memory_space<hbm>> -> memref<40xi32, #tpu.memory_space<hbm>>
    %dma_wait3A_88 = arith.constant 0 : i32
    %dma_wait3A_89 = tpu.memref_slice %arg5[%add3A, %dma_wait3A_84, %dma_wait3A_88] : memref<32x250x40xi32, #tpu.memory_space<hbm>> -> memref<1x1x40xi32, #tpu.memory_space<hbm>>
    %dma_wait3A_90 = tpu.memref_squeeze %dma_wait3A_89 : memref<1x1x40xi32, #tpu.memory_space<hbm>> -> memref<40xi32, #tpu.memory_space<hbm>>
    tpu.wait_dma2 semaphore(%arg41 : memref<!tpu.dma_semaphore, #tpu.memory_space<semaphore_mem>>) src(%dma_wait3A_90 : memref<40xi32, #tpu.memory_space<hbm>>) dst(%arg10 : memref<40xi32, #tpu.memory_space<vmem>>)
    %dma_wait3A_91 = arith.constant 1 : i32
    %dma_wait3A_92 = arith.constant 0 : i32
    %dma_wait3A_93 = tpu.memref_slice %arg6[%add3A, %dma_wait3A_91, %dma_wait3A_92] : memref<32x250x40xi32, #tpu.memory_space<hbm>> -> memref<1x1x40xi32, #tpu.memory_space<hbm>>
    %dma_wait3A_94 = tpu.memref_squeeze %dma_wait3A_93 : memref<1x1x40xi32, #tpu.memory_space<hbm>> -> memref<40xi32, #tpu.memory_space<hbm>>
    %dma_wait3A_95 = arith.constant 0 : i32
    %dma_wait3A_96 = tpu.memref_slice %arg6[%add3A, %dma_wait3A_91, %dma_wait3A_95] : memref<32x250x40xi32, #tpu.memory_space<hbm>> -> memref<1x1x40xi32, #tpu.memory_space<hbm>>
    %dma_wait3A_97 = tpu.memref_squeeze %dma_wait3A_96 : memref<1x1x40xi32, #tpu.memory_space<hbm>> -> memref<40xi32, #tpu.memory_space<hbm>>
    tpu.wait_dma2 semaphore(%arg41 : memref<!tpu.dma_semaphore, #tpu.memory_space<semaphore_mem>>) src(%dma_wait3A_97 : memref<40xi32, #tpu.memory_space<hbm>>) dst(%arg16 : memref<40xi32, #tpu.memory_space<vmem>>)
    %dma_start3A_98 = arith.constant 0 : i32
    %dma_start3A_99 = arith.constant 0 : i32
    %dma_start3A_100 = tpu.memref_slice %arg2[%dma_start3A_98, %dma_start3A_99] : memref<10000x128xf32, #tpu.memory_space<hbm>> -> memref<10000x128xf32, #tpu.memory_space<hbm>>
    tpu.enqueue_indirect_dma source(%dma_start3A_100 : memref<10000x128xf32, #tpu.memory_space<hbm>>) target(%arg22 : memref<40x128xf32, #tpu.memory_space<vmem>>) offsets(%arg10 : memref<40xi32, #tpu.memory_space<vmem>>) semaphore(%arg32 : memref<!tpu.dma_semaphore, #tpu.memory_space<semaphore_mem>>)
    %dma_start3A_101 = arith.constant 0 : i32
    %dma_start3A_102 = arith.constant 0 : i32
    %dma_start3A_103 = tpu.memref_slice %arg3[%dma_start3A_101, %dma_start3A_102] : memref<10000x128xf32, #tpu.memory_space<hbm>> -> memref<10000x128xf32, #tpu.memory_space<hbm>>
    tpu.enqueue_indirect_dma source(%dma_start3A_103 : memref<10000x128xf32, #tpu.memory_space<hbm>>) target(%arg25 : memref<40x128xf32, #tpu.memory_space<vmem>>) offsets(%arg16 : memref<40xi32, #tpu.memory_space<vmem>>) semaphore(%arg32 : memref<!tpu.dma_semaphore, #tpu.memory_space<semaphore_mem>>)
    %add3A_104 = arith.constant 40 : i32
    %add3A_105 = arith.addi %mul3A_2, %add3A_104 : i32
    %dma_start3A_106 = arith.constant 0 : i32
    %dma_start3A_107 = tpu.memref_slice %arg4[%add3A_105, %dma_start3A_106] : memref<320000x128xf32, #tpu.memory_space<hbm>> -> memref<40x128xf32, #tpu.memory_space<hbm>>
    %dma_start3A_108 = arith.constant 0 : i32
    %dma_start3A_109 = tpu.memref_slice %arg4[%add3A_105, %dma_start3A_108] : memref<320000x128xf32, #tpu.memory_space<hbm>> -> memref<40x128xf32, #tpu.memory_space<hbm>>
    tpu.enqueue_dma source(%dma_start3A_109 : memref<40x128xf32, #tpu.memory_space<hbm>>) target(%arg28 : memref<40x128xf32, #tpu.memory_space<vmem>>) target_semaphore(%arg32 : memref<!tpu.dma_semaphore, #tpu.memory_space<semaphore_mem>>)
    %scan3A_110 = arith.constant 0 : i32
    %scan3A_111 = arith.constant 0 : i32
    %scan3A_112 = arith.constant 42 : i32
    %scan3A_113 = arith.addi %scan3A_111, %scan3A_112 : i32
    %scan3A_114 = arith.constant 1 : i32
    scf.for %scan3A_133 = %scan3A_111 to %scan3A_113 step %scan3A_114  : i32 {
      %mul3A_134 = arith.constant 6 : i32
      %mul3A_135 = arith.muli %mul3A_134, %scan3A_133 : i32
      %add3A_136 = arith.constant 0 : i32
      %add3A_137 = arith.addi %mul3A_135, %add3A_136 : i32
      %le3A = arith.constant 249 : i32
      %le3A_138 = arith.cmpi sle, %add3A_137, %le3A : i32
      %convert_element_type3A = arith.extui %le3A_138 : i1 to i32
      %cond3A = arith.constant 0 : i32
      %cond3A_139 = arith.cmpi ne, %convert_element_type3A, %cond3A : i32
      scf.if %cond3A_139 {
        %ge3A = arith.constant 1 : i32
        %ge3A_185 = arith.cmpi sge, %add3A_137, %ge3A : i32
        %convert_element_type3A_186 = arith.extui %ge3A_185 : i1 to i32
        %cond3A_187 = arith.constant 0 : i32
        %cond3A_188 = arith.cmpi ne, %convert_element_type3A_186, %cond3A_187 : i32
        scf.if %cond3A_188 {
          %sub3A = arith.constant 1 : i32
          %sub3A_232 = arith.subi %add3A_137, %sub3A : i32
          %mul3A_233 = arith.constant 40 : i32
          %mul3A_234 = arith.muli %sub3A_232, %mul3A_233 : i32
          %add3A_235 = arith.addi %mul3A_2, %mul3A_234 : i32
          %dma_wait3A_236 = arith.constant 0 : i32
          %dma_wait3A_237 = tpu.memref_slice %arg7[%add3A_235, %dma_wait3A_236] : memref<320000x128xf32, #tpu.memory_space<hbm>> -> memref<40x128xf32, #tpu.memory_space<hbm>>
          %dma_wait3A_238 = arith.constant 0 : i32
          %dma_wait3A_239 = tpu.memref_slice %arg7[%add3A_235, %dma_wait3A_238] : memref<320000x128xf32, #tpu.memory_space<hbm>> -> memref<40x128xf32, #tpu.memory_space<hbm>>
          tpu.wait_dma2 semaphore(%arg36 : memref<!tpu.dma_semaphore, #tpu.memory_space<semaphore_mem>>) src(%arg23 : memref<40x128xf32, #tpu.memory_space<vmem>>) dst(%dma_wait3A_239 : memref<40x128xf32, #tpu.memory_space<hbm>>)
          %dma_wait3A_240 = arith.constant 0 : i32
          %dma_wait3A_241 = arith.constant 0 : i32
          %dma_wait3A_242 = tpu.memref_slice %arg30[%dma_wait3A_240, %dma_wait3A_241] : memref<10112x128xf32, #tpu.memory_space<vmem_shared>> -> memref<10112x128xf32, #tpu.memory_space<vmem_shared>>
          tpu.wait_indirect_dma semaphore(%arg39 : memref<!tpu.dma_semaphore, #tpu.memory_space<semaphore_mem>>) src(%arg23 : memref<40x128xf32, #tpu.memory_space<vmem>>) dst(%dma_wait3A_242 : memref<10112x128xf32, #tpu.memory_space<vmem_shared>>)
        } else {
        }
        %add3A_189 = arith.constant 2 : i32
        %add3A_190 = arith.addi %add3A_137, %add3A_189 : i32
        %le3A_191 = arith.constant 249 : i32
        %le3A_192 = arith.cmpi sle, %add3A_190, %le3A_191 : i32
        %convert_element_type3A_193 = arith.extui %le3A_192 : i1 to i32
        %cond3A_194 = arith.constant 0 : i32
        %cond3A_195 = arith.cmpi ne, %convert_element_type3A_193, %cond3A_194 : i32
        scf.if %cond3A_195 {
          %add3A_232 = arith.constant 2 : i32
          %add3A_233 = arith.addi %add3A_137, %add3A_232 : i32
          %dma_wait3A_234 = arith.constant 0 : i32
          %dma_wait3A_235 = tpu.memref_slice %arg5[%add3A, %add3A_233, %dma_wait3A_234] : memref<32x250x40xi32, #tpu.memory_space<hbm>> -> memref<1x1x40xi32, #tpu.memory_space<hbm>>
          %dma_wait3A_236 = tpu.memref_squeeze %dma_wait3A_235 : memref<1x1x40xi32, #tpu.memory_space<hbm>> -> memref<40xi32, #tpu.memory_space<hbm>>
          %dma_wait3A_237 = arith.constant 0 : i32
          %dma_wait3A_238 = tpu.memref_slice %arg5[%add3A, %add3A_233, %dma_wait3A_237] : memref<32x250x40xi32, #tpu.memory_space<hbm>> -> memref<1x1x40xi32, #tpu.memory_space<hbm>>
          %dma_wait3A_239 = tpu.memref_squeeze %dma_wait3A_238 : memref<1x1x40xi32, #tpu.memory_space<hbm>> -> memref<40xi32, #tpu.memory_space<hbm>>
          tpu.wait_dma2 semaphore(%arg42 : memref<!tpu.dma_semaphore, #tpu.memory_space<semaphore_mem>>) src(%dma_wait3A_239 : memref<40xi32, #tpu.memory_space<hbm>>) dst(%arg11 : memref<40xi32, #tpu.memory_space<vmem>>)
          %dma_wait3A_240 = arith.constant 0 : i32
          %dma_wait3A_241 = tpu.memref_slice %arg6[%add3A, %add3A_233, %dma_wait3A_240] : memref<32x250x40xi32, #tpu.memory_space<hbm>> -> memref<1x1x40xi32, #tpu.memory_space<hbm>>
          %dma_wait3A_242 = tpu.memref_squeeze %dma_wait3A_241 : memref<1x1x40xi32, #tpu.memory_space<hbm>> -> memref<40xi32, #tpu.memory_space<hbm>>
          %dma_wait3A_243 = arith.constant 0 : i32
          %dma_wait3A_244 = tpu.memref_slice %arg6[%add3A, %add3A_233, %dma_wait3A_243] : memref<32x250x40xi32, #tpu.memory_space<hbm>> -> memref<1x1x40xi32, #tpu.memory_space<hbm>>
          %dma_wait3A_245 = tpu.memref_squeeze %dma_wait3A_244 : memref<1x1x40xi32, #tpu.memory_space<hbm>> -> memref<40xi32, #tpu.memory_space<hbm>>
          tpu.wait_dma2 semaphore(%arg42 : memref<!tpu.dma_semaphore, #tpu.memory_space<semaphore_mem>>) src(%dma_wait3A_245 : memref<40xi32, #tpu.memory_space<hbm>>) dst(%arg17 : memref<40xi32, #tpu.memory_space<vmem>>)
          %add3A_246 = arith.constant 2 : i32
          %add3A_247 = arith.addi %add3A_137, %add3A_246 : i32
          %dma_start3A_248 = arith.constant 0 : i32
          %dma_start3A_249 = arith.constant 0 : i32
          %dma_start3A_250 = tpu.memref_slice %arg2[%dma_start3A_248, %dma_start3A_249] : memref<10000x128xf32, #tpu.memory_space<hbm>> -> memref<10000x128xf32, #tpu.memory_space<hbm>>
          tpu.enqueue_indirect_dma source(%dma_start3A_250 : memref<10000x128xf32, #tpu.memory_space<hbm>>) target(%arg23 : memref<40x128xf32, #tpu.memory_space<vmem>>) offsets(%arg11 : memref<40xi32, #tpu.memory_space<vmem>>) semaphore(%arg33 : memref<!tpu.dma_semaphore, #tpu.memory_space<semaphore_mem>>)
          %dma_start3A_251 = arith.constant 0 : i32
          %dma_start3A_252 = arith.constant 0 : i32
          %dma_start3A_253 = tpu.memref_slice %arg3[%dma_start3A_251, %dma_start3A_252] : memref<10000x128xf32, #tpu.memory_space<hbm>> -> memref<10000x128xf32, #tpu.memory_space<hbm>>
          tpu.enqueue_indirect_dma source(%dma_start3A_253 : memref<10000x128xf32, #tpu.memory_space<hbm>>) target(%arg26 : memref<40x128xf32, #tpu.memory_space<vmem>>) offsets(%arg17 : memref<40xi32, #tpu.memory_space<vmem>>) semaphore(%arg33 : memref<!tpu.dma_semaphore, #tpu.memory_space<semaphore_mem>>)
          %mul3A_254 = arith.constant 40 : i32
          %mul3A_255 = arith.muli %add3A_247, %mul3A_254 : i32
          %add3A_256 = arith.addi %mul3A_2, %mul3A_255 : i32
          %dma_start3A_257 = arith.constant 0 : i32
          %dma_start3A_258 = tpu.memref_slice %arg4[%add3A_256, %dma_start3A_257] : memref<320000x128xf32, #tpu.memory_space<hbm>> -> memref<40x128xf32, #tpu.memory_space<hbm>>
          %dma_start3A_259 = arith.constant 0 : i32
          %dma_start3A_260 = tpu.memref_slice %arg4[%add3A_256, %dma_start3A_259] : memref<320000x128xf32, #tpu.memory_space<hbm>> -> memref<40x128xf32, #tpu.memory_space<hbm>>
          tpu.enqueue_dma source(%dma_start3A_260 : memref<40x128xf32, #tpu.memory_space<hbm>>) target(%arg29 : memref<40x128xf32, #tpu.memory_space<vmem>>) target_semaphore(%arg33 : memref<!tpu.dma_semaphore, #tpu.memory_space<semaphore_mem>>)
        } else {
        }
        %dma_wait3A_196 = arith.constant 0 : i32
        %dma_wait3A_197 = arith.constant 0 : i32
        %dma_wait3A_198 = tpu.memref_slice %arg2[%dma_wait3A_196, %dma_wait3A_197] : memref<10000x128xf32, #tpu.memory_space<hbm>> -> memref<10000x128xf32, #tpu.memory_space<hbm>>
        tpu.wait_indirect_dma semaphore(%arg31 : memref<!tpu.dma_semaphore, #tpu.memory_space<semaphore_mem>>) src(%dma_wait3A_198 : memref<10000x128xf32, #tpu.memory_space<hbm>>) dst(%arg21 : memref<40x128xf32, #tpu.memory_space<vmem>>)
        %dma_wait3A_199 = arith.constant 0 : i32
        %dma_wait3A_200 = arith.constant 0 : i32
        %dma_wait3A_201 = tpu.memref_slice %arg3[%dma_wait3A_199, %dma_wait3A_200] : memref<10000x128xf32, #tpu.memory_space<hbm>> -> memref<10000x128xf32, #tpu.memory_space<hbm>>
        tpu.wait_indirect_dma semaphore(%arg31 : memref<!tpu.dma_semaphore, #tpu.memory_space<semaphore_mem>>) src(%dma_wait3A_201 : memref<10000x128xf32, #tpu.memory_space<hbm>>) dst(%arg24 : memref<40x128xf32, #tpu.memory_space<vmem>>)
        %mul3A_202 = arith.constant 40 : i32
        %mul3A_203 = arith.muli %add3A_137, %mul3A_202 : i32
        %add3A_204 = arith.addi %mul3A_2, %mul3A_203 : i32
        %dma_wait3A_205 = arith.constant 0 : i32
        %dma_wait3A_206 = tpu.memref_slice %arg4[%add3A_204, %dma_wait3A_205] : memref<320000x128xf32, #tpu.memory_space<hbm>> -> memref<40x128xf32, #tpu.memory_space<hbm>>
        %dma_wait3A_207 = arith.constant 0 : i32
        %dma_wait3A_208 = tpu.memref_slice %arg4[%add3A_204, %dma_wait3A_207] : memref<320000x128xf32, #tpu.memory_space<hbm>> -> memref<40x128xf32, #tpu.memory_space<hbm>>
        tpu.wait_dma2 semaphore(%arg31 : memref<!tpu.dma_semaphore, #tpu.memory_space<semaphore_mem>>) src(%dma_wait3A_208 : memref<40x128xf32, #tpu.memory_space<hbm>>) dst(%arg27 : memref<40x128xf32, #tpu.memory_space<vmem>>)
        %add3A_209 = arith.constant 3 : i32
        %add3A_210 = arith.addi %add3A_137, %add3A_209 : i32
        %le3A_211 = arith.constant 249 : i32
        %le3A_212 = arith.cmpi sle, %add3A_210, %le3A_211 : i32
        %convert_element_type3A_213 = arith.extui %le3A_212 : i1 to i32
        %cond3A_214 = arith.constant 0 : i32
        %cond3A_215 = arith.cmpi ne, %convert_element_type3A_213, %cond3A_214 : i32
        scf.if %cond3A_215 {
          %add3A_232 = arith.constant 3 : i32
          %add3A_233 = arith.addi %add3A_137, %add3A_232 : i32
          %dma_start3A_234 = arith.constant 0 : i32
          %dma_start3A_235 = tpu.memref_slice %arg5[%add3A, %add3A_233, %dma_start3A_234] : memref<32x250x40xi32, #tpu.memory_space<hbm>> -> memref<1x1x40xi32, #tpu.memory_space<hbm>>
          %dma_start3A_236 = tpu.memref_squeeze %dma_start3A_235 : memref<1x1x40xi32, #tpu.memory_space<hbm>> -> memref<40xi32, #tpu.memory_space<hbm>>
          %dma_start3A_237 = arith.constant 0 : i32
          %dma_start3A_238 = tpu.memref_slice %arg5[%add3A, %add3A_233, %dma_start3A_237] : memref<32x250x40xi32, #tpu.memory_space<hbm>> -> memref<1x1x40xi32, #tpu.memory_space<hbm>>
          %dma_start3A_239 = tpu.memref_squeeze %dma_start3A_238 : memref<1x1x40xi32, #tpu.memory_space<hbm>> -> memref<40xi32, #tpu.memory_space<hbm>>
          tpu.enqueue_dma source(%dma_start3A_239 : memref<40xi32, #tpu.memory_space<hbm>>) target(%arg12 : memref<40xi32, #tpu.memory_space<vmem>>) target_semaphore(%arg43 : memref<!tpu.dma_semaphore, #tpu.memory_space<semaphore_mem>>)
          %dma_start3A_240 = arith.constant 0 : i32
          %dma_start3A_241 = tpu.memref_slice %arg6[%add3A, %add3A_233, %dma_start3A_240] : memref<32x250x40xi32, #tpu.memory_space<hbm>> -> memref<1x1x40xi32, #tpu.memory_space<hbm>>
          %dma_start3A_242 = tpu.memref_squeeze %dma_start3A_241 : memref<1x1x40xi32, #tpu.memory_space<hbm>> -> memref<40xi32, #tpu.memory_space<hbm>>
          %dma_start3A_243 = arith.constant 0 : i32
          %dma_start3A_244 = tpu.memref_slice %arg6[%add3A, %add3A_233, %dma_start3A_243] : memref<32x250x40xi32, #tpu.memory_space<hbm>> -> memref<1x1x40xi32, #tpu.memory_space<hbm>>
          %dma_start3A_245 = tpu.memref_squeeze %dma_start3A_244 : memref<1x1x40xi32, #tpu.memory_space<hbm>> -> memref<40xi32, #tpu.memory_space<hbm>>
          tpu.enqueue_dma source(%dma_start3A_245 : memref<40xi32, #tpu.memory_space<hbm>>) target(%arg18 : memref<40xi32, #tpu.memory_space<vmem>>) target_semaphore(%arg43 : memref<!tpu.dma_semaphore, #tpu.memory_space<semaphore_mem>>)
        } else {
        }
        %scan3A_216 = arith.constant 0 : i32
        %scan3A_217 = arith.constant 0 : i32
        %scan3A_218 = arith.constant 40 : i32
        %scan3A_219 = arith.addi %scan3A_217, %scan3A_218 : i32
        %scan3A_220 = arith.constant 1 : i32
        scf.for %scan3A_232 = %scan3A_217 to %scan3A_219 step %scan3A_220  : i32 {
          %get3A = arith.index_cast %scan3A_232 : i32 to index
          %get3A_233 = arith.constant 0 : index
          %get3A_234 = tpu.vector_load %arg21[%get3A, %get3A_233] {strides = array<i32>} : memref<40x128xf32, #tpu.memory_space<vmem>>, vector<1x16xf32>,
          %get3A_235 = vector.shape_cast %get3A_234 : vector<1x16xf32> to vector<16xf32>
          %get3A_236 = arith.index_cast %scan3A_232 : i32 to index
          %get3A_237 = arith.constant 0 : index
          %get3A_238 = tpu.vector_load %arg24[%get3A_236, %get3A_237] {strides = array<i32>} : memref<40x128xf32, #tpu.memory_space<vmem>>, vector<1x16xf32>,
          %get3A_239 = vector.shape_cast %get3A_238 : vector<1x16xf32> to vector<16xf32>
          %add3A_240 = arith.addf %get3A_235, %get3A_239 : vector<16xf32>
          %get3A_241 = arith.index_cast %scan3A_232 : i32 to index
          %get3A_242 = arith.constant 0 : index
          %get3A_243 = tpu.vector_load %arg27[%get3A_241, %get3A_242] {strides = array<i32>} : memref<40x128xf32, #tpu.memory_space<vmem>>, vector<1x16xf32>,
          %get3A_244 = vector.shape_cast %get3A_243 : vector<1x16xf32> to vector<16xf32>
          %mul3A_245 = arith.mulf %add3A_240, %get3A_244 : vector<16xf32>
          %swap3A = arith.index_cast %scan3A_232 : i32 to index
          %swap3A_246 = arith.constant 0 : index
          %swap3A_247 = tpu.vector_load %arg21[%swap3A, %swap3A_246] {strides = array<i32>} : memref<40x128xf32, #tpu.memory_space<vmem>>, vector<1x16xf32>,
          %swap3A_248 = vector.shape_cast %swap3A_247 : vector<1x16xf32> to vector<16xf32>
          %swap3A_249 = vector.shape_cast %mul3A_245 : vector<16xf32> to vector<1x16xf32>
          tpu.vector_store %arg21[%swap3A, %swap3A_246], %swap3A_249 {strides = array<i32>} : memref<40x128xf32, #tpu.memory_space<vmem>>, vector<1x16xf32>,
          %get3A_250 = arith.index_cast %scan3A_232 : i32 to index
          %get3A_251 = arith.constant 16 : index
          %get3A_252 = tpu.vector_load %arg21[%get3A_250, %get3A_251] {strides = array<i32>} : memref<40x128xf32, #tpu.memory_space<vmem>>, vector<1x16xf32>,
          %get3A_253 = vector.shape_cast %get3A_252 : vector<1x16xf32> to vector<16xf32>
          %get3A_254 = arith.index_cast %scan3A_232 : i32 to index
          %get3A_255 = arith.constant 16 : index
          %get3A_256 = tpu.vector_load %arg24[%get3A_254, %get3A_255] {strides = array<i32>} : memref<40x128xf32, #tpu.memory_space<vmem>>, vector<1x16xf32>,
          %get3A_257 = vector.shape_cast %get3A_256 : vector<1x16xf32> to vector<16xf32>
          %add3A_258 = arith.addf %get3A_253, %get3A_257 : vector<16xf32>
          %get3A_259 = arith.index_cast %scan3A_232 : i32 to index
          %get3A_260 = arith.constant 16 : index
          %get3A_261 = tpu.vector_load %arg27[%get3A_259, %get3A_260] {strides = array<i32>} : memref<40x128xf32, #tpu.memory_space<vmem>>, vector<1x16xf32>,
          %get3A_262 = vector.shape_cast %get3A_261 : vector<1x16xf32> to vector<16xf32>
          %mul3A_263 = arith.mulf %add3A_258, %get3A_262 : vector<16xf32>
          %swap3A_264 = arith.index_cast %scan3A_232 : i32 to index
          %swap3A_265 = arith.constant 16 : index
          %swap3A_266 = tpu.vector_load %arg21[%swap3A_264, %swap3A_265] {strides = array<i32>} : memref<40x128xf32, #tpu.memory_space<vmem>>, vector<1x16xf32>,
          %swap3A_267 = vector.shape_cast %swap3A_266 : vector<1x16xf32> to vector<16xf32>
          %swap3A_268 = vector.shape_cast %mul3A_263 : vector<16xf32> to vector<1x16xf32>
          tpu.vector_store %arg21[%swap3A_264, %swap3A_265], %swap3A_268 {strides = array<i32>} : memref<40x128xf32, #tpu.memory_space<vmem>>, vector<1x16xf32>,
          %get3A_269 = arith.index_cast %scan3A_232 : i32 to index
          %get3A_270 = arith.constant 32 : index
          %get3A_271 = tpu.vector_load %arg21[%get3A_269, %get3A_270] {strides = array<i32>} : memref<40x128xf32, #tpu.memory_space<vmem>>, vector<1x16xf32>,
          %get3A_272 = vector.shape_cast %get3A_271 : vector<1x16xf32> to vector<16xf32>
          %get3A_273 = arith.index_cast %scan3A_232 : i32 to index
          %get3A_274 = arith.constant 32 : index
          %get3A_275 = tpu.vector_load %arg24[%get3A_273, %get3A_274] {strides = array<i32>} : memref<40x128xf32, #tpu.memory_space<vmem>>, vector<1x16xf32>,
          %get3A_276 = vector.shape_cast %get3A_275 : vector<1x16xf32> to vector<16xf32>
          %add3A_277 = arith.addf %get3A_272, %get3A_276 : vector<16xf32>
          %get3A_278 = arith.index_cast %scan3A_232 : i32 to index
          %get3A_279 = arith.constant 32 : index
          %get3A_280 = tpu.vector_load %arg27[%get3A_278, %get3A_279] {strides = array<i32>} : memref<40x128xf32, #tpu.memory_space<vmem>>, vector<1x16xf32>,
          %get3A_281 = vector.shape_cast %get3A_280 : vector<1x16xf32> to vector<16xf32>
          %mul3A_282 = arith.mulf %add3A_277, %get3A_281 : vector<16xf32>
          %swap3A_283 = arith.index_cast %scan3A_232 : i32 to index
          %swap3A_284 = arith.constant 32 : index
          %swap3A_285 = tpu.vector_load %arg21[%swap3A_283, %swap3A_284] {strides = array<i32>} : memref<40x128xf32, #tpu.memory_space<vmem>>, vector<1x16xf32>,
          %swap3A_286 = vector.shape_cast %swap3A_285 : vector<1x16xf32> to vector<16xf32>
          %swap3A_287 = vector.shape_cast %mul3A_282 : vector<16xf32> to vector<1x16xf32>
          tpu.vector_store %arg21[%swap3A_283, %swap3A_284], %swap3A_287 {strides = array<i32>} : memref<40x128xf32, #tpu.memory_space<vmem>>, vector<1x16xf32>,
          %get3A_288 = arith.index_cast %scan3A_232 : i32 to index
          %get3A_289 = arith.constant 48 : index
          %get3A_290 = tpu.vector_load %arg21[%get3A_288, %get3A_289] {strides = array<i32>} : memref<40x128xf32, #tpu.memory_space<vmem>>, vector<1x16xf32>,
          %get3A_291 = vector.shape_cast %get3A_290 : vector<1x16xf32> to vector<16xf32>
          %get3A_292 = arith.index_cast %scan3A_232 : i32 to index
          %get3A_293 = arith.constant 48 : index
          %get3A_294 = tpu.vector_load %arg24[%get3A_292, %get3A_293] {strides = array<i32>} : memref<40x128xf32, #tpu.memory_space<vmem>>, vector<1x16xf32>,
          %get3A_295 = vector.shape_cast %get3A_294 : vector<1x16xf32> to vector<16xf32>
          %add3A_296 = arith.addf %get3A_291, %get3A_295 : vector<16xf32>
          %get3A_297 = arith.index_cast %scan3A_232 : i32 to index
          %get3A_298 = arith.constant 48 : index
          %get3A_299 = tpu.vector_load %arg27[%get3A_297, %get3A_298] {strides = array<i32>} : memref<40x128xf32, #tpu.memory_space<vmem>>, vector<1x16xf32>,
          %get3A_300 = vector.shape_cast %get3A_299 : vector<1x16xf32> to vector<16xf32>
          %mul3A_301 = arith.mulf %add3A_296, %get3A_300 : vector<16xf32>
          %swap3A_302 = arith.index_cast %scan3A_232 : i32 to index
          %swap3A_303 = arith.constant 48 : index
          %swap3A_304 = tpu.vector_load %arg21[%swap3A_302, %swap3A_303] {strides = array<i32>} : memref<40x128xf32, #tpu.memory_space<vmem>>, vector<1x16xf32>,
          %swap3A_305 = vector.shape_cast %swap3A_304 : vector<1x16xf32> to vector<16xf32>
          %swap3A_306 = vector.shape_cast %mul3A_301 : vector<16xf32> to vector<1x16xf32>
          tpu.vector_store %arg21[%swap3A_302, %swap3A_303], %swap3A_306 {strides = array<i32>} : memref<40x128xf32, #tpu.memory_space<vmem>>, vector<1x16xf32>,
          %get3A_307 = arith.index_cast %scan3A_232 : i32 to index
          %get3A_308 = arith.constant 64 : index
          %get3A_309 = tpu.vector_load %arg21[%get3A_307, %get3A_308] {strides = array<i32>} : memref<40x128xf32, #tpu.memory_space<vmem>>, vector<1x16xf32>,
          %get3A_310 = vector.shape_cast %get3A_309 : vector<1x16xf32> to vector<16xf32>
          %get3A_311 = arith.index_cast %scan3A_232 : i32 to index
          %get3A_312 = arith.constant 64 : index
          %get3A_313 = tpu.vector_load %arg24[%get3A_311, %get3A_312] {strides = array<i32>} : memref<40x128xf32, #tpu.memory_space<vmem>>, vector<1x16xf32>,
          %get3A_314 = vector.shape_cast %get3A_313 : vector<1x16xf32> to vector<16xf32>
          %add3A_315 = arith.addf %get3A_310, %get3A_314 : vector<16xf32>
          %get3A_316 = arith.index_cast %scan3A_232 : i32 to index
          %get3A_317 = arith.constant 64 : index
          %get3A_318 = tpu.vector_load %arg27[%get3A_316, %get3A_317] {strides = array<i32>} : memref<40x128xf32, #tpu.memory_space<vmem>>, vector<1x16xf32>,
          %get3A_319 = vector.shape_cast %get3A_318 : vector<1x16xf32> to vector<16xf32>
          %mul3A_320 = arith.mulf %add3A_315, %get3A_319 : vector<16xf32>
          %swap3A_321 = arith.index_cast %scan3A_232 : i32 to index
          %swap3A_322 = arith.constant 64 : index
          %swap3A_323 = tpu.vector_load %arg21[%swap3A_321, %swap3A_322] {strides = array<i32>} : memref<40x128xf32, #tpu.memory_space<vmem>>, vector<1x16xf32>,
          %swap3A_324 = vector.shape_cast %swap3A_323 : vector<1x16xf32> to vector<16xf32>
          %swap3A_325 = vector.shape_cast %mul3A_320 : vector<16xf32> to vector<1x16xf32>
          tpu.vector_store %arg21[%swap3A_321, %swap3A_322], %swap3A_325 {strides = array<i32>} : memref<40x128xf32, #tpu.memory_space<vmem>>, vector<1x16xf32>,
          %get3A_326 = arith.index_cast %scan3A_232 : i32 to index
          %get3A_327 = arith.constant 80 : index
          %get3A_328 = tpu.vector_load %arg21[%get3A_326, %get3A_327] {strides = array<i32>} : memref<40x128xf32, #tpu.memory_space<vmem>>, vector<1x16xf32>,
          %get3A_329 = vector.shape_cast %get3A_328 : vector<1x16xf32> to vector<16xf32>
          %get3A_330 = arith.index_cast %scan3A_232 : i32 to index
          %get3A_331 = arith.constant 80 : index
          %get3A_332 = tpu.vector_load %arg24[%get3A_330, %get3A_331] {strides = array<i32>} : memref<40x128xf32, #tpu.memory_space<vmem>>, vector<1x16xf32>,
          %get3A_333 = vector.shape_cast %get3A_332 : vector<1x16xf32> to vector<16xf32>
          %add3A_334 = arith.addf %get3A_329, %get3A_333 : vector<16xf32>
          %get3A_335 = arith.index_cast %scan3A_232 : i32 to index
          %get3A_336 = arith.constant 80 : index
          %get3A_337 = tpu.vector_load %arg27[%get3A_335, %get3A_336] {strides = array<i32>} : memref<40x128xf32, #tpu.memory_space<vmem>>, vector<1x16xf32>,
          %get3A_338 = vector.shape_cast %get3A_337 : vector<1x16xf32> to vector<16xf32>
          %mul3A_339 = arith.mulf %add3A_334, %get3A_338 : vector<16xf32>
          %swap3A_340 = arith.index_cast %scan3A_232 : i32 to index
          %swap3A_341 = arith.constant 80 : index
          %swap3A_342 = tpu.vector_load %arg21[%swap3A_340, %swap3A_341] {strides = array<i32>} : memref<40x128xf32, #tpu.memory_space<vmem>>, vector<1x16xf32>,
          %swap3A_343 = vector.shape_cast %swap3A_342 : vector<1x16xf32> to vector<16xf32>
          %swap3A_344 = vector.shape_cast %mul3A_339 : vector<16xf32> to vector<1x16xf32>
          tpu.vector_store %arg21[%swap3A_340, %swap3A_341], %swap3A_344 {strides = array<i32>} : memref<40x128xf32, #tpu.memory_space<vmem>>, vector<1x16xf32>,
          %get3A_345 = arith.index_cast %scan3A_232 : i32 to index
          %get3A_346 = arith.constant 96 : index
          %get3A_347 = tpu.vector_load %arg21[%get3A_345, %get3A_346] {strides = array<i32>} : memref<40x128xf32, #tpu.memory_space<vmem>>, vector<1x16xf32>,
          %get3A_348 = vector.shape_cast %get3A_347 : vector<1x16xf32> to vector<16xf32>
          %get3A_349 = arith.index_cast %scan3A_232 : i32 to index
          %get3A_350 = arith.constant 96 : index
          %get3A_351 = tpu.vector_load %arg24[%get3A_349, %get3A_350] {strides = array<i32>} : memref<40x128xf32, #tpu.memory_space<vmem>>, vector<1x16xf32>,
          %get3A_352 = vector.shape_cast %get3A_351 : vector<1x16xf32> to vector<16xf32>
          %add3A_353 = arith.addf %get3A_348, %get3A_352 : vector<16xf32>
          %get3A_354 = arith.index_cast %scan3A_232 : i32 to index
          %get3A_355 = arith.constant 96 : index
          %get3A_356 = tpu.vector_load %arg27[%get3A_354, %get3A_355] {strides = array<i32>} : memref<40x128xf32, #tpu.memory_space<vmem>>, vector<1x16xf32>,
          %get3A_357 = vector.shape_cast %get3A_356 : vector<1x16xf32> to vector<16xf32>
          %mul3A_358 = arith.mulf %add3A_353, %get3A_357 : vector<16xf32>
          %swap3A_359 = arith.index_cast %scan3A_232 : i32 to index
          %swap3A_360 = arith.constant 96 : index
          %swap3A_361 = tpu.vector_load %arg21[%swap3A_359, %swap3A_360] {strides = array<i32>} : memref<40x128xf32, #tpu.memory_space<vmem>>, vector<1x16xf32>,
          %swap3A_362 = vector.shape_cast %swap3A_361 : vector<1x16xf32> to vector<16xf32>
          %swap3A_363 = vector.shape_cast %mul3A_358 : vector<16xf32> to vector<1x16xf32>
          tpu.vector_store %arg21[%swap3A_359, %swap3A_360], %swap3A_363 {strides = array<i32>} : memref<40x128xf32, #tpu.memory_space<vmem>>, vector<1x16xf32>,
          %get3A_364 = arith.index_cast %scan3A_232 : i32 to index
          %get3A_365 = arith.constant 112 : index
          %get3A_366 = tpu.vector_load %arg21[%get3A_364, %get3A_365] {strides = array<i32>} : memref<40x128xf32, #tpu.memory_space<vmem>>, vector<1x16xf32>,
          %get3A_367 = vector.shape_cast %get3A_366 : vector<1x16xf32> to vector<16xf32>
          %get3A_368 = arith.index_cast %scan3A_232 : i32 to index
          %get3A_369 = arith.constant 112 : index
          %get3A_370 = tpu.vector_load %arg24[%get3A_368, %get3A_369] {strides = array<i32>} : memref<40x128xf32, #tpu.memory_space<vmem>>, vector<1x16xf32>,
          %get3A_371 = vector.shape_cast %get3A_370 : vector<1x16xf32> to vector<16xf32>
          %add3A_372 = arith.addf %get3A_367, %get3A_371 : vector<16xf32>
          %get3A_373 = arith.index_cast %scan3A_232 : i32 to index
          %get3A_374 = arith.constant 112 : index
          %get3A_375 = tpu.vector_load %arg27[%get3A_373, %get3A_374] {strides = array<i32>} : memref<40x128xf32, #tpu.memory_space<vmem>>, vector<1x16xf32>,
          %get3A_376 = vector.shape_cast %get3A_375 : vector<1x16xf32> to vector<16xf32>
          %mul3A_377 = arith.mulf %add3A_372, %get3A_376 : vector<16xf32>
          %swap3A_378 = arith.index_cast %scan3A_232 : i32 to index
          %swap3A_379 = arith.constant 112 : index
          %swap3A_380 = tpu.vector_load %arg21[%swap3A_378, %swap3A_379] {strides = array<i32>} : memref<40x128xf32, #tpu.memory_space<vmem>>, vector<1x16xf32>,
          %swap3A_381 = vector.shape_cast %swap3A_380 : vector<1x16xf32> to vector<16xf32>
          %swap3A_382 = vector.shape_cast %mul3A_377 : vector<16xf32> to vector<1x16xf32>
          tpu.vector_store %arg21[%swap3A_378, %swap3A_379], %swap3A_382 {strides = array<i32>} : memref<40x128xf32, #tpu.memory_space<vmem>>, vector<1x16xf32>,
        }
        %scan3A_221 = arith.constant 40 : i32
        %mul3A_222 = arith.constant 40 : i32
        %mul3A_223 = arith.muli %add3A_137, %mul3A_222 : i32
        %add3A_224 = arith.addi %mul3A_2, %mul3A_223 : i32
        %dma_start3A_225 = arith.constant 0 : i32
        %dma_start3A_226 = tpu.memref_slice %arg7[%add3A_224, %dma_start3A_225] : memref<320000x128xf32, #tpu.memory_space<hbm>> -> memref<40x128xf32, #tpu.memory_space<hbm>>
        %dma_start3A_227 = arith.constant 0 : i32
        %dma_start3A_228 = tpu.memref_slice %arg7[%add3A_224, %dma_start3A_227] : memref<320000x128xf32, #tpu.memory_space<hbm>> -> memref<40x128xf32, #tpu.memory_space<hbm>>
        tpu.enqueue_dma source(%arg21 : memref<40x128xf32, #tpu.memory_space<vmem>>) target(%dma_start3A_228 : memref<40x128xf32, #tpu.memory_space<hbm>>) target_semaphore(%arg34 : memref<!tpu.dma_semaphore, #tpu.memory_space<semaphore_mem>>)
        %dma_start3A_229 = arith.constant 0 : i32
        %dma_start3A_230 = arith.constant 0 : i32
        %dma_start3A_231 = tpu.memref_slice %arg30[%dma_start3A_229, %dma_start3A_230] : memref<10112x128xf32, #tpu.memory_space<vmem_shared>> -> memref<10112x128xf32, #tpu.memory_space<vmem_shared>>
        tpu.enqueue_indirect_dma source(%arg21 : memref<40x128xf32, #tpu.memory_space<vmem>>) target(%dma_start3A_231 : memref<10112x128xf32, #tpu.memory_space<vmem_shared>>) offsets(%arg9 : memref<40xi32, #tpu.memory_space<vmem>>) semaphore(%arg37 : memref<!tpu.dma_semaphore, #tpu.memory_space<semaphore_mem>>) {add = true}
      } else {
      }
      %mul3A_140 = arith.constant 6 : i32
      %mul3A_141 = arith.muli %mul3A_140, %scan3A_133 : i32
      %add3A_142 = arith.constant 1 : i32
      %add3A_143 = arith.addi %mul3A_141, %add3A_142 : i32
      %le3A_144 = arith.constant 249 : i32
      %le3A_145 = arith.cmpi sle, %add3A_143, %le3A_144 : i32
      %convert_element_type3A_146 = arith.extui %le3A_145 : i1 to i32
      %cond3A_147 = arith.constant 0 : i32
      %cond3A_148 = arith.cmpi ne, %convert_element_type3A_146, %cond3A_147 : i32
      scf.if %cond3A_148 {
        %ge3A = arith.constant 1 : i32
        %ge3A_185 = arith.cmpi sge, %add3A_143, %ge3A : i32
        %convert_element_type3A_186 = arith.extui %ge3A_185 : i1 to i32
        %cond3A_187 = arith.constant 0 : i32
        %cond3A_188 = arith.cmpi ne, %convert_element_type3A_186, %cond3A_187 : i32
        scf.if %cond3A_188 {
          %sub3A = arith.constant 1 : i32
          %sub3A_232 = arith.subi %add3A_143, %sub3A : i32
          %mul3A_233 = arith.constant 40 : i32
          %mul3A_234 = arith.muli %sub3A_232, %mul3A_233 : i32
          %add3A_235 = arith.addi %mul3A_2, %mul3A_234 : i32
          %dma_wait3A_236 = arith.constant 0 : i32
          %dma_wait3A_237 = tpu.memref_slice %arg7[%add3A_235, %dma_wait3A_236] : memref<320000x128xf32, #tpu.memory_space<hbm>> -> memref<40x128xf32, #tpu.memory_space<hbm>>
          %dma_wait3A_238 = arith.constant 0 : i32
          %dma_wait3A_239 = tpu.memref_slice %arg7[%add3A_235, %dma_wait3A_238] : memref<320000x128xf32, #tpu.memory_space<hbm>> -> memref<40x128xf32, #tpu.memory_space<hbm>>
          tpu.wait_dma2 semaphore(%arg34 : memref<!tpu.dma_semaphore, #tpu.memory_space<semaphore_mem>>) src(%arg21 : memref<40x128xf32, #tpu.memory_space<vmem>>) dst(%dma_wait3A_239 : memref<40x128xf32, #tpu.memory_space<hbm>>)
          %dma_wait3A_240 = arith.constant 0 : i32
          %dma_wait3A_241 = arith.constant 0 : i32
          %dma_wait3A_242 = tpu.memref_slice %arg30[%dma_wait3A_240, %dma_wait3A_241] : memref<10112x128xf32, #tpu.memory_space<vmem_shared>> -> memref<10112x128xf32, #tpu.memory_space<vmem_shared>>
          tpu.wait_indirect_dma semaphore(%arg37 : memref<!tpu.dma_semaphore, #tpu.memory_space<semaphore_mem>>) src(%arg21 : memref<40x128xf32, #tpu.memory_space<vmem>>) dst(%dma_wait3A_242 : memref<10112x128xf32, #tpu.memory_space<vmem_shared>>)
        } else {
        }
        %add3A_189 = arith.constant 2 : i32
        %add3A_190 = arith.addi %add3A_143, %add3A_189 : i32
        %le3A_191 = arith.constant 249 : i32
        %le3A_192 = arith.cmpi sle, %add3A_190, %le3A_191 : i32
        %convert_element_type3A_193 = arith.extui %le3A_192 : i1 to i32
        %cond3A_194 = arith.constant 0 : i32
        %cond3A_195 = arith.cmpi ne, %convert_element_type3A_193, %cond3A_194 : i32
        scf.if %cond3A_195 {
          %add3A_232 = arith.constant 2 : i32
          %add3A_233 = arith.addi %add3A_143, %add3A_232 : i32
          %dma_wait3A_234 = arith.constant 0 : i32
          %dma_wait3A_235 = tpu.memref_slice %arg5[%add3A, %add3A_233, %dma_wait3A_234] : memref<32x250x40xi32, #tpu.memory_space<hbm>> -> memref<1x1x40xi32, #tpu.memory_space<hbm>>
          %dma_wait3A_236 = tpu.memref_squeeze %dma_wait3A_235 : memref<1x1x40xi32, #tpu.memory_space<hbm>> -> memref<40xi32, #tpu.memory_space<hbm>>
          %dma_wait3A_237 = arith.constant 0 : i32
          %dma_wait3A_238 = tpu.memref_slice %arg5[%add3A, %add3A_233, %dma_wait3A_237] : memref<32x250x40xi32, #tpu.memory_space<hbm>> -> memref<1x1x40xi32, #tpu.memory_space<hbm>>
          %dma_wait3A_239 = tpu.memref_squeeze %dma_wait3A_238 : memref<1x1x40xi32, #tpu.memory_space<hbm>> -> memref<40xi32, #tpu.memory_space<hbm>>
          tpu.wait_dma2 semaphore(%arg43 : memref<!tpu.dma_semaphore, #tpu.memory_space<semaphore_mem>>) src(%dma_wait3A_239 : memref<40xi32, #tpu.memory_space<hbm>>) dst(%arg12 : memref<40xi32, #tpu.memory_space<vmem>>)
          %dma_wait3A_240 = arith.constant 0 : i32
          %dma_wait3A_241 = tpu.memref_slice %arg6[%add3A, %add3A_233, %dma_wait3A_240] : memref<32x250x40xi32, #tpu.memory_space<hbm>> -> memref<1x1x40xi32, #tpu.memory_space<hbm>>
          %dma_wait3A_242 = tpu.memref_squeeze %dma_wait3A_241 : memref<1x1x40xi32, #tpu.memory_space<hbm>> -> memref<40xi32, #tpu.memory_space<hbm>>
          %dma_wait3A_243 = arith.constant 0 : i32
          %dma_wait3A_244 = tpu.memref_slice %arg6[%add3A, %add3A_233, %dma_wait3A_243] : memref<32x250x40xi32, #tpu.memory_space<hbm>> -> memref<1x1x40xi32, #tpu.memory_space<hbm>>
          %dma_wait3A_245 = tpu.memref_squeeze %dma_wait3A_244 : memref<1x1x40xi32, #tpu.memory_space<hbm>> -> memref<40xi32, #tpu.memory_space<hbm>>
          tpu.wait_dma2 semaphore(%arg43 : memref<!tpu.dma_semaphore, #tpu.memory_space<semaphore_mem>>) src(%dma_wait3A_245 : memref<40xi32, #tpu.memory_space<hbm>>) dst(%arg18 : memref<40xi32, #tpu.memory_space<vmem>>)
          %add3A_246 = arith.constant 2 : i32
          %add3A_247 = arith.addi %add3A_143, %add3A_246 : i32
          %dma_start3A_248 = arith.constant 0 : i32
          %dma_start3A_249 = arith.constant 0 : i32
          %dma_start3A_250 = tpu.memref_slice %arg2[%dma_start3A_248, %dma_start3A_249] : memref<10000x128xf32, #tpu.memory_space<hbm>> -> memref<10000x128xf32, #tpu.memory_space<hbm>>
          tpu.enqueue_indirect_dma source(%dma_start3A_250 : memref<10000x128xf32, #tpu.memory_space<hbm>>) target(%arg21 : memref<40x128xf32, #tpu.memory_space<vmem>>) offsets(%arg12 : memref<40xi32, #tpu.memory_space<vmem>>) semaphore(%arg31 : memref<!tpu.dma_semaphore, #tpu.memory_space<semaphore_mem>>)
          %dma_start3A_251 = arith.constant 0 : i32
          %dma_start3A_252 = arith.constant 0 : i32
          %dma_start3A_253 = tpu.memref_slice %arg3[%dma_start3A_251, %dma_start3A_252] : memref<10000x128xf32, #tpu.memory_space<hbm>> -> memref<10000x128xf32, #tpu.memory_space<hbm>>
          tpu.enqueue_indirect_dma source(%dma_start3A_253 : memref<10000x128xf32, #tpu.memory_space<hbm>>) target(%arg24 : memref<40x128xf32, #tpu.memory_space<vmem>>) offsets(%arg18 : memref<40xi32, #tpu.memory_space<vmem>>) semaphore(%arg31 : memref<!tpu.dma_semaphore, #tpu.memory_space<semaphore_mem>>)
          %mul3A_254 = arith.constant 40 : i32
          %mul3A_255 = arith.muli %add3A_247, %mul3A_254 : i32
          %add3A_256 = arith.addi %mul3A_2, %mul3A_255 : i32
          %dma_start3A_257 = arith.constant 0 : i32
          %dma_start3A_258 = tpu.memref_slice %arg4[%add3A_256, %dma_start3A_257] : memref<320000x128xf32, #tpu.memory_space<hbm>> -> memref<40x128xf32, #tpu.memory_space<hbm>>
          %dma_start3A_259 = arith.constant 0 : i32
          %dma_start3A_260 = tpu.memref_slice %arg4[%add3A_256, %dma_start3A_259] : memref<320000x128xf32, #tpu.memory_space<hbm>> -> memref<40x128xf32, #tpu.memory_space<hbm>>
          tpu.enqueue_dma source(%dma_start3A_260 : memref<40x128xf32, #tpu.memory_space<hbm>>) target(%arg27 : memref<40x128xf32, #tpu.memory_space<vmem>>) target_semaphore(%arg31 : memref<!tpu.dma_semaphore, #tpu.memory_space<semaphore_mem>>)
        } else {
        }
        %dma_wait3A_196 = arith.constant 0 : i32
        %dma_wait3A_197 = arith.constant 0 : i32
        %dma_wait3A_198 = tpu.memref_slice %arg2[%dma_wait3A_196, %dma_wait3A_197] : memref<10000x128xf32, #tpu.memory_space<hbm>> -> memref<10000x128xf32, #tpu.memory_space<hbm>>
        tpu.wait_indirect_dma semaphore(%arg32 : memref<!tpu.dma_semaphore, #tpu.memory_space<semaphore_mem>>) src(%dma_wait3A_198 : memref<10000x128xf32, #tpu.memory_space<hbm>>) dst(%arg22 : memref<40x128xf32, #tpu.memory_space<vmem>>)
        %dma_wait3A_199 = arith.constant 0 : i32
        %dma_wait3A_200 = arith.constant 0 : i32
        %dma_wait3A_201 = tpu.memref_slice %arg3[%dma_wait3A_199, %dma_wait3A_200] : memref<10000x128xf32, #tpu.memory_space<hbm>> -> memref<10000x128xf32, #tpu.memory_space<hbm>>
        tpu.wait_indirect_dma semaphore(%arg32 : memref<!tpu.dma_semaphore, #tpu.memory_space<semaphore_mem>>) src(%dma_wait3A_201 : memref<10000x128xf32, #tpu.memory_space<hbm>>) dst(%arg25 : memref<40x128xf32, #tpu.memory_space<vmem>>)
        %mul3A_202 = arith.constant 40 : i32
        %mul3A_203 = arith.muli %add3A_143, %mul3A_202 : i32
        %add3A_204 = arith.addi %mul3A_2, %mul3A_203 : i32
        %dma_wait3A_205 = arith.constant 0 : i32
        %dma_wait3A_206 = tpu.memref_slice %arg4[%add3A_204, %dma_wait3A_205] : memref<320000x128xf32, #tpu.memory_space<hbm>> -> memref<40x128xf32, #tpu.memory_space<hbm>>
        %dma_wait3A_207 = arith.constant 0 : i32
        %dma_wait3A_208 = tpu.memref_slice %arg4[%add3A_204, %dma_wait3A_207] : memref<320000x128xf32, #tpu.memory_space<hbm>> -> memref<40x128xf32, #tpu.memory_space<hbm>>
        tpu.wait_dma2 semaphore(%arg32 : memref<!tpu.dma_semaphore, #tpu.memory_space<semaphore_mem>>) src(%dma_wait3A_208 : memref<40x128xf32, #tpu.memory_space<hbm>>) dst(%arg28 : memref<40x128xf32, #tpu.memory_space<vmem>>)
        %add3A_209 = arith.constant 3 : i32
        %add3A_210 = arith.addi %add3A_143, %add3A_209 : i32
        %le3A_211 = arith.constant 249 : i32
        %le3A_212 = arith.cmpi sle, %add3A_210, %le3A_211 : i32
        %convert_element_type3A_213 = arith.extui %le3A_212 : i1 to i32
        %cond3A_214 = arith.constant 0 : i32
        %cond3A_215 = arith.cmpi ne, %convert_element_type3A_213, %cond3A_214 : i32
        scf.if %cond3A_215 {
          %add3A_232 = arith.constant 3 : i32
          %add3A_233 = arith.addi %add3A_143, %add3A_232 : i32
          %dma_start3A_234 = arith.constant 0 : i32
          %dma_start3A_235 = tpu.memref_slice %arg5[%add3A, %add3A_233, %dma_start3A_234] : memref<32x250x40xi32, #tpu.memory_space<hbm>> -> memref<1x1x40xi32, #tpu.memory_space<hbm>>
          %dma_start3A_236 = tpu.memref_squeeze %dma_start3A_235 : memref<1x1x40xi32, #tpu.memory_space<hbm>> -> memref<40xi32, #tpu.memory_space<hbm>>
          %dma_start3A_237 = arith.constant 0 : i32
          %dma_start3A_238 = tpu.memref_slice %arg5[%add3A, %add3A_233, %dma_start3A_237] : memref<32x250x40xi32, #tpu.memory_space<hbm>> -> memref<1x1x40xi32, #tpu.memory_space<hbm>>
          %dma_start3A_239 = tpu.memref_squeeze %dma_start3A_238 : memref<1x1x40xi32, #tpu.memory_space<hbm>> -> memref<40xi32, #tpu.memory_space<hbm>>
          tpu.enqueue_dma source(%dma_start3A_239 : memref<40xi32, #tpu.memory_space<hbm>>) target(%arg13 : memref<40xi32, #tpu.memory_space<vmem>>) target_semaphore(%arg44 : memref<!tpu.dma_semaphore, #tpu.memory_space<semaphore_mem>>)
          %dma_start3A_240 = arith.constant 0 : i32
          %dma_start3A_241 = tpu.memref_slice %arg6[%add3A, %add3A_233, %dma_start3A_240] : memref<32x250x40xi32, #tpu.memory_space<hbm>> -> memref<1x1x40xi32, #tpu.memory_space<hbm>>
          %dma_start3A_242 = tpu.memref_squeeze %dma_start3A_241 : memref<1x1x40xi32, #tpu.memory_space<hbm>> -> memref<40xi32, #tpu.memory_space<hbm>>
          %dma_start3A_243 = arith.constant 0 : i32
          %dma_start3A_244 = tpu.memref_slice %arg6[%add3A, %add3A_233, %dma_start3A_243] : memref<32x250x40xi32, #tpu.memory_space<hbm>> -> memref<1x1x40xi32, #tpu.memory_space<hbm>>
          %dma_start3A_245 = tpu.memref_squeeze %dma_start3A_244 : memref<1x1x40xi32, #tpu.memory_space<hbm>> -> memref<40xi32, #tpu.memory_space<hbm>>
          tpu.enqueue_dma source(%dma_start3A_245 : memref<40xi32, #tpu.memory_space<hbm>>) target(%arg19 : memref<40xi32, #tpu.memory_space<vmem>>) target_semaphore(%arg44 : memref<!tpu.dma_semaphore, #tpu.memory_space<semaphore_mem>>)
        } else {
        }
        %scan3A_216 = arith.constant 0 : i32
        %scan3A_217 = arith.constant 0 : i32
        %scan3A_218 = arith.constant 40 : i32
        %scan3A_219 = arith.addi %scan3A_217, %scan3A_218 : i32
        %scan3A_220 = arith.constant 1 : i32
        scf.for %scan3A_232 = %scan3A_217 to %scan3A_219 step %scan3A_220  : i32 {
          %get3A = arith.index_cast %scan3A_232 : i32 to index
          %get3A_233 = arith.constant 0 : index
          %get3A_234 = tpu.vector_load %arg22[%get3A, %get3A_233] {strides = array<i32>} : memref<40x128xf32, #tpu.memory_space<vmem>>, vector<1x16xf32>,
          %get3A_235 = vector.shape_cast %get3A_234 : vector<1x16xf32> to vector<16xf32>
          %get3A_236 = arith.index_cast %scan3A_232 : i32 to index
          %get3A_237 = arith.constant 0 : index
          %get3A_238 = tpu.vector_load %arg25[%get3A_236, %get3A_237] {strides = array<i32>} : memref<40x128xf32, #tpu.memory_space<vmem>>, vector<1x16xf32>,
          %get3A_239 = vector.shape_cast %get3A_238 : vector<1x16xf32> to vector<16xf32>
          %add3A_240 = arith.addf %get3A_235, %get3A_239 : vector<16xf32>
          %get3A_241 = arith.index_cast %scan3A_232 : i32 to index
          %get3A_242 = arith.constant 0 : index
          %get3A_243 = tpu.vector_load %arg28[%get3A_241, %get3A_242] {strides = array<i32>} : memref<40x128xf32, #tpu.memory_space<vmem>>, vector<1x16xf32>,
          %get3A_244 = vector.shape_cast %get3A_243 : vector<1x16xf32> to vector<16xf32>
          %mul3A_245 = arith.mulf %add3A_240, %get3A_244 : vector<16xf32>
          %swap3A = arith.index_cast %scan3A_232 : i32 to index
          %swap3A_246 = arith.constant 0 : index
          %swap3A_247 = tpu.vector_load %arg22[%swap3A, %swap3A_246] {strides = array<i32>} : memref<40x128xf32, #tpu.memory_space<vmem>>, vector<1x16xf32>,
          %swap3A_248 = vector.shape_cast %swap3A_247 : vector<1x16xf32> to vector<16xf32>
          %swap3A_249 = vector.shape_cast %mul3A_245 : vector<16xf32> to vector<1x16xf32>
          tpu.vector_store %arg22[%swap3A, %swap3A_246], %swap3A_249 {strides = array<i32>} : memref<40x128xf32, #tpu.memory_space<vmem>>, vector<1x16xf32>,
          %get3A_250 = arith.index_cast %scan3A_232 : i32 to index
          %get3A_251 = arith.constant 16 : index
          %get3A_252 = tpu.vector_load %arg22[%get3A_250, %get3A_251] {strides = array<i32>} : memref<40x128xf32, #tpu.memory_space<vmem>>, vector<1x16xf32>,
          %get3A_253 = vector.shape_cast %get3A_252 : vector<1x16xf32> to vector<16xf32>
          %get3A_254 = arith.index_cast %scan3A_232 : i32 to index
          %get3A_255 = arith.constant 16 : index
          %get3A_256 = tpu.vector_load %arg25[%get3A_254, %get3A_255] {strides = array<i32>} : memref<40x128xf32, #tpu.memory_space<vmem>>, vector<1x16xf32>,
          %get3A_257 = vector.shape_cast %get3A_256 : vector<1x16xf32> to vector<16xf32>
          %add3A_258 = arith.addf %get3A_253, %get3A_257 : vector<16xf32>
          %get3A_259 = arith.index_cast %scan3A_232 : i32 to index
          %get3A_260 = arith.constant 16 : index
          %get3A_261 = tpu.vector_load %arg28[%get3A_259, %get3A_260] {strides = array<i32>} : memref<40x128xf32, #tpu.memory_space<vmem>>, vector<1x16xf32>,
          %get3A_262 = vector.shape_cast %get3A_261 : vector<1x16xf32> to vector<16xf32>
          %mul3A_263 = arith.mulf %add3A_258, %get3A_262 : vector<16xf32>
          %swap3A_264 = arith.index_cast %scan3A_232 : i32 to index
          %swap3A_265 = arith.constant 16 : index
          %swap3A_266 = tpu.vector_load %arg22[%swap3A_264, %swap3A_265] {strides = array<i32>} : memref<40x128xf32, #tpu.memory_space<vmem>>, vector<1x16xf32>,
          %swap3A_267 = vector.shape_cast %swap3A_266 : vector<1x16xf32> to vector<16xf32>
          %swap3A_268 = vector.shape_cast %mul3A_263 : vector<16xf32> to vector<1x16xf32>
          tpu.vector_store %arg22[%swap3A_264, %swap3A_265], %swap3A_268 {strides = array<i32>} : memref<40x128xf32, #tpu.memory_space<vmem>>, vector<1x16xf32>,
          %get3A_269 = arith.index_cast %scan3A_232 : i32 to index
          %get3A_270 = arith.constant 32 : index
          %get3A_271 = tpu.vector_load %arg22[%get3A_269, %get3A_270] {strides = array<i32>} : memref<40x128xf32, #tpu.memory_space<vmem>>, vector<1x16xf32>,
          %get3A_272 = vector.shape_cast %get3A_271 : vector<1x16xf32> to vector<16xf32>
          %get3A_273 = arith.index_cast %scan3A_232 : i32 to index
          %get3A_274 = arith.constant 32 : index
          %get3A_275 = tpu.vector_load %arg25[%get3A_273, %get3A_274] {strides = array<i32>} : memref<40x128xf32, #tpu.memory_space<vmem>>, vector<1x16xf32>,
          %get3A_276 = vector.shape_cast %get3A_275 : vector<1x16xf32> to vector<16xf32>
          %add3A_277 = arith.addf %get3A_272, %get3A_276 : vector<16xf32>
          %get3A_278 = arith.index_cast %scan3A_232 : i32 to index
          %get3A_279 = arith.constant 32 : index
          %get3A_280 = tpu.vector_load %arg28[%get3A_278, %get3A_279] {strides = array<i32>} : memref<40x128xf32, #tpu.memory_space<vmem>>, vector<1x16xf32>,
          %get3A_281 = vector.shape_cast %get3A_280 : vector<1x16xf32> to vector<16xf32>
          %mul3A_282 = arith.mulf %add3A_277, %get3A_281 : vector<16xf32>
          %swap3A_283 = arith.index_cast %scan3A_232 : i32 to index
          %swap3A_284 = arith.constant 32 : index
          %swap3A_285 = tpu.vector_load %arg22[%swap3A_283, %swap3A_284] {strides = array<i32>} : memref<40x128xf32, #tpu.memory_space<vmem>>, vector<1x16xf32>,
          %swap3A_286 = vector.shape_cast %swap3A_285 : vector<1x16xf32> to vector<16xf32>
          %swap3A_287 = vector.shape_cast %mul3A_282 : vector<16xf32> to vector<1x16xf32>
          tpu.vector_store %arg22[%swap3A_283, %swap3A_284], %swap3A_287 {strides = array<i32>} : memref<40x128xf32, #tpu.memory_space<vmem>>, vector<1x16xf32>,
          %get3A_288 = arith.index_cast %scan3A_232 : i32 to index
          %get3A_289 = arith.constant 48 : index
          %get3A_290 = tpu.vector_load %arg22[%get3A_288, %get3A_289] {strides = array<i32>} : memref<40x128xf32, #tpu.memory_space<vmem>>, vector<1x16xf32>,
          %get3A_291 = vector.shape_cast %get3A_290 : vector<1x16xf32> to vector<16xf32>
          %get3A_292 = arith.index_cast %scan3A_232 : i32 to index
          %get3A_293 = arith.constant 48 : index
          %get3A_294 = tpu.vector_load %arg25[%get3A_292, %get3A_293] {strides = array<i32>} : memref<40x128xf32, #tpu.memory_space<vmem>>, vector<1x16xf32>,
          %get3A_295 = vector.shape_cast %get3A_294 : vector<1x16xf32> to vector<16xf32>
          %add3A_296 = arith.addf %get3A_291, %get3A_295 : vector<16xf32>
          %get3A_297 = arith.index_cast %scan3A_232 : i32 to index
          %get3A_298 = arith.constant 48 : index
          %get3A_299 = tpu.vector_load %arg28[%get3A_297, %get3A_298] {strides = array<i32>} : memref<40x128xf32, #tpu.memory_space<vmem>>, vector<1x16xf32>,
          %get3A_300 = vector.shape_cast %get3A_299 : vector<1x16xf32> to vector<16xf32>
          %mul3A_301 = arith.mulf %add3A_296, %get3A_300 : vector<16xf32>
          %swap3A_302 = arith.index_cast %scan3A_232 : i32 to index
          %swap3A_303 = arith.constant 48 : index
          %swap3A_304 = tpu.vector_load %arg22[%swap3A_302, %swap3A_303] {strides = array<i32>} : memref<40x128xf32, #tpu.memory_space<vmem>>, vector<1x16xf32>,
          %swap3A_305 = vector.shape_cast %swap3A_304 : vector<1x16xf32> to vector<16xf32>
          %swap3A_306 = vector.shape_cast %mul3A_301 : vector<16xf32> to vector<1x16xf32>
          tpu.vector_store %arg22[%swap3A_302, %swap3A_303], %swap3A_306 {strides = array<i32>} : memref<40x128xf32, #tpu.memory_space<vmem>>, vector<1x16xf32>,
          %get3A_307 = arith.index_cast %scan3A_232 : i32 to index
          %get3A_308 = arith.constant 64 : index
          %get3A_309 = tpu.vector_load %arg22[%get3A_307, %get3A_308] {strides = array<i32>} : memref<40x128xf32, #tpu.memory_space<vmem>>, vector<1x16xf32>,
          %get3A_310 = vector.shape_cast %get3A_309 : vector<1x16xf32> to vector<16xf32>
          %get3A_311 = arith.index_cast %scan3A_232 : i32 to index
          %get3A_312 = arith.constant 64 : index
          %get3A_313 = tpu.vector_load %arg25[%get3A_311, %get3A_312] {strides = array<i32>} : memref<40x128xf32, #tpu.memory_space<vmem>>, vector<1x16xf32>,
          %get3A_314 = vector.shape_cast %get3A_313 : vector<1x16xf32> to vector<16xf32>
          %add3A_315 = arith.addf %get3A_310, %get3A_314 : vector<16xf32>
          %get3A_316 = arith.index_cast %scan3A_232 : i32 to index
          %get3A_317 = arith.constant 64 : index
          %get3A_318 = tpu.vector_load %arg28[%get3A_316, %get3A_317] {strides = array<i32>} : memref<40x128xf32, #tpu.memory_space<vmem>>, vector<1x16xf32>,
          %get3A_319 = vector.shape_cast %get3A_318 : vector<1x16xf32> to vector<16xf32>
          %mul3A_320 = arith.mulf %add3A_315, %get3A_319 : vector<16xf32>
          %swap3A_321 = arith.index_cast %scan3A_232 : i32 to index
          %swap3A_322 = arith.constant 64 : index
          %swap3A_323 = tpu.vector_load %arg22[%swap3A_321, %swap3A_322] {strides = array<i32>} : memref<40x128xf32, #tpu.memory_space<vmem>>, vector<1x16xf32>,
          %swap3A_324 = vector.shape_cast %swap3A_323 : vector<1x16xf32> to vector<16xf32>
          %swap3A_325 = vector.shape_cast %mul3A_320 : vector<16xf32> to vector<1x16xf32>
          tpu.vector_store %arg22[%swap3A_321, %swap3A_322], %swap3A_325 {strides = array<i32>} : memref<40x128xf32, #tpu.memory_space<vmem>>, vector<1x16xf32>,
          %get3A_326 = arith.index_cast %scan3A_232 : i32 to index
          %get3A_327 = arith.constant 80 : index
          %get3A_328 = tpu.vector_load %arg22[%get3A_326, %get3A_327] {strides = array<i32>} : memref<40x128xf32, #tpu.memory_space<vmem>>, vector<1x16xf32>,
          %get3A_329 = vector.shape_cast %get3A_328 : vector<1x16xf32> to vector<16xf32>
          %get3A_330 = arith.index_cast %scan3A_232 : i32 to index
          %get3A_331 = arith.constant 80 : index
          %get3A_332 = tpu.vector_load %arg25[%get3A_330, %get3A_331] {strides = array<i32>} : memref<40x128xf32, #tpu.memory_space<vmem>>, vector<1x16xf32>,
          %get3A_333 = vector.shape_cast %get3A_332 : vector<1x16xf32> to vector<16xf32>
          %add3A_334 = arith.addf %get3A_329, %get3A_333 : vector<16xf32>
          %get3A_335 = arith.index_cast %scan3A_232 : i32 to index
          %get3A_336 = arith.constant 80 : index
          %get3A_337 = tpu.vector_load %arg28[%get3A_335, %get3A_336] {strides = array<i32>} : memref<40x128xf32, #tpu.memory_space<vmem>>, vector<1x16xf32>,
          %get3A_338 = vector.shape_cast %get3A_337 : vector<1x16xf32> to vector<16xf32>
          %mul3A_339 = arith.mulf %add3A_334, %get3A_338 : vector<16xf32>
          %swap3A_340 = arith.index_cast %scan3A_232 : i32 to index
          %swap3A_341 = arith.constant 80 : index
          %swap3A_342 = tpu.vector_load %arg22[%swap3A_340, %swap3A_341] {strides = array<i32>} : memref<40x128xf32, #tpu.memory_space<vmem>>, vector<1x16xf32>,
          %swap3A_343 = vector.shape_cast %swap3A_342 : vector<1x16xf32> to vector<16xf32>
          %swap3A_344 = vector.shape_cast %mul3A_339 : vector<16xf32> to vector<1x16xf32>
          tpu.vector_store %arg22[%swap3A_340, %swap3A_341], %swap3A_344 {strides = array<i32>} : memref<40x128xf32, #tpu.memory_space<vmem>>, vector<1x16xf32>,
          %get3A_345 = arith.index_cast %scan3A_232 : i32 to index
          %get3A_346 = arith.constant 96 : index
          %get3A_347 = tpu.vector_load %arg22[%get3A_345, %get3A_346] {strides = array<i32>} : memref<40x128xf32, #tpu.memory_space<vmem>>, vector<1x16xf32>,
          %get3A_348 = vector.shape_cast %get3A_347 : vector<1x16xf32> to vector<16xf32>
          %get3A_349 = arith.index_cast %scan3A_232 : i32 to index
          %get3A_350 = arith.constant 96 : index
          %get3A_351 = tpu.vector_load %arg25[%get3A_349, %get3A_350] {strides = array<i32>} : memref<40x128xf32, #tpu.memory_space<vmem>>, vector<1x16xf32>,
          %get3A_352 = vector.shape_cast %get3A_351 : vector<1x16xf32> to vector<16xf32>
          %add3A_353 = arith.addf %get3A_348, %get3A_352 : vector<16xf32>
          %get3A_354 = arith.index_cast %scan3A_232 : i32 to index
          %get3A_355 = arith.constant 96 : index
          %get3A_356 = tpu.vector_load %arg28[%get3A_354, %get3A_355] {strides = array<i32>} : memref<40x128xf32, #tpu.memory_space<vmem>>, vector<1x16xf32>,
          %get3A_357 = vector.shape_cast %get3A_356 : vector<1x16xf32> to vector<16xf32>
          %mul3A_358 = arith.mulf %add3A_353, %get3A_357 : vector<16xf32>
          %swap3A_359 = arith.index_cast %scan3A_232 : i32 to index
          %swap3A_360 = arith.constant 96 : index
          %swap3A_361 = tpu.vector_load %arg22[%swap3A_359, %swap3A_360] {strides = array<i32>} : memref<40x128xf32, #tpu.memory_space<vmem>>, vector<1x16xf32>,
          %swap3A_362 = vector.shape_cast %swap3A_361 : vector<1x16xf32> to vector<16xf32>
          %swap3A_363 = vector.shape_cast %mul3A_358 : vector<16xf32> to vector<1x16xf32>
          tpu.vector_store %arg22[%swap3A_359, %swap3A_360], %swap3A_363 {strides = array<i32>} : memref<40x128xf32, #tpu.memory_space<vmem>>, vector<1x16xf32>,
          %get3A_364 = arith.index_cast %scan3A_232 : i32 to index
          %get3A_365 = arith.constant 112 : index
          %get3A_366 = tpu.vector_load %arg22[%get3A_364, %get3A_365] {strides = array<i32>} : memref<40x128xf32, #tpu.memory_space<vmem>>, vector<1x16xf32>,
          %get3A_367 = vector.shape_cast %get3A_366 : vector<1x16xf32> to vector<16xf32>
          %get3A_368 = arith.index_cast %scan3A_232 : i32 to index
          %get3A_369 = arith.constant 112 : index
          %get3A_370 = tpu.vector_load %arg25[%get3A_368, %get3A_369] {strides = array<i32>} : memref<40x128xf32, #tpu.memory_space<vmem>>, vector<1x16xf32>,
          %get3A_371 = vector.shape_cast %get3A_370 : vector<1x16xf32> to vector<16xf32>
          %add3A_372 = arith.addf %get3A_367, %get3A_371 : vector<16xf32>
          %get3A_373 = arith.index_cast %scan3A_232 : i32 to index
          %get3A_374 = arith.constant 112 : index
          %get3A_375 = tpu.vector_load %arg28[%get3A_373, %get3A_374] {strides = array<i32>} : memref<40x128xf32, #tpu.memory_space<vmem>>, vector<1x16xf32>,
          %get3A_376 = vector.shape_cast %get3A_375 : vector<1x16xf32> to vector<16xf32>
          %mul3A_377 = arith.mulf %add3A_372, %get3A_376 : vector<16xf32>
          %swap3A_378 = arith.index_cast %scan3A_232 : i32 to index
          %swap3A_379 = arith.constant 112 : index
          %swap3A_380 = tpu.vector_load %arg22[%swap3A_378, %swap3A_379] {strides = array<i32>} : memref<40x128xf32, #tpu.memory_space<vmem>>, vector<1x16xf32>,
          %swap3A_381 = vector.shape_cast %swap3A_380 : vector<1x16xf32> to vector<16xf32>
          %swap3A_382 = vector.shape_cast %mul3A_377 : vector<16xf32> to vector<1x16xf32>
          tpu.vector_store %arg22[%swap3A_378, %swap3A_379], %swap3A_382 {strides = array<i32>} : memref<40x128xf32, #tpu.memory_space<vmem>>, vector<1x16xf32>,
        }
        %scan3A_221 = arith.constant 40 : i32
        %mul3A_222 = arith.constant 40 : i32
        %mul3A_223 = arith.muli %add3A_143, %mul3A_222 : i32
        %add3A_224 = arith.addi %mul3A_2, %mul3A_223 : i32
        %dma_start3A_225 = arith.constant 0 : i32
        %dma_start3A_226 = tpu.memref_slice %arg7[%add3A_224, %dma_start3A_225] : memref<320000x128xf32, #tpu.memory_space<hbm>> -> memref<40x128xf32, #tpu.memory_space<hbm>>
        %dma_start3A_227 = arith.constant 0 : i32
        %dma_start3A_228 = tpu.memref_slice %arg7[%add3A_224, %dma_start3A_227] : memref<320000x128xf32, #tpu.memory_space<hbm>> -> memref<40x128xf32, #tpu.memory_space<hbm>>
        tpu.enqueue_dma source(%arg22 : memref<40x128xf32, #tpu.memory_space<vmem>>) target(%dma_start3A_228 : memref<40x128xf32, #tpu.memory_space<hbm>>) target_semaphore(%arg35 : memref<!tpu.dma_semaphore, #tpu.memory_space<semaphore_mem>>)
        %dma_start3A_229 = arith.constant 0 : i32
        %dma_start3A_230 = arith.constant 0 : i32
        %dma_start3A_231 = tpu.memref_slice %arg30[%dma_start3A_229, %dma_start3A_230] : memref<10112x128xf32, #tpu.memory_space<vmem_shared>> -> memref<10112x128xf32, #tpu.memory_space<vmem_shared>>
        tpu.enqueue_indirect_dma source(%arg22 : memref<40x128xf32, #tpu.memory_space<vmem>>) target(%dma_start3A_231 : memref<10112x128xf32, #tpu.memory_space<vmem_shared>>) offsets(%arg10 : memref<40xi32, #tpu.memory_space<vmem>>) semaphore(%arg38 : memref<!tpu.dma_semaphore, #tpu.memory_space<semaphore_mem>>) {add = true}
      } else {
      }
      %mul3A_149 = arith.constant 6 : i32
      %mul3A_150 = arith.muli %mul3A_149, %scan3A_133 : i32
      %add3A_151 = arith.constant 2 : i32
      %add3A_152 = arith.addi %mul3A_150, %add3A_151 : i32
      %le3A_153 = arith.constant 249 : i32
      %le3A_154 = arith.cmpi sle, %add3A_152, %le3A_153 : i32
      %convert_element_type3A_155 = arith.extui %le3A_154 : i1 to i32
      %cond3A_156 = arith.constant 0 : i32
      %cond3A_157 = arith.cmpi ne, %convert_element_type3A_155, %cond3A_156 : i32
      scf.if %cond3A_157 {
        %ge3A = arith.constant 1 : i32
        %ge3A_185 = arith.cmpi sge, %add3A_152, %ge3A : i32
        %convert_element_type3A_186 = arith.extui %ge3A_185 : i1 to i32
        %cond3A_187 = arith.constant 0 : i32
        %cond3A_188 = arith.cmpi ne, %convert_element_type3A_186, %cond3A_187 : i32
        scf.if %cond3A_188 {
          %sub3A = arith.constant 1 : i32
          %sub3A_232 = arith.subi %add3A_152, %sub3A : i32
          %mul3A_233 = arith.constant 40 : i32
          %mul3A_234 = arith.muli %sub3A_232, %mul3A_233 : i32
          %add3A_235 = arith.addi %mul3A_2, %mul3A_234 : i32
          %dma_wait3A_236 = arith.constant 0 : i32
          %dma_wait3A_237 = tpu.memref_slice %arg7[%add3A_235, %dma_wait3A_236] : memref<320000x128xf32, #tpu.memory_space<hbm>> -> memref<40x128xf32, #tpu.memory_space<hbm>>
          %dma_wait3A_238 = arith.constant 0 : i32
          %dma_wait3A_239 = tpu.memref_slice %arg7[%add3A_235, %dma_wait3A_238] : memref<320000x128xf32, #tpu.memory_space<hbm>> -> memref<40x128xf32, #tpu.memory_space<hbm>>
          tpu.wait_dma2 semaphore(%arg35 : memref<!tpu.dma_semaphore, #tpu.memory_space<semaphore_mem>>) src(%arg22 : memref<40x128xf32, #tpu.memory_space<vmem>>) dst(%dma_wait3A_239 : memref<40x128xf32, #tpu.memory_space<hbm>>)
          %dma_wait3A_240 = arith.constant 0 : i32
          %dma_wait3A_241 = arith.constant 0 : i32
          %dma_wait3A_242 = tpu.memref_slice %arg30[%dma_wait3A_240, %dma_wait3A_241] : memref<10112x128xf32, #tpu.memory_space<vmem_shared>> -> memref<10112x128xf32, #tpu.memory_space<vmem_shared>>
          tpu.wait_indirect_dma semaphore(%arg38 : memref<!tpu.dma_semaphore, #tpu.memory_space<semaphore_mem>>) src(%arg22 : memref<40x128xf32, #tpu.memory_space<vmem>>) dst(%dma_wait3A_242 : memref<10112x128xf32, #tpu.memory_space<vmem_shared>>)
        } else {
        }
        %add3A_189 = arith.constant 2 : i32
        %add3A_190 = arith.addi %add3A_152, %add3A_189 : i32
        %le3A_191 = arith.constant 249 : i32
        %le3A_192 = arith.cmpi sle, %add3A_190, %le3A_191 : i32
        %convert_element_type3A_193 = arith.extui %le3A_192 : i1 to i32
        %cond3A_194 = arith.constant 0 : i32
        %cond3A_195 = arith.cmpi ne, %convert_element_type3A_193, %cond3A_194 : i32
        scf.if %cond3A_195 {
          %add3A_232 = arith.constant 2 : i32
          %add3A_233 = arith.addi %add3A_152, %add3A_232 : i32
          %dma_wait3A_234 = arith.constant 0 : i32
          %dma_wait3A_235 = tpu.memref_slice %arg5[%add3A, %add3A_233, %dma_wait3A_234] : memref<32x250x40xi32, #tpu.memory_space<hbm>> -> memref<1x1x40xi32, #tpu.memory_space<hbm>>
          %dma_wait3A_236 = tpu.memref_squeeze %dma_wait3A_235 : memref<1x1x40xi32, #tpu.memory_space<hbm>> -> memref<40xi32, #tpu.memory_space<hbm>>
          %dma_wait3A_237 = arith.constant 0 : i32
          %dma_wait3A_238 = tpu.memref_slice %arg5[%add3A, %add3A_233, %dma_wait3A_237] : memref<32x250x40xi32, #tpu.memory_space<hbm>> -> memref<1x1x40xi32, #tpu.memory_space<hbm>>
          %dma_wait3A_239 = tpu.memref_squeeze %dma_wait3A_238 : memref<1x1x40xi32, #tpu.memory_space<hbm>> -> memref<40xi32, #tpu.memory_space<hbm>>
          tpu.wait_dma2 semaphore(%arg44 : memref<!tpu.dma_semaphore, #tpu.memory_space<semaphore_mem>>) src(%dma_wait3A_239 : memref<40xi32, #tpu.memory_space<hbm>>) dst(%arg13 : memref<40xi32, #tpu.memory_space<vmem>>)
          %dma_wait3A_240 = arith.constant 0 : i32
          %dma_wait3A_241 = tpu.memref_slice %arg6[%add3A, %add3A_233, %dma_wait3A_240] : memref<32x250x40xi32, #tpu.memory_space<hbm>> -> memref<1x1x40xi32, #tpu.memory_space<hbm>>
          %dma_wait3A_242 = tpu.memref_squeeze %dma_wait3A_241 : memref<1x1x40xi32, #tpu.memory_space<hbm>> -> memref<40xi32, #tpu.memory_space<hbm>>
          %dma_wait3A_243 = arith.constant 0 : i32
          %dma_wait3A_244 = tpu.memref_slice %arg6[%add3A, %add3A_233, %dma_wait3A_243] : memref<32x250x40xi32, #tpu.memory_space<hbm>> -> memref<1x1x40xi32, #tpu.memory_space<hbm>>
          %dma_wait3A_245 = tpu.memref_squeeze %dma_wait3A_244 : memref<1x1x40xi32, #tpu.memory_space<hbm>> -> memref<40xi32, #tpu.memory_space<hbm>>
          tpu.wait_dma2 semaphore(%arg44 : memref<!tpu.dma_semaphore, #tpu.memory_space<semaphore_mem>>) src(%dma_wait3A_245 : memref<40xi32, #tpu.memory_space<hbm>>) dst(%arg19 : memref<40xi32, #tpu.memory_space<vmem>>)
          %add3A_246 = arith.constant 2 : i32
          %add3A_247 = arith.addi %add3A_152, %add3A_246 : i32
          %dma_start3A_248 = arith.constant 0 : i32
          %dma_start3A_249 = arith.constant 0 : i32
          %dma_start3A_250 = tpu.memref_slice %arg2[%dma_start3A_248, %dma_start3A_249] : memref<10000x128xf32, #tpu.memory_space<hbm>> -> memref<10000x128xf32, #tpu.memory_space<hbm>>
          tpu.enqueue_indirect_dma source(%dma_start3A_250 : memref<10000x128xf32, #tpu.memory_space<hbm>>) target(%arg22 : memref<40x128xf32, #tpu.memory_space<vmem>>) offsets(%arg13 : memref<40xi32, #tpu.memory_space<vmem>>) semaphore(%arg32 : memref<!tpu.dma_semaphore, #tpu.memory_space<semaphore_mem>>)
          %dma_start3A_251 = arith.constant 0 : i32
          %dma_start3A_252 = arith.constant 0 : i32
          %dma_start3A_253 = tpu.memref_slice %arg3[%dma_start3A_251, %dma_start3A_252] : memref<10000x128xf32, #tpu.memory_space<hbm>> -> memref<10000x128xf32, #tpu.memory_space<hbm>>
          tpu.enqueue_indirect_dma source(%dma_start3A_253 : memref<10000x128xf32, #tpu.memory_space<hbm>>) target(%arg25 : memref<40x128xf32, #tpu.memory_space<vmem>>) offsets(%arg19 : memref<40xi32, #tpu.memory_space<vmem>>) semaphore(%arg32 : memref<!tpu.dma_semaphore, #tpu.memory_space<semaphore_mem>>)
          %mul3A_254 = arith.constant 40 : i32
          %mul3A_255 = arith.muli %add3A_247, %mul3A_254 : i32
          %add3A_256 = arith.addi %mul3A_2, %mul3A_255 : i32
          %dma_start3A_257 = arith.constant 0 : i32
          %dma_start3A_258 = tpu.memref_slice %arg4[%add3A_256, %dma_start3A_257] : memref<320000x128xf32, #tpu.memory_space<hbm>> -> memref<40x128xf32, #tpu.memory_space<hbm>>
          %dma_start3A_259 = arith.constant 0 : i32
          %dma_start3A_260 = tpu.memref_slice %arg4[%add3A_256, %dma_start3A_259] : memref<320000x128xf32, #tpu.memory_space<hbm>> -> memref<40x128xf32, #tpu.memory_space<hbm>>
          tpu.enqueue_dma source(%dma_start3A_260 : memref<40x128xf32, #tpu.memory_space<hbm>>) target(%arg28 : memref<40x128xf32, #tpu.memory_space<vmem>>) target_semaphore(%arg32 : memref<!tpu.dma_semaphore, #tpu.memory_space<semaphore_mem>>)
        } else {
        }
        %dma_wait3A_196 = arith.constant 0 : i32
        %dma_wait3A_197 = arith.constant 0 : i32
        %dma_wait3A_198 = tpu.memref_slice %arg2[%dma_wait3A_196, %dma_wait3A_197] : memref<10000x128xf32, #tpu.memory_space<hbm>> -> memref<10000x128xf32, #tpu.memory_space<hbm>>
        tpu.wait_indirect_dma semaphore(%arg33 : memref<!tpu.dma_semaphore, #tpu.memory_space<semaphore_mem>>) src(%dma_wait3A_198 : memref<10000x128xf32, #tpu.memory_space<hbm>>) dst(%arg23 : memref<40x128xf32, #tpu.memory_space<vmem>>)
        %dma_wait3A_199 = arith.constant 0 : i32
        %dma_wait3A_200 = arith.constant 0 : i32
        %dma_wait3A_201 = tpu.memref_slice %arg3[%dma_wait3A_199, %dma_wait3A_200] : memref<10000x128xf32, #tpu.memory_space<hbm>> -> memref<10000x128xf32, #tpu.memory_space<hbm>>
        tpu.wait_indirect_dma semaphore(%arg33 : memref<!tpu.dma_semaphore, #tpu.memory_space<semaphore_mem>>) src(%dma_wait3A_201 : memref<10000x128xf32, #tpu.memory_space<hbm>>) dst(%arg26 : memref<40x128xf32, #tpu.memory_space<vmem>>)
        %mul3A_202 = arith.constant 40 : i32
        %mul3A_203 = arith.muli %add3A_152, %mul3A_202 : i32
        %add3A_204 = arith.addi %mul3A_2, %mul3A_203 : i32
        %dma_wait3A_205 = arith.constant 0 : i32
        %dma_wait3A_206 = tpu.memref_slice %arg4[%add3A_204, %dma_wait3A_205] : memref<320000x128xf32, #tpu.memory_space<hbm>> -> memref<40x128xf32, #tpu.memory_space<hbm>>
        %dma_wait3A_207 = arith.constant 0 : i32
        %dma_wait3A_208 = tpu.memref_slice %arg4[%add3A_204, %dma_wait3A_207] : memref<320000x128xf32, #tpu.memory_space<hbm>> -> memref<40x128xf32, #tpu.memory_space<hbm>>
        tpu.wait_dma2 semaphore(%arg33 : memref<!tpu.dma_semaphore, #tpu.memory_space<semaphore_mem>>) src(%dma_wait3A_208 : memref<40x128xf32, #tpu.memory_space<hbm>>) dst(%arg29 : memref<40x128xf32, #tpu.memory_space<vmem>>)
        %add3A_209 = arith.constant 3 : i32
        %add3A_210 = arith.addi %add3A_152, %add3A_209 : i32
        %le3A_211 = arith.constant 249 : i32
        %le3A_212 = arith.cmpi sle, %add3A_210, %le3A_211 : i32
        %convert_element_type3A_213 = arith.extui %le3A_212 : i1 to i32
        %cond3A_214 = arith.constant 0 : i32
        %cond3A_215 = arith.cmpi ne, %convert_element_type3A_213, %cond3A_214 : i32
        scf.if %cond3A_215 {
          %add3A_232 = arith.constant 3 : i32
          %add3A_233 = arith.addi %add3A_152, %add3A_232 : i32
          %dma_start3A_234 = arith.constant 0 : i32
          %dma_start3A_235 = tpu.memref_slice %arg5[%add3A, %add3A_233, %dma_start3A_234] : memref<32x250x40xi32, #tpu.memory_space<hbm>> -> memref<1x1x40xi32, #tpu.memory_space<hbm>>
          %dma_start3A_236 = tpu.memref_squeeze %dma_start3A_235 : memref<1x1x40xi32, #tpu.memory_space<hbm>> -> memref<40xi32, #tpu.memory_space<hbm>>
          %dma_start3A_237 = arith.constant 0 : i32
          %dma_start3A_238 = tpu.memref_slice %arg5[%add3A, %add3A_233, %dma_start3A_237] : memref<32x250x40xi32, #tpu.memory_space<hbm>> -> memref<1x1x40xi32, #tpu.memory_space<hbm>>
          %dma_start3A_239 = tpu.memref_squeeze %dma_start3A_238 : memref<1x1x40xi32, #tpu.memory_space<hbm>> -> memref<40xi32, #tpu.memory_space<hbm>>
          tpu.enqueue_dma source(%dma_start3A_239 : memref<40xi32, #tpu.memory_space<hbm>>) target(%arg14 : memref<40xi32, #tpu.memory_space<vmem>>) target_semaphore(%arg45 : memref<!tpu.dma_semaphore, #tpu.memory_space<semaphore_mem>>)
          %dma_start3A_240 = arith.constant 0 : i32
          %dma_start3A_241 = tpu.memref_slice %arg6[%add3A, %add3A_233, %dma_start3A_240] : memref<32x250x40xi32, #tpu.memory_space<hbm>> -> memref<1x1x40xi32, #tpu.memory_space<hbm>>
          %dma_start3A_242 = tpu.memref_squeeze %dma_start3A_241 : memref<1x1x40xi32, #tpu.memory_space<hbm>> -> memref<40xi32, #tpu.memory_space<hbm>>
          %dma_start3A_243 = arith.constant 0 : i32
          %dma_start3A_244 = tpu.memref_slice %arg6[%add3A, %add3A_233, %dma_start3A_243] : memref<32x250x40xi32, #tpu.memory_space<hbm>> -> memref<1x1x40xi32, #tpu.memory_space<hbm>>
          %dma_start3A_245 = tpu.memref_squeeze %dma_start3A_244 : memref<1x1x40xi32, #tpu.memory_space<hbm>> -> memref<40xi32, #tpu.memory_space<hbm>>
          tpu.enqueue_dma source(%dma_start3A_245 : memref<40xi32, #tpu.memory_space<hbm>>) target(%arg20 : memref<40xi32, #tpu.memory_space<vmem>>) target_semaphore(%arg45 : memref<!tpu.dma_semaphore, #tpu.memory_space<semaphore_mem>>)
        } else {
        }
        %scan3A_216 = arith.constant 0 : i32
        %scan3A_217 = arith.constant 0 : i32
        %scan3A_218 = arith.constant 40 : i32
        %scan3A_219 = arith.addi %scan3A_217, %scan3A_218 : i32
        %scan3A_220 = arith.constant 1 : i32
        scf.for %scan3A_232 = %scan3A_217 to %scan3A_219 step %scan3A_220  : i32 {
          %get3A = arith.index_cast %scan3A_232 : i32 to index
          %get3A_233 = arith.constant 0 : index
          %get3A_234 = tpu.vector_load %arg23[%get3A, %get3A_233] {strides = array<i32>} : memref<40x128xf32, #tpu.memory_space<vmem>>, vector<1x16xf32>,
          %get3A_235 = vector.shape_cast %get3A_234 : vector<1x16xf32> to vector<16xf32>
          %get3A_236 = arith.index_cast %scan3A_232 : i32 to index
          %get3A_237 = arith.constant 0 : index
          %get3A_238 = tpu.vector_load %arg26[%get3A_236, %get3A_237] {strides = array<i32>} : memref<40x128xf32, #tpu.memory_space<vmem>>, vector<1x16xf32>,
          %get3A_239 = vector.shape_cast %get3A_238 : vector<1x16xf32> to vector<16xf32>
          %add3A_240 = arith.addf %get3A_235, %get3A_239 : vector<16xf32>
          %get3A_241 = arith.index_cast %scan3A_232 : i32 to index
          %get3A_242 = arith.constant 0 : index
          %get3A_243 = tpu.vector_load %arg29[%get3A_241, %get3A_242] {strides = array<i32>} : memref<40x128xf32, #tpu.memory_space<vmem>>, vector<1x16xf32>,
          %get3A_244 = vector.shape_cast %get3A_243 : vector<1x16xf32> to vector<16xf32>
          %mul3A_245 = arith.mulf %add3A_240, %get3A_244 : vector<16xf32>
          %swap3A = arith.index_cast %scan3A_232 : i32 to index
          %swap3A_246 = arith.constant 0 : index
          %swap3A_247 = tpu.vector_load %arg23[%swap3A, %swap3A_246] {strides = array<i32>} : memref<40x128xf32, #tpu.memory_space<vmem>>, vector<1x16xf32>,
          %swap3A_248 = vector.shape_cast %swap3A_247 : vector<1x16xf32> to vector<16xf32>
          %swap3A_249 = vector.shape_cast %mul3A_245 : vector<16xf32> to vector<1x16xf32>
          tpu.vector_store %arg23[%swap3A, %swap3A_246], %swap3A_249 {strides = array<i32>} : memref<40x128xf32, #tpu.memory_space<vmem>>, vector<1x16xf32>,
          %get3A_250 = arith.index_cast %scan3A_232 : i32 to index
          %get3A_251 = arith.constant 16 : index
          %get3A_252 = tpu.vector_load %arg23[%get3A_250, %get3A_251] {strides = array<i32>} : memref<40x128xf32, #tpu.memory_space<vmem>>, vector<1x16xf32>,
          %get3A_253 = vector.shape_cast %get3A_252 : vector<1x16xf32> to vector<16xf32>
          %get3A_254 = arith.index_cast %scan3A_232 : i32 to index
          %get3A_255 = arith.constant 16 : index
          %get3A_256 = tpu.vector_load %arg26[%get3A_254, %get3A_255] {strides = array<i32>} : memref<40x128xf32, #tpu.memory_space<vmem>>, vector<1x16xf32>,
          %get3A_257 = vector.shape_cast %get3A_256 : vector<1x16xf32> to vector<16xf32>
          %add3A_258 = arith.addf %get3A_253, %get3A_257 : vector<16xf32>
          %get3A_259 = arith.index_cast %scan3A_232 : i32 to index
          %get3A_260 = arith.constant 16 : index
          %get3A_261 = tpu.vector_load %arg29[%get3A_259, %get3A_260] {strides = array<i32>} : memref<40x128xf32, #tpu.memory_space<vmem>>, vector<1x16xf32>,
          %get3A_262 = vector.shape_cast %get3A_261 : vector<1x16xf32> to vector<16xf32>
          %mul3A_263 = arith.mulf %add3A_258, %get3A_262 : vector<16xf32>
          %swap3A_264 = arith.index_cast %scan3A_232 : i32 to index
          %swap3A_265 = arith.constant 16 : index
          %swap3A_266 = tpu.vector_load %arg23[%swap3A_264, %swap3A_265] {strides = array<i32>} : memref<40x128xf32, #tpu.memory_space<vmem>>, vector<1x16xf32>,
          %swap3A_267 = vector.shape_cast %swap3A_266 : vector<1x16xf32> to vector<16xf32>
          %swap3A_268 = vector.shape_cast %mul3A_263 : vector<16xf32> to vector<1x16xf32>
          tpu.vector_store %arg23[%swap3A_264, %swap3A_265], %swap3A_268 {strides = array<i32>} : memref<40x128xf32, #tpu.memory_space<vmem>>, vector<1x16xf32>,
          %get3A_269 = arith.index_cast %scan3A_232 : i32 to index
          %get3A_270 = arith.constant 32 : index
          %get3A_271 = tpu.vector_load %arg23[%get3A_269, %get3A_270] {strides = array<i32>} : memref<40x128xf32, #tpu.memory_space<vmem>>, vector<1x16xf32>,
          %get3A_272 = vector.shape_cast %get3A_271 : vector<1x16xf32> to vector<16xf32>
          %get3A_273 = arith.index_cast %scan3A_232 : i32 to index
          %get3A_274 = arith.constant 32 : index
          %get3A_275 = tpu.vector_load %arg26[%get3A_273, %get3A_274] {strides = array<i32>} : memref<40x128xf32, #tpu.memory_space<vmem>>, vector<1x16xf32>,
          %get3A_276 = vector.shape_cast %get3A_275 : vector<1x16xf32> to vector<16xf32>
          %add3A_277 = arith.addf %get3A_272, %get3A_276 : vector<16xf32>
          %get3A_278 = arith.index_cast %scan3A_232 : i32 to index
          %get3A_279 = arith.constant 32 : index
          %get3A_280 = tpu.vector_load %arg29[%get3A_278, %get3A_279] {strides = array<i32>} : memref<40x128xf32, #tpu.memory_space<vmem>>, vector<1x16xf32>,
          %get3A_281 = vector.shape_cast %get3A_280 : vector<1x16xf32> to vector<16xf32>
          %mul3A_282 = arith.mulf %add3A_277, %get3A_281 : vector<16xf32>
          %swap3A_283 = arith.index_cast %scan3A_232 : i32 to index
          %swap3A_284 = arith.constant 32 : index
          %swap3A_285 = tpu.vector_load %arg23[%swap3A_283, %swap3A_284] {strides = array<i32>} : memref<40x128xf32, #tpu.memory_space<vmem>>, vector<1x16xf32>,
          %swap3A_286 = vector.shape_cast %swap3A_285 : vector<1x16xf32> to vector<16xf32>
          %swap3A_287 = vector.shape_cast %mul3A_282 : vector<16xf32> to vector<1x16xf32>
          tpu.vector_store %arg23[%swap3A_283, %swap3A_284], %swap3A_287 {strides = array<i32>} : memref<40x128xf32, #tpu.memory_space<vmem>>, vector<1x16xf32>,
          %get3A_288 = arith.index_cast %scan3A_232 : i32 to index
          %get3A_289 = arith.constant 48 : index
          %get3A_290 = tpu.vector_load %arg23[%get3A_288, %get3A_289] {strides = array<i32>} : memref<40x128xf32, #tpu.memory_space<vmem>>, vector<1x16xf32>,
          %get3A_291 = vector.shape_cast %get3A_290 : vector<1x16xf32> to vector<16xf32>
          %get3A_292 = arith.index_cast %scan3A_232 : i32 to index
          %get3A_293 = arith.constant 48 : index
          %get3A_294 = tpu.vector_load %arg26[%get3A_292, %get3A_293] {strides = array<i32>} : memref<40x128xf32, #tpu.memory_space<vmem>>, vector<1x16xf32>,
          %get3A_295 = vector.shape_cast %get3A_294 : vector<1x16xf32> to vector<16xf32>
          %add3A_296 = arith.addf %get3A_291, %get3A_295 : vector<16xf32>
          %get3A_297 = arith.index_cast %scan3A_232 : i32 to index
          %get3A_298 = arith.constant 48 : index
          %get3A_299 = tpu.vector_load %arg29[%get3A_297, %get3A_298] {strides = array<i32>} : memref<40x128xf32, #tpu.memory_space<vmem>>, vector<1x16xf32>,
          %get3A_300 = vector.shape_cast %get3A_299 : vector<1x16xf32> to vector<16xf32>
          %mul3A_301 = arith.mulf %add3A_296, %get3A_300 : vector<16xf32>
          %swap3A_302 = arith.index_cast %scan3A_232 : i32 to index
          %swap3A_303 = arith.constant 48 : index
          %swap3A_304 = tpu.vector_load %arg23[%swap3A_302, %swap3A_303] {strides = array<i32>} : memref<40x128xf32, #tpu.memory_space<vmem>>, vector<1x16xf32>,
          %swap3A_305 = vector.shape_cast %swap3A_304 : vector<1x16xf32> to vector<16xf32>
          %swap3A_306 = vector.shape_cast %mul3A_301 : vector<16xf32> to vector<1x16xf32>
          tpu.vector_store %arg23[%swap3A_302, %swap3A_303], %swap3A_306 {strides = array<i32>} : memref<40x128xf32, #tpu.memory_space<vmem>>, vector<1x16xf32>,
          %get3A_307 = arith.index_cast %scan3A_232 : i32 to index
          %get3A_308 = arith.constant 64 : index
          %get3A_309 = tpu.vector_load %arg23[%get3A_307, %get3A_308] {strides = array<i32>} : memref<40x128xf32, #tpu.memory_space<vmem>>, vector<1x16xf32>,
          %get3A_310 = vector.shape_cast %get3A_309 : vector<1x16xf32> to vector<16xf32>
          %get3A_311 = arith.index_cast %scan3A_232 : i32 to index
          %get3A_312 = arith.constant 64 : index
          %get3A_313 = tpu.vector_load %arg26[%get3A_311, %get3A_312] {strides = array<i32>} : memref<40x128xf32, #tpu.memory_space<vmem>>, vector<1x16xf32>,
          %get3A_314 = vector.shape_cast %get3A_313 : vector<1x16xf32> to vector<16xf32>
          %add3A_315 = arith.addf %get3A_310, %get3A_314 : vector<16xf32>
          %get3A_316 = arith.index_cast %scan3A_232 : i32 to index
          %get3A_317 = arith.constant 64 : index
          %get3A_318 = tpu.vector_load %arg29[%get3A_316, %get3A_317] {strides = array<i32>} : memref<40x128xf32, #tpu.memory_space<vmem>>, vector<1x16xf32>,
          %get3A_319 = vector.shape_cast %get3A_318 : vector<1x16xf32> to vector<16xf32>
          %mul3A_320 = arith.mulf %add3A_315, %get3A_319 : vector<16xf32>
          %swap3A_321 = arith.index_cast %scan3A_232 : i32 to index
          %swap3A_322 = arith.constant 64 : index
          %swap3A_323 = tpu.vector_load %arg23[%swap3A_321, %swap3A_322] {strides = array<i32>} : memref<40x128xf32, #tpu.memory_space<vmem>>, vector<1x16xf32>,
          %swap3A_324 = vector.shape_cast %swap3A_323 : vector<1x16xf32> to vector<16xf32>
          %swap3A_325 = vector.shape_cast %mul3A_320 : vector<16xf32> to vector<1x16xf32>
          tpu.vector_store %arg23[%swap3A_321, %swap3A_322], %swap3A_325 {strides = array<i32>} : memref<40x128xf32, #tpu.memory_space<vmem>>, vector<1x16xf32>,
          %get3A_326 = arith.index_cast %scan3A_232 : i32 to index
          %get3A_327 = arith.constant 80 : index
          %get3A_328 = tpu.vector_load %arg23[%get3A_326, %get3A_327] {strides = array<i32>} : memref<40x128xf32, #tpu.memory_space<vmem>>, vector<1x16xf32>,
          %get3A_329 = vector.shape_cast %get3A_328 : vector<1x16xf32> to vector<16xf32>
          %get3A_330 = arith.index_cast %scan3A_232 : i32 to index
          %get3A_331 = arith.constant 80 : index
          %get3A_332 = tpu.vector_load %arg26[%get3A_330, %get3A_331] {strides = array<i32>} : memref<40x128xf32, #tpu.memory_space<vmem>>, vector<1x16xf32>,
          %get3A_333 = vector.shape_cast %get3A_332 : vector<1x16xf32> to vector<16xf32>
          %add3A_334 = arith.addf %get3A_329, %get3A_333 : vector<16xf32>
          %get3A_335 = arith.index_cast %scan3A_232 : i32 to index
          %get3A_336 = arith.constant 80 : index
          %get3A_337 = tpu.vector_load %arg29[%get3A_335, %get3A_336] {strides = array<i32>} : memref<40x128xf32, #tpu.memory_space<vmem>>, vector<1x16xf32>,
          %get3A_338 = vector.shape_cast %get3A_337 : vector<1x16xf32> to vector<16xf32>
          %mul3A_339 = arith.mulf %add3A_334, %get3A_338 : vector<16xf32>
          %swap3A_340 = arith.index_cast %scan3A_232 : i32 to index
          %swap3A_341 = arith.constant 80 : index
          %swap3A_342 = tpu.vector_load %arg23[%swap3A_340, %swap3A_341] {strides = array<i32>} : memref<40x128xf32, #tpu.memory_space<vmem>>, vector<1x16xf32>,
          %swap3A_343 = vector.shape_cast %swap3A_342 : vector<1x16xf32> to vector<16xf32>
          %swap3A_344 = vector.shape_cast %mul3A_339 : vector<16xf32> to vector<1x16xf32>
          tpu.vector_store %arg23[%swap3A_340, %swap3A_341], %swap3A_344 {strides = array<i32>} : memref<40x128xf32, #tpu.memory_space<vmem>>, vector<1x16xf32>,
          %get3A_345 = arith.index_cast %scan3A_232 : i32 to index
          %get3A_346 = arith.constant 96 : index
          %get3A_347 = tpu.vector_load %arg23[%get3A_345, %get3A_346] {strides = array<i32>} : memref<40x128xf32, #tpu.memory_space<vmem>>, vector<1x16xf32>,
          %get3A_348 = vector.shape_cast %get3A_347 : vector<1x16xf32> to vector<16xf32>
          %get3A_349 = arith.index_cast %scan3A_232 : i32 to index
          %get3A_350 = arith.constant 96 : index
          %get3A_351 = tpu.vector_load %arg26[%get3A_349, %get3A_350] {strides = array<i32>} : memref<40x128xf32, #tpu.memory_space<vmem>>, vector<1x16xf32>,
          %get3A_352 = vector.shape_cast %get3A_351 : vector<1x16xf32> to vector<16xf32>
          %add3A_353 = arith.addf %get3A_348, %get3A_352 : vector<16xf32>
          %get3A_354 = arith.index_cast %scan3A_232 : i32 to index
          %get3A_355 = arith.constant 96 : index
          %get3A_356 = tpu.vector_load %arg29[%get3A_354, %get3A_355] {strides = array<i32>} : memref<40x128xf32, #tpu.memory_space<vmem>>, vector<1x16xf32>,
          %get3A_357 = vector.shape_cast %get3A_356 : vector<1x16xf32> to vector<16xf32>
          %mul3A_358 = arith.mulf %add3A_353, %get3A_357 : vector<16xf32>
          %swap3A_359 = arith.index_cast %scan3A_232 : i32 to index
          %swap3A_360 = arith.constant 96 : index
          %swap3A_361 = tpu.vector_load %arg23[%swap3A_359, %swap3A_360] {strides = array<i32>} : memref<40x128xf32, #tpu.memory_space<vmem>>, vector<1x16xf32>,
          %swap3A_362 = vector.shape_cast %swap3A_361 : vector<1x16xf32> to vector<16xf32>
          %swap3A_363 = vector.shape_cast %mul3A_358 : vector<16xf32> to vector<1x16xf32>
          tpu.vector_store %arg23[%swap3A_359, %swap3A_360], %swap3A_363 {strides = array<i32>} : memref<40x128xf32, #tpu.memory_space<vmem>>, vector<1x16xf32>,
          %get3A_364 = arith.index_cast %scan3A_232 : i32 to index
          %get3A_365 = arith.constant 112 : index
          %get3A_366 = tpu.vector_load %arg23[%get3A_364, %get3A_365] {strides = array<i32>} : memref<40x128xf32, #tpu.memory_space<vmem>>, vector<1x16xf32>,
          %get3A_367 = vector.shape_cast %get3A_366 : vector<1x16xf32> to vector<16xf32>
          %get3A_368 = arith.index_cast %scan3A_232 : i32 to index
          %get3A_369 = arith.constant 112 : index
          %get3A_370 = tpu.vector_load %arg26[%get3A_368, %get3A_369] {strides = array<i32>} : memref<40x128xf32, #tpu.memory_space<vmem>>, vector<1x16xf32>,
          %get3A_371 = vector.shape_cast %get3A_370 : vector<1x16xf32> to vector<16xf32>
          %add3A_372 = arith.addf %get3A_367, %get3A_371 : vector<16xf32>
          %get3A_373 = arith.index_cast %scan3A_232 : i32 to index
          %get3A_374 = arith.constant 112 : index
          %get3A_375 = tpu.vector_load %arg29[%get3A_373, %get3A_374] {strides = array<i32>} : memref<40x128xf32, #tpu.memory_space<vmem>>, vector<1x16xf32>,
          %get3A_376 = vector.shape_cast %get3A_375 : vector<1x16xf32> to vector<16xf32>
          %mul3A_377 = arith.mulf %add3A_372, %get3A_376 : vector<16xf32>
          %swap3A_378 = arith.index_cast %scan3A_232 : i32 to index
          %swap3A_379 = arith.constant 112 : index
          %swap3A_380 = tpu.vector_load %arg23[%swap3A_378, %swap3A_379] {strides = array<i32>} : memref<40x128xf32, #tpu.memory_space<vmem>>, vector<1x16xf32>,
          %swap3A_381 = vector.shape_cast %swap3A_380 : vector<1x16xf32> to vector<16xf32>
          %swap3A_382 = vector.shape_cast %mul3A_377 : vector<16xf32> to vector<1x16xf32>
          tpu.vector_store %arg23[%swap3A_378, %swap3A_379], %swap3A_382 {strides = array<i32>} : memref<40x128xf32, #tpu.memory_space<vmem>>, vector<1x16xf32>,
        }
        %scan3A_221 = arith.constant 40 : i32
        %mul3A_222 = arith.constant 40 : i32
        %mul3A_223 = arith.muli %add3A_152, %mul3A_222 : i32
        %add3A_224 = arith.addi %mul3A_2, %mul3A_223 : i32
        %dma_start3A_225 = arith.constant 0 : i32
        %dma_start3A_226 = tpu.memref_slice %arg7[%add3A_224, %dma_start3A_225] : memref<320000x128xf32, #tpu.memory_space<hbm>> -> memref<40x128xf32, #tpu.memory_space<hbm>>
        %dma_start3A_227 = arith.constant 0 : i32
        %dma_start3A_228 = tpu.memref_slice %arg7[%add3A_224, %dma_start3A_227] : memref<320000x128xf32, #tpu.memory_space<hbm>> -> memref<40x128xf32, #tpu.memory_space<hbm>>
        tpu.enqueue_dma source(%arg23 : memref<40x128xf32, #tpu.memory_space<vmem>>) target(%dma_start3A_228 : memref<40x128xf32, #tpu.memory_space<hbm>>) target_semaphore(%arg36 : memref<!tpu.dma_semaphore, #tpu.memory_space<semaphore_mem>>)
        %dma_start3A_229 = arith.constant 0 : i32
        %dma_start3A_230 = arith.constant 0 : i32
        %dma_start3A_231 = tpu.memref_slice %arg30[%dma_start3A_229, %dma_start3A_230] : memref<10112x128xf32, #tpu.memory_space<vmem_shared>> -> memref<10112x128xf32, #tpu.memory_space<vmem_shared>>
        tpu.enqueue_indirect_dma source(%arg23 : memref<40x128xf32, #tpu.memory_space<vmem>>) target(%dma_start3A_231 : memref<10112x128xf32, #tpu.memory_space<vmem_shared>>) offsets(%arg11 : memref<40xi32, #tpu.memory_space<vmem>>) semaphore(%arg39 : memref<!tpu.dma_semaphore, #tpu.memory_space<semaphore_mem>>) {add = true}
      } else {
      }
      %mul3A_158 = arith.constant 6 : i32
      %mul3A_159 = arith.muli %mul3A_158, %scan3A_133 : i32
      %add3A_160 = arith.constant 3 : i32
      %add3A_161 = arith.addi %mul3A_159, %add3A_160 : i32
      %le3A_162 = arith.constant 249 : i32
      %le3A_163 = arith.cmpi sle, %add3A_161, %le3A_162 : i32
      %convert_element_type3A_164 = arith.extui %le3A_163 : i1 to i32
      %cond3A_165 = arith.constant 0 : i32
      %cond3A_166 = arith.cmpi ne, %convert_element_type3A_164, %cond3A_165 : i32
      scf.if %cond3A_166 {
        %ge3A = arith.constant 1 : i32
        %ge3A_185 = arith.cmpi sge, %add3A_161, %ge3A : i32
        %convert_element_type3A_186 = arith.extui %ge3A_185 : i1 to i32
        %cond3A_187 = arith.constant 0 : i32
        %cond3A_188 = arith.cmpi ne, %convert_element_type3A_186, %cond3A_187 : i32
        scf.if %cond3A_188 {
          %sub3A = arith.constant 1 : i32
          %sub3A_232 = arith.subi %add3A_161, %sub3A : i32
          %mul3A_233 = arith.constant 40 : i32
          %mul3A_234 = arith.muli %sub3A_232, %mul3A_233 : i32
          %add3A_235 = arith.addi %mul3A_2, %mul3A_234 : i32
          %dma_wait3A_236 = arith.constant 0 : i32
          %dma_wait3A_237 = tpu.memref_slice %arg7[%add3A_235, %dma_wait3A_236] : memref<320000x128xf32, #tpu.memory_space<hbm>> -> memref<40x128xf32, #tpu.memory_space<hbm>>
          %dma_wait3A_238 = arith.constant 0 : i32
          %dma_wait3A_239 = tpu.memref_slice %arg7[%add3A_235, %dma_wait3A_238] : memref<320000x128xf32, #tpu.memory_space<hbm>> -> memref<40x128xf32, #tpu.memory_space<hbm>>
          tpu.wait_dma2 semaphore(%arg36 : memref<!tpu.dma_semaphore, #tpu.memory_space<semaphore_mem>>) src(%arg23 : memref<40x128xf32, #tpu.memory_space<vmem>>) dst(%dma_wait3A_239 : memref<40x128xf32, #tpu.memory_space<hbm>>)
          %dma_wait3A_240 = arith.constant 0 : i32
          %dma_wait3A_241 = arith.constant 0 : i32
          %dma_wait3A_242 = tpu.memref_slice %arg30[%dma_wait3A_240, %dma_wait3A_241] : memref<10112x128xf32, #tpu.memory_space<vmem_shared>> -> memref<10112x128xf32, #tpu.memory_space<vmem_shared>>
          tpu.wait_indirect_dma semaphore(%arg39 : memref<!tpu.dma_semaphore, #tpu.memory_space<semaphore_mem>>) src(%arg23 : memref<40x128xf32, #tpu.memory_space<vmem>>) dst(%dma_wait3A_242 : memref<10112x128xf32, #tpu.memory_space<vmem_shared>>)
        } else {
        }
        %add3A_189 = arith.constant 2 : i32
        %add3A_190 = arith.addi %add3A_161, %add3A_189 : i32
        %le3A_191 = arith.constant 249 : i32
        %le3A_192 = arith.cmpi sle, %add3A_190, %le3A_191 : i32
        %convert_element_type3A_193 = arith.extui %le3A_192 : i1 to i32
        %cond3A_194 = arith.constant 0 : i32
        %cond3A_195 = arith.cmpi ne, %convert_element_type3A_193, %cond3A_194 : i32
        scf.if %cond3A_195 {
          %add3A_232 = arith.constant 2 : i32
          %add3A_233 = arith.addi %add3A_161, %add3A_232 : i32
          %dma_wait3A_234 = arith.constant 0 : i32
          %dma_wait3A_235 = tpu.memref_slice %arg5[%add3A, %add3A_233, %dma_wait3A_234] : memref<32x250x40xi32, #tpu.memory_space<hbm>> -> memref<1x1x40xi32, #tpu.memory_space<hbm>>
          %dma_wait3A_236 = tpu.memref_squeeze %dma_wait3A_235 : memref<1x1x40xi32, #tpu.memory_space<hbm>> -> memref<40xi32, #tpu.memory_space<hbm>>
          %dma_wait3A_237 = arith.constant 0 : i32
          %dma_wait3A_238 = tpu.memref_slice %arg5[%add3A, %add3A_233, %dma_wait3A_237] : memref<32x250x40xi32, #tpu.memory_space<hbm>> -> memref<1x1x40xi32, #tpu.memory_space<hbm>>
          %dma_wait3A_239 = tpu.memref_squeeze %dma_wait3A_238 : memref<1x1x40xi32, #tpu.memory_space<hbm>> -> memref<40xi32, #tpu.memory_space<hbm>>
          tpu.wait_dma2 semaphore(%arg45 : memref<!tpu.dma_semaphore, #tpu.memory_space<semaphore_mem>>) src(%dma_wait3A_239 : memref<40xi32, #tpu.memory_space<hbm>>) dst(%arg14 : memref<40xi32, #tpu.memory_space<vmem>>)
          %dma_wait3A_240 = arith.constant 0 : i32
          %dma_wait3A_241 = tpu.memref_slice %arg6[%add3A, %add3A_233, %dma_wait3A_240] : memref<32x250x40xi32, #tpu.memory_space<hbm>> -> memref<1x1x40xi32, #tpu.memory_space<hbm>>
          %dma_wait3A_242 = tpu.memref_squeeze %dma_wait3A_241 : memref<1x1x40xi32, #tpu.memory_space<hbm>> -> memref<40xi32, #tpu.memory_space<hbm>>
          %dma_wait3A_243 = arith.constant 0 : i32
          %dma_wait3A_244 = tpu.memref_slice %arg6[%add3A, %add3A_233, %dma_wait3A_243] : memref<32x250x40xi32, #tpu.memory_space<hbm>> -> memref<1x1x40xi32, #tpu.memory_space<hbm>>
          %dma_wait3A_245 = tpu.memref_squeeze %dma_wait3A_244 : memref<1x1x40xi32, #tpu.memory_space<hbm>> -> memref<40xi32, #tpu.memory_space<hbm>>
          tpu.wait_dma2 semaphore(%arg45 : memref<!tpu.dma_semaphore, #tpu.memory_space<semaphore_mem>>) src(%dma_wait3A_245 : memref<40xi32, #tpu.memory_space<hbm>>) dst(%arg20 : memref<40xi32, #tpu.memory_space<vmem>>)
          %add3A_246 = arith.constant 2 : i32
          %add3A_247 = arith.addi %add3A_161, %add3A_246 : i32
          %dma_start3A_248 = arith.constant 0 : i32
          %dma_start3A_249 = arith.constant 0 : i32
          %dma_start3A_250 = tpu.memref_slice %arg2[%dma_start3A_248, %dma_start3A_249] : memref<10000x128xf32, #tpu.memory_space<hbm>> -> memref<10000x128xf32, #tpu.memory_space<hbm>>
          tpu.enqueue_indirect_dma source(%dma_start3A_250 : memref<10000x128xf32, #tpu.memory_space<hbm>>) target(%arg23 : memref<40x128xf32, #tpu.memory_space<vmem>>) offsets(%arg14 : memref<40xi32, #tpu.memory_space<vmem>>) semaphore(%arg33 : memref<!tpu.dma_semaphore, #tpu.memory_space<semaphore_mem>>)
          %dma_start3A_251 = arith.constant 0 : i32
          %dma_start3A_252 = arith.constant 0 : i32
          %dma_start3A_253 = tpu.memref_slice %arg3[%dma_start3A_251, %dma_start3A_252] : memref<10000x128xf32, #tpu.memory_space<hbm>> -> memref<10000x128xf32, #tpu.memory_space<hbm>>
          tpu.enqueue_indirect_dma source(%dma_start3A_253 : memref<10000x128xf32, #tpu.memory_space<hbm>>) target(%arg26 : memref<40x128xf32, #tpu.memory_space<vmem>>) offsets(%arg20 : memref<40xi32, #tpu.memory_space<vmem>>) semaphore(%arg33 : memref<!tpu.dma_semaphore, #tpu.memory_space<semaphore_mem>>)
          %mul3A_254 = arith.constant 40 : i32
          %mul3A_255 = arith.muli %add3A_247, %mul3A_254 : i32
          %add3A_256 = arith.addi %mul3A_2, %mul3A_255 : i32
          %dma_start3A_257 = arith.constant 0 : i32
          %dma_start3A_258 = tpu.memref_slice %arg4[%add3A_256, %dma_start3A_257] : memref<320000x128xf32, #tpu.memory_space<hbm>> -> memref<40x128xf32, #tpu.memory_space<hbm>>
          %dma_start3A_259 = arith.constant 0 : i32
          %dma_start3A_260 = tpu.memref_slice %arg4[%add3A_256, %dma_start3A_259] : memref<320000x128xf32, #tpu.memory_space<hbm>> -> memref<40x128xf32, #tpu.memory_space<hbm>>
          tpu.enqueue_dma source(%dma_start3A_260 : memref<40x128xf32, #tpu.memory_space<hbm>>) target(%arg29 : memref<40x128xf32, #tpu.memory_space<vmem>>) target_semaphore(%arg33 : memref<!tpu.dma_semaphore, #tpu.memory_space<semaphore_mem>>)
        } else {
        }
        %dma_wait3A_196 = arith.constant 0 : i32
        %dma_wait3A_197 = arith.constant 0 : i32
        %dma_wait3A_198 = tpu.memref_slice %arg2[%dma_wait3A_196, %dma_wait3A_197] : memref<10000x128xf32, #tpu.memory_space<hbm>> -> memref<10000x128xf32, #tpu.memory_space<hbm>>
        tpu.wait_indirect_dma semaphore(%arg31 : memref<!tpu.dma_semaphore, #tpu.memory_space<semaphore_mem>>) src(%dma_wait3A_198 : memref<10000x128xf32, #tpu.memory_space<hbm>>) dst(%arg21 : memref<40x128xf32, #tpu.memory_space<vmem>>)
        %dma_wait3A_199 = arith.constant 0 : i32
        %dma_wait3A_200 = arith.constant 0 : i32
        %dma_wait3A_201 = tpu.memref_slice %arg3[%dma_wait3A_199, %dma_wait3A_200] : memref<10000x128xf32, #tpu.memory_space<hbm>> -> memref<10000x128xf32, #tpu.memory_space<hbm>>
        tpu.wait_indirect_dma semaphore(%arg31 : memref<!tpu.dma_semaphore, #tpu.memory_space<semaphore_mem>>) src(%dma_wait3A_201 : memref<10000x128xf32, #tpu.memory_space<hbm>>) dst(%arg24 : memref<40x128xf32, #tpu.memory_space<vmem>>)
        %mul3A_202 = arith.constant 40 : i32
        %mul3A_203 = arith.muli %add3A_161, %mul3A_202 : i32
        %add3A_204 = arith.addi %mul3A_2, %mul3A_203 : i32
        %dma_wait3A_205 = arith.constant 0 : i32
        %dma_wait3A_206 = tpu.memref_slice %arg4[%add3A_204, %dma_wait3A_205] : memref<320000x128xf32, #tpu.memory_space<hbm>> -> memref<40x128xf32, #tpu.memory_space<hbm>>
        %dma_wait3A_207 = arith.constant 0 : i32
        %dma_wait3A_208 = tpu.memref_slice %arg4[%add3A_204, %dma_wait3A_207] : memref<320000x128xf32, #tpu.memory_space<hbm>> -> memref<40x128xf32, #tpu.memory_space<hbm>>
        tpu.wait_dma2 semaphore(%arg31 : memref<!tpu.dma_semaphore, #tpu.memory_space<semaphore_mem>>) src(%dma_wait3A_208 : memref<40x128xf32, #tpu.memory_space<hbm>>) dst(%arg27 : memref<40x128xf32, #tpu.memory_space<vmem>>)
        %add3A_209 = arith.constant 3 : i32
        %add3A_210 = arith.addi %add3A_161, %add3A_209 : i32
        %le3A_211 = arith.constant 249 : i32
        %le3A_212 = arith.cmpi sle, %add3A_210, %le3A_211 : i32
        %convert_element_type3A_213 = arith.extui %le3A_212 : i1 to i32
        %cond3A_214 = arith.constant 0 : i32
        %cond3A_215 = arith.cmpi ne, %convert_element_type3A_213, %cond3A_214 : i32
        scf.if %cond3A_215 {
          %add3A_232 = arith.constant 3 : i32
          %add3A_233 = arith.addi %add3A_161, %add3A_232 : i32
          %dma_start3A_234 = arith.constant 0 : i32
          %dma_start3A_235 = tpu.memref_slice %arg5[%add3A, %add3A_233, %dma_start3A_234] : memref<32x250x40xi32, #tpu.memory_space<hbm>> -> memref<1x1x40xi32, #tpu.memory_space<hbm>>
          %dma_start3A_236 = tpu.memref_squeeze %dma_start3A_235 : memref<1x1x40xi32, #tpu.memory_space<hbm>> -> memref<40xi32, #tpu.memory_space<hbm>>
          %dma_start3A_237 = arith.constant 0 : i32
          %dma_start3A_238 = tpu.memref_slice %arg5[%add3A, %add3A_233, %dma_start3A_237] : memref<32x250x40xi32, #tpu.memory_space<hbm>> -> memref<1x1x40xi32, #tpu.memory_space<hbm>>
          %dma_start3A_239 = tpu.memref_squeeze %dma_start3A_238 : memref<1x1x40xi32, #tpu.memory_space<hbm>> -> memref<40xi32, #tpu.memory_space<hbm>>
          tpu.enqueue_dma source(%dma_start3A_239 : memref<40xi32, #tpu.memory_space<hbm>>) target(%arg9 : memref<40xi32, #tpu.memory_space<vmem>>) target_semaphore(%arg40 : memref<!tpu.dma_semaphore, #tpu.memory_space<semaphore_mem>>)
          %dma_start3A_240 = arith.constant 0 : i32
          %dma_start3A_241 = tpu.memref_slice %arg6[%add3A, %add3A_233, %dma_start3A_240] : memref<32x250x40xi32, #tpu.memory_space<hbm>> -> memref<1x1x40xi32, #tpu.memory_space<hbm>>
          %dma_start3A_242 = tpu.memref_squeeze %dma_start3A_241 : memref<1x1x40xi32, #tpu.memory_space<hbm>> -> memref<40xi32, #tpu.memory_space<hbm>>
          %dma_start3A_243 = arith.constant 0 : i32
          %dma_start3A_244 = tpu.memref_slice %arg6[%add3A, %add3A_233, %dma_start3A_243] : memref<32x250x40xi32, #tpu.memory_space<hbm>> -> memref<1x1x40xi32, #tpu.memory_space<hbm>>
          %dma_start3A_245 = tpu.memref_squeeze %dma_start3A_244 : memref<1x1x40xi32, #tpu.memory_space<hbm>> -> memref<40xi32, #tpu.memory_space<hbm>>
          tpu.enqueue_dma source(%dma_start3A_245 : memref<40xi32, #tpu.memory_space<hbm>>) target(%arg15 : memref<40xi32, #tpu.memory_space<vmem>>) target_semaphore(%arg40 : memref<!tpu.dma_semaphore, #tpu.memory_space<semaphore_mem>>)
        } else {
        }
        %scan3A_216 = arith.constant 0 : i32
        %scan3A_217 = arith.constant 0 : i32
        %scan3A_218 = arith.constant 40 : i32
        %scan3A_219 = arith.addi %scan3A_217, %scan3A_218 : i32
        %scan3A_220 = arith.constant 1 : i32
        scf.for %scan3A_232 = %scan3A_217 to %scan3A_219 step %scan3A_220  : i32 {
          %get3A = arith.index_cast %scan3A_232 : i32 to index
          %get3A_233 = arith.constant 0 : index
          %get3A_234 = tpu.vector_load %arg21[%get3A, %get3A_233] {strides = array<i32>} : memref<40x128xf32, #tpu.memory_space<vmem>>, vector<1x16xf32>,
          %get3A_235 = vector.shape_cast %get3A_234 : vector<1x16xf32> to vector<16xf32>
          %get3A_236 = arith.index_cast %scan3A_232 : i32 to index
          %get3A_237 = arith.constant 0 : index
          %get3A_238 = tpu.vector_load %arg24[%get3A_236, %get3A_237] {strides = array<i32>} : memref<40x128xf32, #tpu.memory_space<vmem>>, vector<1x16xf32>,
          %get3A_239 = vector.shape_cast %get3A_238 : vector<1x16xf32> to vector<16xf32>
          %add3A_240 = arith.addf %get3A_235, %get3A_239 : vector<16xf32>
          %get3A_241 = arith.index_cast %scan3A_232 : i32 to index
          %get3A_242 = arith.constant 0 : index
          %get3A_243 = tpu.vector_load %arg27[%get3A_241, %get3A_242] {strides = array<i32>} : memref<40x128xf32, #tpu.memory_space<vmem>>, vector<1x16xf32>,
          %get3A_244 = vector.shape_cast %get3A_243 : vector<1x16xf32> to vector<16xf32>
          %mul3A_245 = arith.mulf %add3A_240, %get3A_244 : vector<16xf32>
          %swap3A = arith.index_cast %scan3A_232 : i32 to index
          %swap3A_246 = arith.constant 0 : index
          %swap3A_247 = tpu.vector_load %arg21[%swap3A, %swap3A_246] {strides = array<i32>} : memref<40x128xf32, #tpu.memory_space<vmem>>, vector<1x16xf32>,
          %swap3A_248 = vector.shape_cast %swap3A_247 : vector<1x16xf32> to vector<16xf32>
          %swap3A_249 = vector.shape_cast %mul3A_245 : vector<16xf32> to vector<1x16xf32>
          tpu.vector_store %arg21[%swap3A, %swap3A_246], %swap3A_249 {strides = array<i32>} : memref<40x128xf32, #tpu.memory_space<vmem>>, vector<1x16xf32>,
          %get3A_250 = arith.index_cast %scan3A_232 : i32 to index
          %get3A_251 = arith.constant 16 : index
          %get3A_252 = tpu.vector_load %arg21[%get3A_250, %get3A_251] {strides = array<i32>} : memref<40x128xf32, #tpu.memory_space<vmem>>, vector<1x16xf32>,
          %get3A_253 = vector.shape_cast %get3A_252 : vector<1x16xf32> to vector<16xf32>
          %get3A_254 = arith.index_cast %scan3A_232 : i32 to index
          %get3A_255 = arith.constant 16 : index
          %get3A_256 = tpu.vector_load %arg24[%get3A_254, %get3A_255] {strides = array<i32>} : memref<40x128xf32, #tpu.memory_space<vmem>>, vector<1x16xf32>,
          %get3A_257 = vector.shape_cast %get3A_256 : vector<1x16xf32> to vector<16xf32>
          %add3A_258 = arith.addf %get3A_253, %get3A_257 : vector<16xf32>
          %get3A_259 = arith.index_cast %scan3A_232 : i32 to index
          %get3A_260 = arith.constant 16 : index
          %get3A_261 = tpu.vector_load %arg27[%get3A_259, %get3A_260] {strides = array<i32>} : memref<40x128xf32, #tpu.memory_space<vmem>>, vector<1x16xf32>,
          %get3A_262 = vector.shape_cast %get3A_261 : vector<1x16xf32> to vector<16xf32>
          %mul3A_263 = arith.mulf %add3A_258, %get3A_262 : vector<16xf32>
          %swap3A_264 = arith.index_cast %scan3A_232 : i32 to index
          %swap3A_265 = arith.constant 16 : index
          %swap3A_266 = tpu.vector_load %arg21[%swap3A_264, %swap3A_265] {strides = array<i32>} : memref<40x128xf32, #tpu.memory_space<vmem>>, vector<1x16xf32>,
          %swap3A_267 = vector.shape_cast %swap3A_266 : vector<1x16xf32> to vector<16xf32>
          %swap3A_268 = vector.shape_cast %mul3A_263 : vector<16xf32> to vector<1x16xf32>
          tpu.vector_store %arg21[%swap3A_264, %swap3A_265], %swap3A_268 {strides = array<i32>} : memref<40x128xf32, #tpu.memory_space<vmem>>, vector<1x16xf32>,
          %get3A_269 = arith.index_cast %scan3A_232 : i32 to index
          %get3A_270 = arith.constant 32 : index
          %get3A_271 = tpu.vector_load %arg21[%get3A_269, %get3A_270] {strides = array<i32>} : memref<40x128xf32, #tpu.memory_space<vmem>>, vector<1x16xf32>,
          %get3A_272 = vector.shape_cast %get3A_271 : vector<1x16xf32> to vector<16xf32>
          %get3A_273 = arith.index_cast %scan3A_232 : i32 to index
          %get3A_274 = arith.constant 32 : index
          %get3A_275 = tpu.vector_load %arg24[%get3A_273, %get3A_274] {strides = array<i32>} : memref<40x128xf32, #tpu.memory_space<vmem>>, vector<1x16xf32>,
          %get3A_276 = vector.shape_cast %get3A_275 : vector<1x16xf32> to vector<16xf32>
          %add3A_277 = arith.addf %get3A_272, %get3A_276 : vector<16xf32>
          %get3A_278 = arith.index_cast %scan3A_232 : i32 to index
          %get3A_279 = arith.constant 32 : index
          %get3A_280 = tpu.vector_load %arg27[%get3A_278, %get3A_279] {strides = array<i32>} : memref<40x128xf32, #tpu.memory_space<vmem>>, vector<1x16xf32>,
          %get3A_281 = vector.shape_cast %get3A_280 : vector<1x16xf32> to vector<16xf32>
          %mul3A_282 = arith.mulf %add3A_277, %get3A_281 : vector<16xf32>
          %swap3A_283 = arith.index_cast %scan3A_232 : i32 to index
          %swap3A_284 = arith.constant 32 : index
          %swap3A_285 = tpu.vector_load %arg21[%swap3A_283, %swap3A_284] {strides = array<i32>} : memref<40x128xf32, #tpu.memory_space<vmem>>, vector<1x16xf32>,
          %swap3A_286 = vector.shape_cast %swap3A_285 : vector<1x16xf32> to vector<16xf32>
          %swap3A_287 = vector.shape_cast %mul3A_282 : vector<16xf32> to vector<1x16xf32>
          tpu.vector_store %arg21[%swap3A_283, %swap3A_284], %swap3A_287 {strides = array<i32>} : memref<40x128xf32, #tpu.memory_space<vmem>>, vector<1x16xf32>,
          %get3A_288 = arith.index_cast %scan3A_232 : i32 to index
          %get3A_289 = arith.constant 48 : index
          %get3A_290 = tpu.vector_load %arg21[%get3A_288, %get3A_289] {strides = array<i32>} : memref<40x128xf32, #tpu.memory_space<vmem>>, vector<1x16xf32>,
          %get3A_291 = vector.shape_cast %get3A_290 : vector<1x16xf32> to vector<16xf32>
          %get3A_292 = arith.index_cast %scan3A_232 : i32 to index
          %get3A_293 = arith.constant 48 : index
          %get3A_294 = tpu.vector_load %arg24[%get3A_292, %get3A_293] {strides = array<i32>} : memref<40x128xf32, #tpu.memory_space<vmem>>, vector<1x16xf32>,
          %get3A_295 = vector.shape_cast %get3A_294 : vector<1x16xf32> to vector<16xf32>
          %add3A_296 = arith.addf %get3A_291, %get3A_295 : vector<16xf32>
          %get3A_297 = arith.index_cast %scan3A_232 : i32 to index
          %get3A_298 = arith.constant 48 : index
          %get3A_299 = tpu.vector_load %arg27[%get3A_297, %get3A_298] {strides = array<i32>} : memref<40x128xf32, #tpu.memory_space<vmem>>, vector<1x16xf32>,
          %get3A_300 = vector.shape_cast %get3A_299 : vector<1x16xf32> to vector<16xf32>
          %mul3A_301 = arith.mulf %add3A_296, %get3A_300 : vector<16xf32>
          %swap3A_302 = arith.index_cast %scan3A_232 : i32 to index
          %swap3A_303 = arith.constant 48 : index
          %swap3A_304 = tpu.vector_load %arg21[%swap3A_302, %swap3A_303] {strides = array<i32>} : memref<40x128xf32, #tpu.memory_space<vmem>>, vector<1x16xf32>,
          %swap3A_305 = vector.shape_cast %swap3A_304 : vector<1x16xf32> to vector<16xf32>
          %swap3A_306 = vector.shape_cast %mul3A_301 : vector<16xf32> to vector<1x16xf32>
          tpu.vector_store %arg21[%swap3A_302, %swap3A_303], %swap3A_306 {strides = array<i32>} : memref<40x128xf32, #tpu.memory_space<vmem>>, vector<1x16xf32>,
          %get3A_307 = arith.index_cast %scan3A_232 : i32 to index
          %get3A_308 = arith.constant 64 : index
          %get3A_309 = tpu.vector_load %arg21[%get3A_307, %get3A_308] {strides = array<i32>} : memref<40x128xf32, #tpu.memory_space<vmem>>, vector<1x16xf32>,
          %get3A_310 = vector.shape_cast %get3A_309 : vector<1x16xf32> to vector<16xf32>
          %get3A_311 = arith.index_cast %scan3A_232 : i32 to index
          %get3A_312 = arith.constant 64 : index
          %get3A_313 = tpu.vector_load %arg24[%get3A_311, %get3A_312] {strides = array<i32>} : memref<40x128xf32, #tpu.memory_space<vmem>>, vector<1x16xf32>,
          %get3A_314 = vector.shape_cast %get3A_313 : vector<1x16xf32> to vector<16xf32>
          %add3A_315 = arith.addf %get3A_310, %get3A_314 : vector<16xf32>
          %get3A_316 = arith.index_cast %scan3A_232 : i32 to index
          %get3A_317 = arith.constant 64 : index
          %get3A_318 = tpu.vector_load %arg27[%get3A_316, %get3A_317] {strides = array<i32>} : memref<40x128xf32, #tpu.memory_space<vmem>>, vector<1x16xf32>,
          %get3A_319 = vector.shape_cast %get3A_318 : vector<1x16xf32> to vector<16xf32>
          %mul3A_320 = arith.mulf %add3A_315, %get3A_319 : vector<16xf32>
          %swap3A_321 = arith.index_cast %scan3A_232 : i32 to index
          %swap3A_322 = arith.constant 64 : index
          %swap3A_323 = tpu.vector_load %arg21[%swap3A_321, %swap3A_322] {strides = array<i32>} : memref<40x128xf32, #tpu.memory_space<vmem>>, vector<1x16xf32>,
          %swap3A_324 = vector.shape_cast %swap3A_323 : vector<1x16xf32> to vector<16xf32>
          %swap3A_325 = vector.shape_cast %mul3A_320 : vector<16xf32> to vector<1x16xf32>
          tpu.vector_store %arg21[%swap3A_321, %swap3A_322], %swap3A_325 {strides = array<i32>} : memref<40x128xf32, #tpu.memory_space<vmem>>, vector<1x16xf32>,
          %get3A_326 = arith.index_cast %scan3A_232 : i32 to index
          %get3A_327 = arith.constant 80 : index
          %get3A_328 = tpu.vector_load %arg21[%get3A_326, %get3A_327] {strides = array<i32>} : memref<40x128xf32, #tpu.memory_space<vmem>>, vector<1x16xf32>,
          %get3A_329 = vector.shape_cast %get3A_328 : vector<1x16xf32> to vector<16xf32>
          %get3A_330 = arith.index_cast %scan3A_232 : i32 to index
          %get3A_331 = arith.constant 80 : index
          %get3A_332 = tpu.vector_load %arg24[%get3A_330, %get3A_331] {strides = array<i32>} : memref<40x128xf32, #tpu.memory_space<vmem>>, vector<1x16xf32>,
          %get3A_333 = vector.shape_cast %get3A_332 : vector<1x16xf32> to vector<16xf32>
          %add3A_334 = arith.addf %get3A_329, %get3A_333 : vector<16xf32>
          %get3A_335 = arith.index_cast %scan3A_232 : i32 to index
          %get3A_336 = arith.constant 80 : index
          %get3A_337 = tpu.vector_load %arg27[%get3A_335, %get3A_336] {strides = array<i32>} : memref<40x128xf32, #tpu.memory_space<vmem>>, vector<1x16xf32>,
          %get3A_338 = vector.shape_cast %get3A_337 : vector<1x16xf32> to vector<16xf32>
          %mul3A_339 = arith.mulf %add3A_334, %get3A_338 : vector<16xf32>
          %swap3A_340 = arith.index_cast %scan3A_232 : i32 to index
          %swap3A_341 = arith.constant 80 : index
          %swap3A_342 = tpu.vector_load %arg21[%swap3A_340, %swap3A_341] {strides = array<i32>} : memref<40x128xf32, #tpu.memory_space<vmem>>, vector<1x16xf32>,
          %swap3A_343 = vector.shape_cast %swap3A_342 : vector<1x16xf32> to vector<16xf32>
          %swap3A_344 = vector.shape_cast %mul3A_339 : vector<16xf32> to vector<1x16xf32>
          tpu.vector_store %arg21[%swap3A_340, %swap3A_341], %swap3A_344 {strides = array<i32>} : memref<40x128xf32, #tpu.memory_space<vmem>>, vector<1x16xf32>,
          %get3A_345 = arith.index_cast %scan3A_232 : i32 to index
          %get3A_346 = arith.constant 96 : index
          %get3A_347 = tpu.vector_load %arg21[%get3A_345, %get3A_346] {strides = array<i32>} : memref<40x128xf32, #tpu.memory_space<vmem>>, vector<1x16xf32>,
          %get3A_348 = vector.shape_cast %get3A_347 : vector<1x16xf32> to vector<16xf32>
          %get3A_349 = arith.index_cast %scan3A_232 : i32 to index
          %get3A_350 = arith.constant 96 : index
          %get3A_351 = tpu.vector_load %arg24[%get3A_349, %get3A_350] {strides = array<i32>} : memref<40x128xf32, #tpu.memory_space<vmem>>, vector<1x16xf32>,
          %get3A_352 = vector.shape_cast %get3A_351 : vector<1x16xf32> to vector<16xf32>
          %add3A_353 = arith.addf %get3A_348, %get3A_352 : vector<16xf32>
          %get3A_354 = arith.index_cast %scan3A_232 : i32 to index
          %get3A_355 = arith.constant 96 : index
          %get3A_356 = tpu.vector_load %arg27[%get3A_354, %get3A_355] {strides = array<i32>} : memref<40x128xf32, #tpu.memory_space<vmem>>, vector<1x16xf32>,
          %get3A_357 = vector.shape_cast %get3A_356 : vector<1x16xf32> to vector<16xf32>
          %mul3A_358 = arith.mulf %add3A_353, %get3A_357 : vector<16xf32>
          %swap3A_359 = arith.index_cast %scan3A_232 : i32 to index
          %swap3A_360 = arith.constant 96 : index
          %swap3A_361 = tpu.vector_load %arg21[%swap3A_359, %swap3A_360] {strides = array<i32>} : memref<40x128xf32, #tpu.memory_space<vmem>>, vector<1x16xf32>,
          %swap3A_362 = vector.shape_cast %swap3A_361 : vector<1x16xf32> to vector<16xf32>
          %swap3A_363 = vector.shape_cast %mul3A_358 : vector<16xf32> to vector<1x16xf32>
          tpu.vector_store %arg21[%swap3A_359, %swap3A_360], %swap3A_363 {strides = array<i32>} : memref<40x128xf32, #tpu.memory_space<vmem>>, vector<1x16xf32>,
          %get3A_364 = arith.index_cast %scan3A_232 : i32 to index
          %get3A_365 = arith.constant 112 : index
          %get3A_366 = tpu.vector_load %arg21[%get3A_364, %get3A_365] {strides = array<i32>} : memref<40x128xf32, #tpu.memory_space<vmem>>, vector<1x16xf32>,
          %get3A_367 = vector.shape_cast %get3A_366 : vector<1x16xf32> to vector<16xf32>
          %get3A_368 = arith.index_cast %scan3A_232 : i32 to index
          %get3A_369 = arith.constant 112 : index
          %get3A_370 = tpu.vector_load %arg24[%get3A_368, %get3A_369] {strides = array<i32>} : memref<40x128xf32, #tpu.memory_space<vmem>>, vector<1x16xf32>,
          %get3A_371 = vector.shape_cast %get3A_370 : vector<1x16xf32> to vector<16xf32>
          %add3A_372 = arith.addf %get3A_367, %get3A_371 : vector<16xf32>
          %get3A_373 = arith.index_cast %scan3A_232 : i32 to index
          %get3A_374 = arith.constant 112 : index
          %get3A_375 = tpu.vector_load %arg27[%get3A_373, %get3A_374] {strides = array<i32>} : memref<40x128xf32, #tpu.memory_space<vmem>>, vector<1x16xf32>,
          %get3A_376 = vector.shape_cast %get3A_375 : vector<1x16xf32> to vector<16xf32>
          %mul3A_377 = arith.mulf %add3A_372, %get3A_376 : vector<16xf32>
          %swap3A_378 = arith.index_cast %scan3A_232 : i32 to index
          %swap3A_379 = arith.constant 112 : index
          %swap3A_380 = tpu.vector_load %arg21[%swap3A_378, %swap3A_379] {strides = array<i32>} : memref<40x128xf32, #tpu.memory_space<vmem>>, vector<1x16xf32>,
          %swap3A_381 = vector.shape_cast %swap3A_380 : vector<1x16xf32> to vector<16xf32>
          %swap3A_382 = vector.shape_cast %mul3A_377 : vector<16xf32> to vector<1x16xf32>
          tpu.vector_store %arg21[%swap3A_378, %swap3A_379], %swap3A_382 {strides = array<i32>} : memref<40x128xf32, #tpu.memory_space<vmem>>, vector<1x16xf32>,
        }
        %scan3A_221 = arith.constant 40 : i32
        %mul3A_222 = arith.constant 40 : i32
        %mul3A_223 = arith.muli %add3A_161, %mul3A_222 : i32
        %add3A_224 = arith.addi %mul3A_2, %mul3A_223 : i32
        %dma_start3A_225 = arith.constant 0 : i32
        %dma_start3A_226 = tpu.memref_slice %arg7[%add3A_224, %dma_start3A_225] : memref<320000x128xf32, #tpu.memory_space<hbm>> -> memref<40x128xf32, #tpu.memory_space<hbm>>
        %dma_start3A_227 = arith.constant 0 : i32
        %dma_start3A_228 = tpu.memref_slice %arg7[%add3A_224, %dma_start3A_227] : memref<320000x128xf32, #tpu.memory_space<hbm>> -> memref<40x128xf32, #tpu.memory_space<hbm>>
        tpu.enqueue_dma source(%arg21 : memref<40x128xf32, #tpu.memory_space<vmem>>) target(%dma_start3A_228 : memref<40x128xf32, #tpu.memory_space<hbm>>) target_semaphore(%arg34 : memref<!tpu.dma_semaphore, #tpu.memory_space<semaphore_mem>>)
        %dma_start3A_229 = arith.constant 0 : i32
        %dma_start3A_230 = arith.constant 0 : i32
        %dma_start3A_231 = tpu.memref_slice %arg30[%dma_start3A_229, %dma_start3A_230] : memref<10112x128xf32, #tpu.memory_space<vmem_shared>> -> memref<10112x128xf32, #tpu.memory_space<vmem_shared>>
        tpu.enqueue_indirect_dma source(%arg21 : memref<40x128xf32, #tpu.memory_space<vmem>>) target(%dma_start3A_231 : memref<10112x128xf32, #tpu.memory_space<vmem_shared>>) offsets(%arg12 : memref<40xi32, #tpu.memory_space<vmem>>) semaphore(%arg37 : memref<!tpu.dma_semaphore, #tpu.memory_space<semaphore_mem>>) {add = true}
      } else {
      }
      %mul3A_167 = arith.constant 6 : i32
      %mul3A_168 = arith.muli %mul3A_167, %scan3A_133 : i32
      %add3A_169 = arith.constant 4 : i32
      %add3A_170 = arith.addi %mul3A_168, %add3A_169 : i32
      %le3A_171 = arith.constant 249 : i32
      %le3A_172 = arith.cmpi sle, %add3A_170, %le3A_171 : i32
      %convert_element_type3A_173 = arith.extui %le3A_172 : i1 to i32
      %cond3A_174 = arith.constant 0 : i32
      %cond3A_175 = arith.cmpi ne, %convert_element_type3A_173, %cond3A_174 : i32
      scf.if %cond3A_175 {
        %ge3A = arith.constant 1 : i32
        %ge3A_185 = arith.cmpi sge, %add3A_170, %ge3A : i32
        %convert_element_type3A_186 = arith.extui %ge3A_185 : i1 to i32
        %cond3A_187 = arith.constant 0 : i32
        %cond3A_188 = arith.cmpi ne, %convert_element_type3A_186, %cond3A_187 : i32
        scf.if %cond3A_188 {
          %sub3A = arith.constant 1 : i32
          %sub3A_232 = arith.subi %add3A_170, %sub3A : i32
          %mul3A_233 = arith.constant 40 : i32
          %mul3A_234 = arith.muli %sub3A_232, %mul3A_233 : i32
          %add3A_235 = arith.addi %mul3A_2, %mul3A_234 : i32
          %dma_wait3A_236 = arith.constant 0 : i32
          %dma_wait3A_237 = tpu.memref_slice %arg7[%add3A_235, %dma_wait3A_236] : memref<320000x128xf32, #tpu.memory_space<hbm>> -> memref<40x128xf32, #tpu.memory_space<hbm>>
          %dma_wait3A_238 = arith.constant 0 : i32
          %dma_wait3A_239 = tpu.memref_slice %arg7[%add3A_235, %dma_wait3A_238] : memref<320000x128xf32, #tpu.memory_space<hbm>> -> memref<40x128xf32, #tpu.memory_space<hbm>>
          tpu.wait_dma2 semaphore(%arg34 : memref<!tpu.dma_semaphore, #tpu.memory_space<semaphore_mem>>) src(%arg21 : memref<40x128xf32, #tpu.memory_space<vmem>>) dst(%dma_wait3A_239 : memref<40x128xf32, #tpu.memory_space<hbm>>)
          %dma_wait3A_240 = arith.constant 0 : i32
          %dma_wait3A_241 = arith.constant 0 : i32
          %dma_wait3A_242 = tpu.memref_slice %arg30[%dma_wait3A_240, %dma_wait3A_241] : memref<10112x128xf32, #tpu.memory_space<vmem_shared>> -> memref<10112x128xf32, #tpu.memory_space<vmem_shared>>
          tpu.wait_indirect_dma semaphore(%arg37 : memref<!tpu.dma_semaphore, #tpu.memory_space<semaphore_mem>>) src(%arg21 : memref<40x128xf32, #tpu.memory_space<vmem>>) dst(%dma_wait3A_242 : memref<10112x128xf32, #tpu.memory_space<vmem_shared>>)
        } else {
        }
        %add3A_189 = arith.constant 2 : i32
        %add3A_190 = arith.addi %add3A_170, %add3A_189 : i32
        %le3A_191 = arith.constant 249 : i32
        %le3A_192 = arith.cmpi sle, %add3A_190, %le3A_191 : i32
        %convert_element_type3A_193 = arith.extui %le3A_192 : i1 to i32
        %cond3A_194 = arith.constant 0 : i32
        %cond3A_195 = arith.cmpi ne, %convert_element_type3A_193, %cond3A_194 : i32
        scf.if %cond3A_195 {
          %add3A_232 = arith.constant 2 : i32
          %add3A_233 = arith.addi %add3A_170, %add3A_232 : i32
          %dma_wait3A_234 = arith.constant 0 : i32
          %dma_wait3A_235 = tpu.memref_slice %arg5[%add3A, %add3A_233, %dma_wait3A_234] : memref<32x250x40xi32, #tpu.memory_space<hbm>> -> memref<1x1x40xi32, #tpu.memory_space<hbm>>
          %dma_wait3A_236 = tpu.memref_squeeze %dma_wait3A_235 : memref<1x1x40xi32, #tpu.memory_space<hbm>> -> memref<40xi32, #tpu.memory_space<hbm>>
          %dma_wait3A_237 = arith.constant 0 : i32
          %dma_wait3A_238 = tpu.memref_slice %arg5[%add3A, %add3A_233, %dma_wait3A_237] : memref<32x250x40xi32, #tpu.memory_space<hbm>> -> memref<1x1x40xi32, #tpu.memory_space<hbm>>
          %dma_wait3A_239 = tpu.memref_squeeze %dma_wait3A_238 : memref<1x1x40xi32, #tpu.memory_space<hbm>> -> memref<40xi32, #tpu.memory_space<hbm>>
          tpu.wait_dma2 semaphore(%arg40 : memref<!tpu.dma_semaphore, #tpu.memory_space<semaphore_mem>>) src(%dma_wait3A_239 : memref<40xi32, #tpu.memory_space<hbm>>) dst(%arg9 : memref<40xi32, #tpu.memory_space<vmem>>)
          %dma_wait3A_240 = arith.constant 0 : i32
          %dma_wait3A_241 = tpu.memref_slice %arg6[%add3A, %add3A_233, %dma_wait3A_240] : memref<32x250x40xi32, #tpu.memory_space<hbm>> -> memref<1x1x40xi32, #tpu.memory_space<hbm>>
          %dma_wait3A_242 = tpu.memref_squeeze %dma_wait3A_241 : memref<1x1x40xi32, #tpu.memory_space<hbm>> -> memref<40xi32, #tpu.memory_space<hbm>>
          %dma_wait3A_243 = arith.constant 0 : i32
          %dma_wait3A_244 = tpu.memref_slice %arg6[%add3A, %add3A_233, %dma_wait3A_243] : memref<32x250x40xi32, #tpu.memory_space<hbm>> -> memref<1x1x40xi32, #tpu.memory_space<hbm>>
          %dma_wait3A_245 = tpu.memref_squeeze %dma_wait3A_244 : memref<1x1x40xi32, #tpu.memory_space<hbm>> -> memref<40xi32, #tpu.memory_space<hbm>>
          tpu.wait_dma2 semaphore(%arg40 : memref<!tpu.dma_semaphore, #tpu.memory_space<semaphore_mem>>) src(%dma_wait3A_245 : memref<40xi32, #tpu.memory_space<hbm>>) dst(%arg15 : memref<40xi32, #tpu.memory_space<vmem>>)
          %add3A_246 = arith.constant 2 : i32
          %add3A_247 = arith.addi %add3A_170, %add3A_246 : i32
          %dma_start3A_248 = arith.constant 0 : i32
          %dma_start3A_249 = arith.constant 0 : i32
          %dma_start3A_250 = tpu.memref_slice %arg2[%dma_start3A_248, %dma_start3A_249] : memref<10000x128xf32, #tpu.memory_space<hbm>> -> memref<10000x128xf32, #tpu.memory_space<hbm>>
          tpu.enqueue_indirect_dma source(%dma_start3A_250 : memref<10000x128xf32, #tpu.memory_space<hbm>>) target(%arg21 : memref<40x128xf32, #tpu.memory_space<vmem>>) offsets(%arg9 : memref<40xi32, #tpu.memory_space<vmem>>) semaphore(%arg31 : memref<!tpu.dma_semaphore, #tpu.memory_space<semaphore_mem>>)
          %dma_start3A_251 = arith.constant 0 : i32
          %dma_start3A_252 = arith.constant 0 : i32
          %dma_start3A_253 = tpu.memref_slice %arg3[%dma_start3A_251, %dma_start3A_252] : memref<10000x128xf32, #tpu.memory_space<hbm>> -> memref<10000x128xf32, #tpu.memory_space<hbm>>
          tpu.enqueue_indirect_dma source(%dma_start3A_253 : memref<10000x128xf32, #tpu.memory_space<hbm>>) target(%arg24 : memref<40x128xf32, #tpu.memory_space<vmem>>) offsets(%arg15 : memref<40xi32, #tpu.memory_space<vmem>>) semaphore(%arg31 : memref<!tpu.dma_semaphore, #tpu.memory_space<semaphore_mem>>)
          %mul3A_254 = arith.constant 40 : i32
          %mul3A_255 = arith.muli %add3A_247, %mul3A_254 : i32
          %add3A_256 = arith.addi %mul3A_2, %mul3A_255 : i32
          %dma_start3A_257 = arith.constant 0 : i32
          %dma_start3A_258 = tpu.memref_slice %arg4[%add3A_256, %dma_start3A_257] : memref<320000x128xf32, #tpu.memory_space<hbm>> -> memref<40x128xf32, #tpu.memory_space<hbm>>
          %dma_start3A_259 = arith.constant 0 : i32
          %dma_start3A_260 = tpu.memref_slice %arg4[%add3A_256, %dma_start3A_259] : memref<320000x128xf32, #tpu.memory_space<hbm>> -> memref<40x128xf32, #tpu.memory_space<hbm>>
          tpu.enqueue_dma source(%dma_start3A_260 : memref<40x128xf32, #tpu.memory_space<hbm>>) target(%arg27 : memref<40x128xf32, #tpu.memory_space<vmem>>) target_semaphore(%arg31 : memref<!tpu.dma_semaphore, #tpu.memory_space<semaphore_mem>>)
        } else {
        }
        %dma_wait3A_196 = arith.constant 0 : i32
        %dma_wait3A_197 = arith.constant 0 : i32
        %dma_wait3A_198 = tpu.memref_slice %arg2[%dma_wait3A_196, %dma_wait3A_197] : memref<10000x128xf32, #tpu.memory_space<hbm>> -> memref<10000x128xf32, #tpu.memory_space<hbm>>
        tpu.wait_indirect_dma semaphore(%arg32 : memref<!tpu.dma_semaphore, #tpu.memory_space<semaphore_mem>>) src(%dma_wait3A_198 : memref<10000x128xf32, #tpu.memory_space<hbm>>) dst(%arg22 : memref<40x128xf32, #tpu.memory_space<vmem>>)
        %dma_wait3A_199 = arith.constant 0 : i32
        %dma_wait3A_200 = arith.constant 0 : i32
        %dma_wait3A_201 = tpu.memref_slice %arg3[%dma_wait3A_199, %dma_wait3A_200] : memref<10000x128xf32, #tpu.memory_space<hbm>> -> memref<10000x128xf32, #tpu.memory_space<hbm>>
        tpu.wait_indirect_dma semaphore(%arg32 : memref<!tpu.dma_semaphore, #tpu.memory_space<semaphore_mem>>) src(%dma_wait3A_201 : memref<10000x128xf32, #tpu.memory_space<hbm>>) dst(%arg25 : memref<40x128xf32, #tpu.memory_space<vmem>>)
        %mul3A_202 = arith.constant 40 : i32
        %mul3A_203 = arith.muli %add3A_170, %mul3A_202 : i32
        %add3A_204 = arith.addi %mul3A_2, %mul3A_203 : i32
        %dma_wait3A_205 = arith.constant 0 : i32
        %dma_wait3A_206 = tpu.memref_slice %arg4[%add3A_204, %dma_wait3A_205] : memref<320000x128xf32, #tpu.memory_space<hbm>> -> memref<40x128xf32, #tpu.memory_space<hbm>>
        %dma_wait3A_207 = arith.constant 0 : i32
        %dma_wait3A_208 = tpu.memref_slice %arg4[%add3A_204, %dma_wait3A_207] : memref<320000x128xf32, #tpu.memory_space<hbm>> -> memref<40x128xf32, #tpu.memory_space<hbm>>
        tpu.wait_dma2 semaphore(%arg32 : memref<!tpu.dma_semaphore, #tpu.memory_space<semaphore_mem>>) src(%dma_wait3A_208 : memref<40x128xf32, #tpu.memory_space<hbm>>) dst(%arg28 : memref<40x128xf32, #tpu.memory_space<vmem>>)
        %add3A_209 = arith.constant 3 : i32
        %add3A_210 = arith.addi %add3A_170, %add3A_209 : i32
        %le3A_211 = arith.constant 249 : i32
        %le3A_212 = arith.cmpi sle, %add3A_210, %le3A_211 : i32
        %convert_element_type3A_213 = arith.extui %le3A_212 : i1 to i32
        %cond3A_214 = arith.constant 0 : i32
        %cond3A_215 = arith.cmpi ne, %convert_element_type3A_213, %cond3A_214 : i32
        scf.if %cond3A_215 {
          %add3A_232 = arith.constant 3 : i32
          %add3A_233 = arith.addi %add3A_170, %add3A_232 : i32
          %dma_start3A_234 = arith.constant 0 : i32
          %dma_start3A_235 = tpu.memref_slice %arg5[%add3A, %add3A_233, %dma_start3A_234] : memref<32x250x40xi32, #tpu.memory_space<hbm>> -> memref<1x1x40xi32, #tpu.memory_space<hbm>>
          %dma_start3A_236 = tpu.memref_squeeze %dma_start3A_235 : memref<1x1x40xi32, #tpu.memory_space<hbm>> -> memref<40xi32, #tpu.memory_space<hbm>>
          %dma_start3A_237 = arith.constant 0 : i32
          %dma_start3A_238 = tpu.memref_slice %arg5[%add3A, %add3A_233, %dma_start3A_237] : memref<32x250x40xi32, #tpu.memory_space<hbm>> -> memref<1x1x40xi32, #tpu.memory_space<hbm>>
          %dma_start3A_239 = tpu.memref_squeeze %dma_start3A_238 : memref<1x1x40xi32, #tpu.memory_space<hbm>> -> memref<40xi32, #tpu.memory_space<hbm>>
          tpu.enqueue_dma source(%dma_start3A_239 : memref<40xi32, #tpu.memory_space<hbm>>) target(%arg10 : memref<40xi32, #tpu.memory_space<vmem>>) target_semaphore(%arg41 : memref<!tpu.dma_semaphore, #tpu.memory_space<semaphore_mem>>)
          %dma_start3A_240 = arith.constant 0 : i32
          %dma_start3A_241 = tpu.memref_slice %arg6[%add3A, %add3A_233, %dma_start3A_240] : memref<32x250x40xi32, #tpu.memory_space<hbm>> -> memref<1x1x40xi32, #tpu.memory_space<hbm>>
          %dma_start3A_242 = tpu.memref_squeeze %dma_start3A_241 : memref<1x1x40xi32, #tpu.memory_space<hbm>> -> memref<40xi32, #tpu.memory_space<hbm>>
          %dma_start3A_243 = arith.constant 0 : i32
          %dma_start3A_244 = tpu.memref_slice %arg6[%add3A, %add3A_233, %dma_start3A_243] : memref<32x250x40xi32, #tpu.memory_space<hbm>> -> memref<1x1x40xi32, #tpu.memory_space<hbm>>
          %dma_start3A_245 = tpu.memref_squeeze %dma_start3A_244 : memref<1x1x40xi32, #tpu.memory_space<hbm>> -> memref<40xi32, #tpu.memory_space<hbm>>
          tpu.enqueue_dma source(%dma_start3A_245 : memref<40xi32, #tpu.memory_space<hbm>>) target(%arg16 : memref<40xi32, #tpu.memory_space<vmem>>) target_semaphore(%arg41 : memref<!tpu.dma_semaphore, #tpu.memory_space<semaphore_mem>>)
        } else {
        }
        %scan3A_216 = arith.constant 0 : i32
        %scan3A_217 = arith.constant 0 : i32
        %scan3A_218 = arith.constant 40 : i32
        %scan3A_219 = arith.addi %scan3A_217, %scan3A_218 : i32
        %scan3A_220 = arith.constant 1 : i32
        scf.for %scan3A_232 = %scan3A_217 to %scan3A_219 step %scan3A_220  : i32 {
          %get3A = arith.index_cast %scan3A_232 : i32 to index
          %get3A_233 = arith.constant 0 : index
          %get3A_234 = tpu.vector_load %arg22[%get3A, %get3A_233] {strides = array<i32>} : memref<40x128xf32, #tpu.memory_space<vmem>>, vector<1x16xf32>,
          %get3A_235 = vector.shape_cast %get3A_234 : vector<1x16xf32> to vector<16xf32>
          %get3A_236 = arith.index_cast %scan3A_232 : i32 to index
          %get3A_237 = arith.constant 0 : index
          %get3A_238 = tpu.vector_load %arg25[%get3A_236, %get3A_237] {strides = array<i32>} : memref<40x128xf32, #tpu.memory_space<vmem>>, vector<1x16xf32>,
          %get3A_239 = vector.shape_cast %get3A_238 : vector<1x16xf32> to vector<16xf32>
          %add3A_240 = arith.addf %get3A_235, %get3A_239 : vector<16xf32>
          %get3A_241 = arith.index_cast %scan3A_232 : i32 to index
          %get3A_242 = arith.constant 0 : index
          %get3A_243 = tpu.vector_load %arg28[%get3A_241, %get3A_242] {strides = array<i32>} : memref<40x128xf32, #tpu.memory_space<vmem>>, vector<1x16xf32>,
          %get3A_244 = vector.shape_cast %get3A_243 : vector<1x16xf32> to vector<16xf32>
          %mul3A_245 = arith.mulf %add3A_240, %get3A_244 : vector<16xf32>
          %swap3A = arith.index_cast %scan3A_232 : i32 to index
          %swap3A_246 = arith.constant 0 : index
          %swap3A_247 = tpu.vector_load %arg22[%swap3A, %swap3A_246] {strides = array<i32>} : memref<40x128xf32, #tpu.memory_space<vmem>>, vector<1x16xf32>,
          %swap3A_248 = vector.shape_cast %swap3A_247 : vector<1x16xf32> to vector<16xf32>
          %swap3A_249 = vector.shape_cast %mul3A_245 : vector<16xf32> to vector<1x16xf32>
          tpu.vector_store %arg22[%swap3A, %swap3A_246], %swap3A_249 {strides = array<i32>} : memref<40x128xf32, #tpu.memory_space<vmem>>, vector<1x16xf32>,
          %get3A_250 = arith.index_cast %scan3A_232 : i32 to index
          %get3A_251 = arith.constant 16 : index
          %get3A_252 = tpu.vector_load %arg22[%get3A_250, %get3A_251] {strides = array<i32>} : memref<40x128xf32, #tpu.memory_space<vmem>>, vector<1x16xf32>,
          %get3A_253 = vector.shape_cast %get3A_252 : vector<1x16xf32> to vector<16xf32>
          %get3A_254 = arith.index_cast %scan3A_232 : i32 to index
          %get3A_255 = arith.constant 16 : index
          %get3A_256 = tpu.vector_load %arg25[%get3A_254, %get3A_255] {strides = array<i32>} : memref<40x128xf32, #tpu.memory_space<vmem>>, vector<1x16xf32>,
          %get3A_257 = vector.shape_cast %get3A_256 : vector<1x16xf32> to vector<16xf32>
          %add3A_258 = arith.addf %get3A_253, %get3A_257 : vector<16xf32>
          %get3A_259 = arith.index_cast %scan3A_232 : i32 to index
          %get3A_260 = arith.constant 16 : index
          %get3A_261 = tpu.vector_load %arg28[%get3A_259, %get3A_260] {strides = array<i32>} : memref<40x128xf32, #tpu.memory_space<vmem>>, vector<1x16xf32>,
          %get3A_262 = vector.shape_cast %get3A_261 : vector<1x16xf32> to vector<16xf32>
          %mul3A_263 = arith.mulf %add3A_258, %get3A_262 : vector<16xf32>
          %swap3A_264 = arith.index_cast %scan3A_232 : i32 to index
          %swap3A_265 = arith.constant 16 : index
          %swap3A_266 = tpu.vector_load %arg22[%swap3A_264, %swap3A_265] {strides = array<i32>} : memref<40x128xf32, #tpu.memory_space<vmem>>, vector<1x16xf32>,
          %swap3A_267 = vector.shape_cast %swap3A_266 : vector<1x16xf32> to vector<16xf32>
          %swap3A_268 = vector.shape_cast %mul3A_263 : vector<16xf32> to vector<1x16xf32>
          tpu.vector_store %arg22[%swap3A_264, %swap3A_265], %swap3A_268 {strides = array<i32>} : memref<40x128xf32, #tpu.memory_space<vmem>>, vector<1x16xf32>,
          %get3A_269 = arith.index_cast %scan3A_232 : i32 to index
          %get3A_270 = arith.constant 32 : index
          %get3A_271 = tpu.vector_load %arg22[%get3A_269, %get3A_270] {strides = array<i32>} : memref<40x128xf32, #tpu.memory_space<vmem>>, vector<1x16xf32>,
          %get3A_272 = vector.shape_cast %get3A_271 : vector<1x16xf32> to vector<16xf32>
          %get3A_273 = arith.index_cast %scan3A_232 : i32 to index
          %get3A_274 = arith.constant 32 : index
          %get3A_275 = tpu.vector_load %arg25[%get3A_273, %get3A_274] {strides = array<i32>} : memref<40x128xf32, #tpu.memory_space<vmem>>, vector<1x16xf32>,
          %get3A_276 = vector.shape_cast %get3A_275 : vector<1x16xf32> to vector<16xf32>
          %add3A_277 = arith.addf %get3A_272, %get3A_276 : vector<16xf32>
          %get3A_278 = arith.index_cast %scan3A_232 : i32 to index
          %get3A_279 = arith.constant 32 : index
          %get3A_280 = tpu.vector_load %arg28[%get3A_278, %get3A_279] {strides = array<i32>} : memref<40x128xf32, #tpu.memory_space<vmem>>, vector<1x16xf32>,
          %get3A_281 = vector.shape_cast %get3A_280 : vector<1x16xf32> to vector<16xf32>
          %mul3A_282 = arith.mulf %add3A_277, %get3A_281 : vector<16xf32>
          %swap3A_283 = arith.index_cast %scan3A_232 : i32 to index
          %swap3A_284 = arith.constant 32 : index
          %swap3A_285 = tpu.vector_load %arg22[%swap3A_283, %swap3A_284] {strides = array<i32>} : memref<40x128xf32, #tpu.memory_space<vmem>>, vector<1x16xf32>,
          %swap3A_286 = vector.shape_cast %swap3A_285 : vector<1x16xf32> to vector<16xf32>
          %swap3A_287 = vector.shape_cast %mul3A_282 : vector<16xf32> to vector<1x16xf32>
          tpu.vector_store %arg22[%swap3A_283, %swap3A_284], %swap3A_287 {strides = array<i32>} : memref<40x128xf32, #tpu.memory_space<vmem>>, vector<1x16xf32>,
          %get3A_288 = arith.index_cast %scan3A_232 : i32 to index
          %get3A_289 = arith.constant 48 : index
          %get3A_290 = tpu.vector_load %arg22[%get3A_288, %get3A_289] {strides = array<i32>} : memref<40x128xf32, #tpu.memory_space<vmem>>, vector<1x16xf32>,
          %get3A_291 = vector.shape_cast %get3A_290 : vector<1x16xf32> to vector<16xf32>
          %get3A_292 = arith.index_cast %scan3A_232 : i32 to index
          %get3A_293 = arith.constant 48 : index
          %get3A_294 = tpu.vector_load %arg25[%get3A_292, %get3A_293] {strides = array<i32>} : memref<40x128xf32, #tpu.memory_space<vmem>>, vector<1x16xf32>,
          %get3A_295 = vector.shape_cast %get3A_294 : vector<1x16xf32> to vector<16xf32>
          %add3A_296 = arith.addf %get3A_291, %get3A_295 : vector<16xf32>
          %get3A_297 = arith.index_cast %scan3A_232 : i32 to index
          %get3A_298 = arith.constant 48 : index
          %get3A_299 = tpu.vector_load %arg28[%get3A_297, %get3A_298] {strides = array<i32>} : memref<40x128xf32, #tpu.memory_space<vmem>>, vector<1x16xf32>,
          %get3A_300 = vector.shape_cast %get3A_299 : vector<1x16xf32> to vector<16xf32>
          %mul3A_301 = arith.mulf %add3A_296, %get3A_300 : vector<16xf32>
          %swap3A_302 = arith.index_cast %scan3A_232 : i32 to index
          %swap3A_303 = arith.constant 48 : index
          %swap3A_304 = tpu.vector_load %arg22[%swap3A_302, %swap3A_303] {strides = array<i32>} : memref<40x128xf32, #tpu.memory_space<vmem>>, vector<1x16xf32>,
          %swap3A_305 = vector.shape_cast %swap3A_304 : vector<1x16xf32> to vector<16xf32>
          %swap3A_306 = vector.shape_cast %mul3A_301 : vector<16xf32> to vector<1x16xf32>
          tpu.vector_store %arg22[%swap3A_302, %swap3A_303], %swap3A_306 {strides = array<i32>} : memref<40x128xf32, #tpu.memory_space<vmem>>, vector<1x16xf32>,
          %get3A_307 = arith.index_cast %scan3A_232 : i32 to index
          %get3A_308 = arith.constant 64 : index
          %get3A_309 = tpu.vector_load %arg22[%get3A_307, %get3A_308] {strides = array<i32>} : memref<40x128xf32, #tpu.memory_space<vmem>>, vector<1x16xf32>,
          %get3A_310 = vector.shape_cast %get3A_309 : vector<1x16xf32> to vector<16xf32>
          %get3A_311 = arith.index_cast %scan3A_232 : i32 to index
          %get3A_312 = arith.constant 64 : index
          %get3A_313 = tpu.vector_load %arg25[%get3A_311, %get3A_312] {strides = array<i32>} : memref<40x128xf32, #tpu.memory_space<vmem>>, vector<1x16xf32>,
          %get3A_314 = vector.shape_cast %get3A_313 : vector<1x16xf32> to vector<16xf32>
          %add3A_315 = arith.addf %get3A_310, %get3A_314 : vector<16xf32>
          %get3A_316 = arith.index_cast %scan3A_232 : i32 to index
          %get3A_317 = arith.constant 64 : index
          %get3A_318 = tpu.vector_load %arg28[%get3A_316, %get3A_317] {strides = array<i32>} : memref<40x128xf32, #tpu.memory_space<vmem>>, vector<1x16xf32>,
          %get3A_319 = vector.shape_cast %get3A_318 : vector<1x16xf32> to vector<16xf32>
          %mul3A_320 = arith.mulf %add3A_315, %get3A_319 : vector<16xf32>
          %swap3A_321 = arith.index_cast %scan3A_232 : i32 to index
          %swap3A_322 = arith.constant 64 : index
          %swap3A_323 = tpu.vector_load %arg22[%swap3A_321, %swap3A_322] {strides = array<i32>} : memref<40x128xf32, #tpu.memory_space<vmem>>, vector<1x16xf32>,
          %swap3A_324 = vector.shape_cast %swap3A_323 : vector<1x16xf32> to vector<16xf32>
          %swap3A_325 = vector.shape_cast %mul3A_320 : vector<16xf32> to vector<1x16xf32>
          tpu.vector_store %arg22[%swap3A_321, %swap3A_322], %swap3A_325 {strides = array<i32>} : memref<40x128xf32, #tpu.memory_space<vmem>>, vector<1x16xf32>,
          %get3A_326 = arith.index_cast %scan3A_232 : i32 to index
          %get3A_327 = arith.constant 80 : index
          %get3A_328 = tpu.vector_load %arg22[%get3A_326, %get3A_327] {strides = array<i32>} : memref<40x128xf32, #tpu.memory_space<vmem>>, vector<1x16xf32>,
          %get3A_329 = vector.shape_cast %get3A_328 : vector<1x16xf32> to vector<16xf32>
          %get3A_330 = arith.index_cast %scan3A_232 : i32 to index
          %get3A_331 = arith.constant 80 : index
          %get3A_332 = tpu.vector_load %arg25[%get3A_330, %get3A_331] {strides = array<i32>} : memref<40x128xf32, #tpu.memory_space<vmem>>, vector<1x16xf32>,
          %get3A_333 = vector.shape_cast %get3A_332 : vector<1x16xf32> to vector<16xf32>
          %add3A_334 = arith.addf %get3A_329, %get3A_333 : vector<16xf32>
          %get3A_335 = arith.index_cast %scan3A_232 : i32 to index
          %get3A_336 = arith.constant 80 : index
          %get3A_337 = tpu.vector_load %arg28[%get3A_335, %get3A_336] {strides = array<i32>} : memref<40x128xf32, #tpu.memory_space<vmem>>, vector<1x16xf32>,
          %get3A_338 = vector.shape_cast %get3A_337 : vector<1x16xf32> to vector<16xf32>
          %mul3A_339 = arith.mulf %add3A_334, %get3A_338 : vector<16xf32>
          %swap3A_340 = arith.index_cast %scan3A_232 : i32 to index
          %swap3A_341 = arith.constant 80 : index
          %swap3A_342 = tpu.vector_load %arg22[%swap3A_340, %swap3A_341] {strides = array<i32>} : memref<40x128xf32, #tpu.memory_space<vmem>>, vector<1x16xf32>,
          %swap3A_343 = vector.shape_cast %swap3A_342 : vector<1x16xf32> to vector<16xf32>
          %swap3A_344 = vector.shape_cast %mul3A_339 : vector<16xf32> to vector<1x16xf32>
          tpu.vector_store %arg22[%swap3A_340, %swap3A_341], %swap3A_344 {strides = array<i32>} : memref<40x128xf32, #tpu.memory_space<vmem>>, vector<1x16xf32>,
          %get3A_345 = arith.index_cast %scan3A_232 : i32 to index
          %get3A_346 = arith.constant 96 : index
          %get3A_347 = tpu.vector_load %arg22[%get3A_345, %get3A_346] {strides = array<i32>} : memref<40x128xf32, #tpu.memory_space<vmem>>, vector<1x16xf32>,
          %get3A_348 = vector.shape_cast %get3A_347 : vector<1x16xf32> to vector<16xf32>
          %get3A_349 = arith.index_cast %scan3A_232 : i32 to index
          %get3A_350 = arith.constant 96 : index
          %get3A_351 = tpu.vector_load %arg25[%get3A_349, %get3A_350] {strides = array<i32>} : memref<40x128xf32, #tpu.memory_space<vmem>>, vector<1x16xf32>,
          %get3A_352 = vector.shape_cast %get3A_351 : vector<1x16xf32> to vector<16xf32>
          %add3A_353 = arith.addf %get3A_348, %get3A_352 : vector<16xf32>
          %get3A_354 = arith.index_cast %scan3A_232 : i32 to index
          %get3A_355 = arith.constant 96 : index
          %get3A_356 = tpu.vector_load %arg28[%get3A_354, %get3A_355] {strides = array<i32>} : memref<40x128xf32, #tpu.memory_space<vmem>>, vector<1x16xf32>,
          %get3A_357 = vector.shape_cast %get3A_356 : vector<1x16xf32> to vector<16xf32>
          %mul3A_358 = arith.mulf %add3A_353, %get3A_357 : vector<16xf32>
          %swap3A_359 = arith.index_cast %scan3A_232 : i32 to index
          %swap3A_360 = arith.constant 96 : index
          %swap3A_361 = tpu.vector_load %arg22[%swap3A_359, %swap3A_360] {strides = array<i32>} : memref<40x128xf32, #tpu.memory_space<vmem>>, vector<1x16xf32>,
          %swap3A_362 = vector.shape_cast %swap3A_361 : vector<1x16xf32> to vector<16xf32>
          %swap3A_363 = vector.shape_cast %mul3A_358 : vector<16xf32> to vector<1x16xf32>
          tpu.vector_store %arg22[%swap3A_359, %swap3A_360], %swap3A_363 {strides = array<i32>} : memref<40x128xf32, #tpu.memory_space<vmem>>, vector<1x16xf32>,
          %get3A_364 = arith.index_cast %scan3A_232 : i32 to index
          %get3A_365 = arith.constant 112 : index
          %get3A_366 = tpu.vector_load %arg22[%get3A_364, %get3A_365] {strides = array<i32>} : memref<40x128xf32, #tpu.memory_space<vmem>>, vector<1x16xf32>,
          %get3A_367 = vector.shape_cast %get3A_366 : vector<1x16xf32> to vector<16xf32>
          %get3A_368 = arith.index_cast %scan3A_232 : i32 to index
          %get3A_369 = arith.constant 112 : index
          %get3A_370 = tpu.vector_load %arg25[%get3A_368, %get3A_369] {strides = array<i32>} : memref<40x128xf32, #tpu.memory_space<vmem>>, vector<1x16xf32>,
          %get3A_371 = vector.shape_cast %get3A_370 : vector<1x16xf32> to vector<16xf32>
          %add3A_372 = arith.addf %get3A_367, %get3A_371 : vector<16xf32>
          %get3A_373 = arith.index_cast %scan3A_232 : i32 to index
          %get3A_374 = arith.constant 112 : index
          %get3A_375 = tpu.vector_load %arg28[%get3A_373, %get3A_374] {strides = array<i32>} : memref<40x128xf32, #tpu.memory_space<vmem>>, vector<1x16xf32>,
          %get3A_376 = vector.shape_cast %get3A_375 : vector<1x16xf32> to vector<16xf32>
          %mul3A_377 = arith.mulf %add3A_372, %get3A_376 : vector<16xf32>
          %swap3A_378 = arith.index_cast %scan3A_232 : i32 to index
          %swap3A_379 = arith.constant 112 : index
          %swap3A_380 = tpu.vector_load %arg22[%swap3A_378, %swap3A_379] {strides = array<i32>} : memref<40x128xf32, #tpu.memory_space<vmem>>, vector<1x16xf32>,
          %swap3A_381 = vector.shape_cast %swap3A_380 : vector<1x16xf32> to vector<16xf32>
          %swap3A_382 = vector.shape_cast %mul3A_377 : vector<16xf32> to vector<1x16xf32>
          tpu.vector_store %arg22[%swap3A_378, %swap3A_379], %swap3A_382 {strides = array<i32>} : memref<40x128xf32, #tpu.memory_space<vmem>>, vector<1x16xf32>,
        }
        %scan3A_221 = arith.constant 40 : i32
        %mul3A_222 = arith.constant 40 : i32
        %mul3A_223 = arith.muli %add3A_170, %mul3A_222 : i32
        %add3A_224 = arith.addi %mul3A_2, %mul3A_223 : i32
        %dma_start3A_225 = arith.constant 0 : i32
        %dma_start3A_226 = tpu.memref_slice %arg7[%add3A_224, %dma_start3A_225] : memref<320000x128xf32, #tpu.memory_space<hbm>> -> memref<40x128xf32, #tpu.memory_space<hbm>>
        %dma_start3A_227 = arith.constant 0 : i32
        %dma_start3A_228 = tpu.memref_slice %arg7[%add3A_224, %dma_start3A_227] : memref<320000x128xf32, #tpu.memory_space<hbm>> -> memref<40x128xf32, #tpu.memory_space<hbm>>
        tpu.enqueue_dma source(%arg22 : memref<40x128xf32, #tpu.memory_space<vmem>>) target(%dma_start3A_228 : memref<40x128xf32, #tpu.memory_space<hbm>>) target_semaphore(%arg35 : memref<!tpu.dma_semaphore, #tpu.memory_space<semaphore_mem>>)
        %dma_start3A_229 = arith.constant 0 : i32
        %dma_start3A_230 = arith.constant 0 : i32
        %dma_start3A_231 = tpu.memref_slice %arg30[%dma_start3A_229, %dma_start3A_230] : memref<10112x128xf32, #tpu.memory_space<vmem_shared>> -> memref<10112x128xf32, #tpu.memory_space<vmem_shared>>
        tpu.enqueue_indirect_dma source(%arg22 : memref<40x128xf32, #tpu.memory_space<vmem>>) target(%dma_start3A_231 : memref<10112x128xf32, #tpu.memory_space<vmem_shared>>) offsets(%arg13 : memref<40xi32, #tpu.memory_space<vmem>>) semaphore(%arg38 : memref<!tpu.dma_semaphore, #tpu.memory_space<semaphore_mem>>) {add = true}
      } else {
      }
      %mul3A_176 = arith.constant 6 : i32
      %mul3A_177 = arith.muli %mul3A_176, %scan3A_133 : i32
      %add3A_178 = arith.constant 5 : i32
      %add3A_179 = arith.addi %mul3A_177, %add3A_178 : i32
      %le3A_180 = arith.constant 249 : i32
      %le3A_181 = arith.cmpi sle, %add3A_179, %le3A_180 : i32
      %convert_element_type3A_182 = arith.extui %le3A_181 : i1 to i32
      %cond3A_183 = arith.constant 0 : i32
      %cond3A_184 = arith.cmpi ne, %convert_element_type3A_182, %cond3A_183 : i32
      scf.if %cond3A_184 {
        %ge3A = arith.constant 1 : i32
        %ge3A_185 = arith.cmpi sge, %add3A_179, %ge3A : i32
        %convert_element_type3A_186 = arith.extui %ge3A_185 : i1 to i32
        %cond3A_187 = arith.constant 0 : i32
        %cond3A_188 = arith.cmpi ne, %convert_element_type3A_186, %cond3A_187 : i32
        scf.if %cond3A_188 {
          %sub3A = arith.constant 1 : i32
          %sub3A_232 = arith.subi %add3A_179, %sub3A : i32
          %mul3A_233 = arith.constant 40 : i32
          %mul3A_234 = arith.muli %sub3A_232, %mul3A_233 : i32
          %add3A_235 = arith.addi %mul3A_2, %mul3A_234 : i32
          %dma_wait3A_236 = arith.constant 0 : i32
          %dma_wait3A_237 = tpu.memref_slice %arg7[%add3A_235, %dma_wait3A_236] : memref<320000x128xf32, #tpu.memory_space<hbm>> -> memref<40x128xf32, #tpu.memory_space<hbm>>
          %dma_wait3A_238 = arith.constant 0 : i32
          %dma_wait3A_239 = tpu.memref_slice %arg7[%add3A_235, %dma_wait3A_238] : memref<320000x128xf32, #tpu.memory_space<hbm>> -> memref<40x128xf32, #tpu.memory_space<hbm>>
          tpu.wait_dma2 semaphore(%arg35 : memref<!tpu.dma_semaphore, #tpu.memory_space<semaphore_mem>>) src(%arg22 : memref<40x128xf32, #tpu.memory_space<vmem>>) dst(%dma_wait3A_239 : memref<40x128xf32, #tpu.memory_space<hbm>>)
          %dma_wait3A_240 = arith.constant 0 : i32
          %dma_wait3A_241 = arith.constant 0 : i32
          %dma_wait3A_242 = tpu.memref_slice %arg30[%dma_wait3A_240, %dma_wait3A_241] : memref<10112x128xf32, #tpu.memory_space<vmem_shared>> -> memref<10112x128xf32, #tpu.memory_space<vmem_shared>>
          tpu.wait_indirect_dma semaphore(%arg38 : memref<!tpu.dma_semaphore, #tpu.memory_space<semaphore_mem>>) src(%arg22 : memref<40x128xf32, #tpu.memory_space<vmem>>) dst(%dma_wait3A_242 : memref<10112x128xf32, #tpu.memory_space<vmem_shared>>)
        } else {
        }
        %add3A_189 = arith.constant 2 : i32
        %add3A_190 = arith.addi %add3A_179, %add3A_189 : i32
        %le3A_191 = arith.constant 249 : i32
        %le3A_192 = arith.cmpi sle, %add3A_190, %le3A_191 : i32
        %convert_element_type3A_193 = arith.extui %le3A_192 : i1 to i32
        %cond3A_194 = arith.constant 0 : i32
        %cond3A_195 = arith.cmpi ne, %convert_element_type3A_193, %cond3A_194 : i32
        scf.if %cond3A_195 {
          %add3A_232 = arith.constant 2 : i32
          %add3A_233 = arith.addi %add3A_179, %add3A_232 : i32
          %dma_wait3A_234 = arith.constant 0 : i32
          %dma_wait3A_235 = tpu.memref_slice %arg5[%add3A, %add3A_233, %dma_wait3A_234] : memref<32x250x40xi32, #tpu.memory_space<hbm>> -> memref<1x1x40xi32, #tpu.memory_space<hbm>>
          %dma_wait3A_236 = tpu.memref_squeeze %dma_wait3A_235 : memref<1x1x40xi32, #tpu.memory_space<hbm>> -> memref<40xi32, #tpu.memory_space<hbm>>
          %dma_wait3A_237 = arith.constant 0 : i32
          %dma_wait3A_238 = tpu.memref_slice %arg5[%add3A, %add3A_233, %dma_wait3A_237] : memref<32x250x40xi32, #tpu.memory_space<hbm>> -> memref<1x1x40xi32, #tpu.memory_space<hbm>>
          %dma_wait3A_239 = tpu.memref_squeeze %dma_wait3A_238 : memref<1x1x40xi32, #tpu.memory_space<hbm>> -> memref<40xi32, #tpu.memory_space<hbm>>
          tpu.wait_dma2 semaphore(%arg41 : memref<!tpu.dma_semaphore, #tpu.memory_space<semaphore_mem>>) src(%dma_wait3A_239 : memref<40xi32, #tpu.memory_space<hbm>>) dst(%arg10 : memref<40xi32, #tpu.memory_space<vmem>>)
          %dma_wait3A_240 = arith.constant 0 : i32
          %dma_wait3A_241 = tpu.memref_slice %arg6[%add3A, %add3A_233, %dma_wait3A_240] : memref<32x250x40xi32, #tpu.memory_space<hbm>> -> memref<1x1x40xi32, #tpu.memory_space<hbm>>
          %dma_wait3A_242 = tpu.memref_squeeze %dma_wait3A_241 : memref<1x1x40xi32, #tpu.memory_space<hbm>> -> memref<40xi32, #tpu.memory_space<hbm>>
          %dma_wait3A_243 = arith.constant 0 : i32
          %dma_wait3A_244 = tpu.memref_slice %arg6[%add3A, %add3A_233, %dma_wait3A_243] : memref<32x250x40xi32, #tpu.memory_space<hbm>> -> memref<1x1x40xi32, #tpu.memory_space<hbm>>
          %dma_wait3A_245 = tpu.memref_squeeze %dma_wait3A_244 : memref<1x1x40xi32, #tpu.memory_space<hbm>> -> memref<40xi32, #tpu.memory_space<hbm>>
          tpu.wait_dma2 semaphore(%arg41 : memref<!tpu.dma_semaphore, #tpu.memory_space<semaphore_mem>>) src(%dma_wait3A_245 : memref<40xi32, #tpu.memory_space<hbm>>) dst(%arg16 : memref<40xi32, #tpu.memory_space<vmem>>)
          %add3A_246 = arith.constant 2 : i32
          %add3A_247 = arith.addi %add3A_179, %add3A_246 : i32
          %dma_start3A_248 = arith.constant 0 : i32
          %dma_start3A_249 = arith.constant 0 : i32
          %dma_start3A_250 = tpu.memref_slice %arg2[%dma_start3A_248, %dma_start3A_249] : memref<10000x128xf32, #tpu.memory_space<hbm>> -> memref<10000x128xf32, #tpu.memory_space<hbm>>
          tpu.enqueue_indirect_dma source(%dma_start3A_250 : memref<10000x128xf32, #tpu.memory_space<hbm>>) target(%arg22 : memref<40x128xf32, #tpu.memory_space<vmem>>) offsets(%arg10 : memref<40xi32, #tpu.memory_space<vmem>>) semaphore(%arg32 : memref<!tpu.dma_semaphore, #tpu.memory_space<semaphore_mem>>)
          %dma_start3A_251 = arith.constant 0 : i32
          %dma_start3A_252 = arith.constant 0 : i32
          %dma_start3A_253 = tpu.memref_slice %arg3[%dma_start3A_251, %dma_start3A_252] : memref<10000x128xf32, #tpu.memory_space<hbm>> -> memref<10000x128xf32, #tpu.memory_space<hbm>>
          tpu.enqueue_indirect_dma source(%dma_start3A_253 : memref<10000x128xf32, #tpu.memory_space<hbm>>) target(%arg25 : memref<40x128xf32, #tpu.memory_space<vmem>>) offsets(%arg16 : memref<40xi32, #tpu.memory_space<vmem>>) semaphore(%arg32 : memref<!tpu.dma_semaphore, #tpu.memory_space<semaphore_mem>>)
          %mul3A_254 = arith.constant 40 : i32
          %mul3A_255 = arith.muli %add3A_247, %mul3A_254 : i32
          %add3A_256 = arith.addi %mul3A_2, %mul3A_255 : i32
          %dma_start3A_257 = arith.constant 0 : i32
          %dma_start3A_258 = tpu.memref_slice %arg4[%add3A_256, %dma_start3A_257] : memref<320000x128xf32, #tpu.memory_space<hbm>> -> memref<40x128xf32, #tpu.memory_space<hbm>>
          %dma_start3A_259 = arith.constant 0 : i32
          %dma_start3A_260 = tpu.memref_slice %arg4[%add3A_256, %dma_start3A_259] : memref<320000x128xf32, #tpu.memory_space<hbm>> -> memref<40x128xf32, #tpu.memory_space<hbm>>
          tpu.enqueue_dma source(%dma_start3A_260 : memref<40x128xf32, #tpu.memory_space<hbm>>) target(%arg28 : memref<40x128xf32, #tpu.memory_space<vmem>>) target_semaphore(%arg32 : memref<!tpu.dma_semaphore, #tpu.memory_space<semaphore_mem>>)
        } else {
        }
        %dma_wait3A_196 = arith.constant 0 : i32
        %dma_wait3A_197 = arith.constant 0 : i32
        %dma_wait3A_198 = tpu.memref_slice %arg2[%dma_wait3A_196, %dma_wait3A_197] : memref<10000x128xf32, #tpu.memory_space<hbm>> -> memref<10000x128xf32, #tpu.memory_space<hbm>>
        tpu.wait_indirect_dma semaphore(%arg33 : memref<!tpu.dma_semaphore, #tpu.memory_space<semaphore_mem>>) src(%dma_wait3A_198 : memref<10000x128xf32, #tpu.memory_space<hbm>>) dst(%arg23 : memref<40x128xf32, #tpu.memory_space<vmem>>)
        %dma_wait3A_199 = arith.constant 0 : i32
        %dma_wait3A_200 = arith.constant 0 : i32
        %dma_wait3A_201 = tpu.memref_slice %arg3[%dma_wait3A_199, %dma_wait3A_200] : memref<10000x128xf32, #tpu.memory_space<hbm>> -> memref<10000x128xf32, #tpu.memory_space<hbm>>
        tpu.wait_indirect_dma semaphore(%arg33 : memref<!tpu.dma_semaphore, #tpu.memory_space<semaphore_mem>>) src(%dma_wait3A_201 : memref<10000x128xf32, #tpu.memory_space<hbm>>) dst(%arg26 : memref<40x128xf32, #tpu.memory_space<vmem>>)
        %mul3A_202 = arith.constant 40 : i32
        %mul3A_203 = arith.muli %add3A_179, %mul3A_202 : i32
        %add3A_204 = arith.addi %mul3A_2, %mul3A_203 : i32
        %dma_wait3A_205 = arith.constant 0 : i32
        %dma_wait3A_206 = tpu.memref_slice %arg4[%add3A_204, %dma_wait3A_205] : memref<320000x128xf32, #tpu.memory_space<hbm>> -> memref<40x128xf32, #tpu.memory_space<hbm>>
        %dma_wait3A_207 = arith.constant 0 : i32
        %dma_wait3A_208 = tpu.memref_slice %arg4[%add3A_204, %dma_wait3A_207] : memref<320000x128xf32, #tpu.memory_space<hbm>> -> memref<40x128xf32, #tpu.memory_space<hbm>>
        tpu.wait_dma2 semaphore(%arg33 : memref<!tpu.dma_semaphore, #tpu.memory_space<semaphore_mem>>) src(%dma_wait3A_208 : memref<40x128xf32, #tpu.memory_space<hbm>>) dst(%arg29 : memref<40x128xf32, #tpu.memory_space<vmem>>)
        %add3A_209 = arith.constant 3 : i32
        %add3A_210 = arith.addi %add3A_179, %add3A_209 : i32
        %le3A_211 = arith.constant 249 : i32
        %le3A_212 = arith.cmpi sle, %add3A_210, %le3A_211 : i32
        %convert_element_type3A_213 = arith.extui %le3A_212 : i1 to i32
        %cond3A_214 = arith.constant 0 : i32
        %cond3A_215 = arith.cmpi ne, %convert_element_type3A_213, %cond3A_214 : i32
        scf.if %cond3A_215 {
          %add3A_232 = arith.constant 3 : i32
          %add3A_233 = arith.addi %add3A_179, %add3A_232 : i32
          %dma_start3A_234 = arith.constant 0 : i32
          %dma_start3A_235 = tpu.memref_slice %arg5[%add3A, %add3A_233, %dma_start3A_234] : memref<32x250x40xi32, #tpu.memory_space<hbm>> -> memref<1x1x40xi32, #tpu.memory_space<hbm>>
          %dma_start3A_236 = tpu.memref_squeeze %dma_start3A_235 : memref<1x1x40xi32, #tpu.memory_space<hbm>> -> memref<40xi32, #tpu.memory_space<hbm>>
          %dma_start3A_237 = arith.constant 0 : i32
          %dma_start3A_238 = tpu.memref_slice %arg5[%add3A, %add3A_233, %dma_start3A_237] : memref<32x250x40xi32, #tpu.memory_space<hbm>> -> memref<1x1x40xi32, #tpu.memory_space<hbm>>
          %dma_start3A_239 = tpu.memref_squeeze %dma_start3A_238 : memref<1x1x40xi32, #tpu.memory_space<hbm>> -> memref<40xi32, #tpu.memory_space<hbm>>
          tpu.enqueue_dma source(%dma_start3A_239 : memref<40xi32, #tpu.memory_space<hbm>>) target(%arg11 : memref<40xi32, #tpu.memory_space<vmem>>) target_semaphore(%arg42 : memref<!tpu.dma_semaphore, #tpu.memory_space<semaphore_mem>>)
          %dma_start3A_240 = arith.constant 0 : i32
          %dma_start3A_241 = tpu.memref_slice %arg6[%add3A, %add3A_233, %dma_start3A_240] : memref<32x250x40xi32, #tpu.memory_space<hbm>> -> memref<1x1x40xi32, #tpu.memory_space<hbm>>
          %dma_start3A_242 = tpu.memref_squeeze %dma_start3A_241 : memref<1x1x40xi32, #tpu.memory_space<hbm>> -> memref<40xi32, #tpu.memory_space<hbm>>
          %dma_start3A_243 = arith.constant 0 : i32
          %dma_start3A_244 = tpu.memref_slice %arg6[%add3A, %add3A_233, %dma_start3A_243] : memref<32x250x40xi32, #tpu.memory_space<hbm>> -> memref<1x1x40xi32, #tpu.memory_space<hbm>>
          %dma_start3A_245 = tpu.memref_squeeze %dma_start3A_244 : memref<1x1x40xi32, #tpu.memory_space<hbm>> -> memref<40xi32, #tpu.memory_space<hbm>>
          tpu.enqueue_dma source(%dma_start3A_245 : memref<40xi32, #tpu.memory_space<hbm>>) target(%arg17 : memref<40xi32, #tpu.memory_space<vmem>>) target_semaphore(%arg42 : memref<!tpu.dma_semaphore, #tpu.memory_space<semaphore_mem>>)
        } else {
        }
        %scan3A_216 = arith.constant 0 : i32
        %scan3A_217 = arith.constant 0 : i32
        %scan3A_218 = arith.constant 40 : i32
        %scan3A_219 = arith.addi %scan3A_217, %scan3A_218 : i32
        %scan3A_220 = arith.constant 1 : i32
        scf.for %scan3A_232 = %scan3A_217 to %scan3A_219 step %scan3A_220  : i32 {
          %get3A = arith.index_cast %scan3A_232 : i32 to index
          %get3A_233 = arith.constant 0 : index
          %get3A_234 = tpu.vector_load %arg23[%get3A, %get3A_233] {strides = array<i32>} : memref<40x128xf32, #tpu.memory_space<vmem>>, vector<1x16xf32>,
          %get3A_235 = vector.shape_cast %get3A_234 : vector<1x16xf32> to vector<16xf32>
          %get3A_236 = arith.index_cast %scan3A_232 : i32 to index
          %get3A_237 = arith.constant 0 : index
          %get3A_238 = tpu.vector_load %arg26[%get3A_236, %get3A_237] {strides = array<i32>} : memref<40x128xf32, #tpu.memory_space<vmem>>, vector<1x16xf32>,
          %get3A_239 = vector.shape_cast %get3A_238 : vector<1x16xf32> to vector<16xf32>
          %add3A_240 = arith.addf %get3A_235, %get3A_239 : vector<16xf32>
          %get3A_241 = arith.index_cast %scan3A_232 : i32 to index
          %get3A_242 = arith.constant 0 : index
          %get3A_243 = tpu.vector_load %arg29[%get3A_241, %get3A_242] {strides = array<i32>} : memref<40x128xf32, #tpu.memory_space<vmem>>, vector<1x16xf32>,
          %get3A_244 = vector.shape_cast %get3A_243 : vector<1x16xf32> to vector<16xf32>
          %mul3A_245 = arith.mulf %add3A_240, %get3A_244 : vector<16xf32>
          %swap3A = arith.index_cast %scan3A_232 : i32 to index
          %swap3A_246 = arith.constant 0 : index
          %swap3A_247 = tpu.vector_load %arg23[%swap3A, %swap3A_246] {strides = array<i32>} : memref<40x128xf32, #tpu.memory_space<vmem>>, vector<1x16xf32>,
          %swap3A_248 = vector.shape_cast %swap3A_247 : vector<1x16xf32> to vector<16xf32>
          %swap3A_249 = vector.shape_cast %mul3A_245 : vector<16xf32> to vector<1x16xf32>
          tpu.vector_store %arg23[%swap3A, %swap3A_246], %swap3A_249 {strides = array<i32>} : memref<40x128xf32, #tpu.memory_space<vmem>>, vector<1x16xf32>,
          %get3A_250 = arith.index_cast %scan3A_232 : i32 to index
          %get3A_251 = arith.constant 16 : index
          %get3A_252 = tpu.vector_load %arg23[%get3A_250, %get3A_251] {strides = array<i32>} : memref<40x128xf32, #tpu.memory_space<vmem>>, vector<1x16xf32>,
          %get3A_253 = vector.shape_cast %get3A_252 : vector<1x16xf32> to vector<16xf32>
          %get3A_254 = arith.index_cast %scan3A_232 : i32 to index
          %get3A_255 = arith.constant 16 : index
          %get3A_256 = tpu.vector_load %arg26[%get3A_254, %get3A_255] {strides = array<i32>} : memref<40x128xf32, #tpu.memory_space<vmem>>, vector<1x16xf32>,
          %get3A_257 = vector.shape_cast %get3A_256 : vector<1x16xf32> to vector<16xf32>
          %add3A_258 = arith.addf %get3A_253, %get3A_257 : vector<16xf32>
          %get3A_259 = arith.index_cast %scan3A_232 : i32 to index
          %get3A_260 = arith.constant 16 : index
          %get3A_261 = tpu.vector_load %arg29[%get3A_259, %get3A_260] {strides = array<i32>} : memref<40x128xf32, #tpu.memory_space<vmem>>, vector<1x16xf32>,
          %get3A_262 = vector.shape_cast %get3A_261 : vector<1x16xf32> to vector<16xf32>
          %mul3A_263 = arith.mulf %add3A_258, %get3A_262 : vector<16xf32>
          %swap3A_264 = arith.index_cast %scan3A_232 : i32 to index
          %swap3A_265 = arith.constant 16 : index
          %swap3A_266 = tpu.vector_load %arg23[%swap3A_264, %swap3A_265] {strides = array<i32>} : memref<40x128xf32, #tpu.memory_space<vmem>>, vector<1x16xf32>,
          %swap3A_267 = vector.shape_cast %swap3A_266 : vector<1x16xf32> to vector<16xf32>
          %swap3A_268 = vector.shape_cast %mul3A_263 : vector<16xf32> to vector<1x16xf32>
          tpu.vector_store %arg23[%swap3A_264, %swap3A_265], %swap3A_268 {strides = array<i32>} : memref<40x128xf32, #tpu.memory_space<vmem>>, vector<1x16xf32>,
          %get3A_269 = arith.index_cast %scan3A_232 : i32 to index
          %get3A_270 = arith.constant 32 : index
          %get3A_271 = tpu.vector_load %arg23[%get3A_269, %get3A_270] {strides = array<i32>} : memref<40x128xf32, #tpu.memory_space<vmem>>, vector<1x16xf32>,
          %get3A_272 = vector.shape_cast %get3A_271 : vector<1x16xf32> to vector<16xf32>
          %get3A_273 = arith.index_cast %scan3A_232 : i32 to index
          %get3A_274 = arith.constant 32 : index
          %get3A_275 = tpu.vector_load %arg26[%get3A_273, %get3A_274] {strides = array<i32>} : memref<40x128xf32, #tpu.memory_space<vmem>>, vector<1x16xf32>,
          %get3A_276 = vector.shape_cast %get3A_275 : vector<1x16xf32> to vector<16xf32>
          %add3A_277 = arith.addf %get3A_272, %get3A_276 : vector<16xf32>
          %get3A_278 = arith.index_cast %scan3A_232 : i32 to index
          %get3A_279 = arith.constant 32 : index
          %get3A_280 = tpu.vector_load %arg29[%get3A_278, %get3A_279] {strides = array<i32>} : memref<40x128xf32, #tpu.memory_space<vmem>>, vector<1x16xf32>,
          %get3A_281 = vector.shape_cast %get3A_280 : vector<1x16xf32> to vector<16xf32>
          %mul3A_282 = arith.mulf %add3A_277, %get3A_281 : vector<16xf32>
          %swap3A_283 = arith.index_cast %scan3A_232 : i32 to index
          %swap3A_284 = arith.constant 32 : index
          %swap3A_285 = tpu.vector_load %arg23[%swap3A_283, %swap3A_284] {strides = array<i32>} : memref<40x128xf32, #tpu.memory_space<vmem>>, vector<1x16xf32>,
          %swap3A_286 = vector.shape_cast %swap3A_285 : vector<1x16xf32> to vector<16xf32>
          %swap3A_287 = vector.shape_cast %mul3A_282 : vector<16xf32> to vector<1x16xf32>
          tpu.vector_store %arg23[%swap3A_283, %swap3A_284], %swap3A_287 {strides = array<i32>} : memref<40x128xf32, #tpu.memory_space<vmem>>, vector<1x16xf32>,
          %get3A_288 = arith.index_cast %scan3A_232 : i32 to index
          %get3A_289 = arith.constant 48 : index
          %get3A_290 = tpu.vector_load %arg23[%get3A_288, %get3A_289] {strides = array<i32>} : memref<40x128xf32, #tpu.memory_space<vmem>>, vector<1x16xf32>,
          %get3A_291 = vector.shape_cast %get3A_290 : vector<1x16xf32> to vector<16xf32>
          %get3A_292 = arith.index_cast %scan3A_232 : i32 to index
          %get3A_293 = arith.constant 48 : index
          %get3A_294 = tpu.vector_load %arg26[%get3A_292, %get3A_293] {strides = array<i32>} : memref<40x128xf32, #tpu.memory_space<vmem>>, vector<1x16xf32>,
          %get3A_295 = vector.shape_cast %get3A_294 : vector<1x16xf32> to vector<16xf32>
          %add3A_296 = arith.addf %get3A_291, %get3A_295 : vector<16xf32>
          %get3A_297 = arith.index_cast %scan3A_232 : i32 to index
          %get3A_298 = arith.constant 48 : index
          %get3A_299 = tpu.vector_load %arg29[%get3A_297, %get3A_298] {strides = array<i32>} : memref<40x128xf32, #tpu.memory_space<vmem>>, vector<1x16xf32>,
          %get3A_300 = vector.shape_cast %get3A_299 : vector<1x16xf32> to vector<16xf32>
          %mul3A_301 = arith.mulf %add3A_296, %get3A_300 : vector<16xf32>
          %swap3A_302 = arith.index_cast %scan3A_232 : i32 to index
          %swap3A_303 = arith.constant 48 : index
          %swap3A_304 = tpu.vector_load %arg23[%swap3A_302, %swap3A_303] {strides = array<i32>} : memref<40x128xf32, #tpu.memory_space<vmem>>, vector<1x16xf32>,
          %swap3A_305 = vector.shape_cast %swap3A_304 : vector<1x16xf32> to vector<16xf32>
          %swap3A_306 = vector.shape_cast %mul3A_301 : vector<16xf32> to vector<1x16xf32>
          tpu.vector_store %arg23[%swap3A_302, %swap3A_303], %swap3A_306 {strides = array<i32>} : memref<40x128xf32, #tpu.memory_space<vmem>>, vector<1x16xf32>,
          %get3A_307 = arith.index_cast %scan3A_232 : i32 to index
          %get3A_308 = arith.constant 64 : index
          %get3A_309 = tpu.vector_load %arg23[%get3A_307, %get3A_308] {strides = array<i32>} : memref<40x128xf32, #tpu.memory_space<vmem>>, vector<1x16xf32>,
          %get3A_310 = vector.shape_cast %get3A_309 : vector<1x16xf32> to vector<16xf32>
          %get3A_311 = arith.index_cast %scan3A_232 : i32 to index
          %get3A_312 = arith.constant 64 : index
          %get3A_313 = tpu.vector_load %arg26[%get3A_311, %get3A_312] {strides = array<i32>} : memref<40x128xf32, #tpu.memory_space<vmem>>, vector<1x16xf32>,
          %get3A_314 = vector.shape_cast %get3A_313 : vector<1x16xf32> to vector<16xf32>
          %add3A_315 = arith.addf %get3A_310, %get3A_314 : vector<16xf32>
          %get3A_316 = arith.index_cast %scan3A_232 : i32 to index
          %get3A_317 = arith.constant 64 : index
          %get3A_318 = tpu.vector_load %arg29[%get3A_316, %get3A_317] {strides = array<i32>} : memref<40x128xf32, #tpu.memory_space<vmem>>, vector<1x16xf32>,
          %get3A_319 = vector.shape_cast %get3A_318 : vector<1x16xf32> to vector<16xf32>
          %mul3A_320 = arith.mulf %add3A_315, %get3A_319 : vector<16xf32>
          %swap3A_321 = arith.index_cast %scan3A_232 : i32 to index
          %swap3A_322 = arith.constant 64 : index
          %swap3A_323 = tpu.vector_load %arg23[%swap3A_321, %swap3A_322] {strides = array<i32>} : memref<40x128xf32, #tpu.memory_space<vmem>>, vector<1x16xf32>,
          %swap3A_324 = vector.shape_cast %swap3A_323 : vector<1x16xf32> to vector<16xf32>
          %swap3A_325 = vector.shape_cast %mul3A_320 : vector<16xf32> to vector<1x16xf32>
          tpu.vector_store %arg23[%swap3A_321, %swap3A_322], %swap3A_325 {strides = array<i32>} : memref<40x128xf32, #tpu.memory_space<vmem>>, vector<1x16xf32>,
          %get3A_326 = arith.index_cast %scan3A_232 : i32 to index
          %get3A_327 = arith.constant 80 : index
          %get3A_328 = tpu.vector_load %arg23[%get3A_326, %get3A_327] {strides = array<i32>} : memref<40x128xf32, #tpu.memory_space<vmem>>, vector<1x16xf32>,
          %get3A_329 = vector.shape_cast %get3A_328 : vector<1x16xf32> to vector<16xf32>
          %get3A_330 = arith.index_cast %scan3A_232 : i32 to index
          %get3A_331 = arith.constant 80 : index
          %get3A_332 = tpu.vector_load %arg26[%get3A_330, %get3A_331] {strides = array<i32>} : memref<40x128xf32, #tpu.memory_space<vmem>>, vector<1x16xf32>,
          %get3A_333 = vector.shape_cast %get3A_332 : vector<1x16xf32> to vector<16xf32>
          %add3A_334 = arith.addf %get3A_329, %get3A_333 : vector<16xf32>
          %get3A_335 = arith.index_cast %scan3A_232 : i32 to index
          %get3A_336 = arith.constant 80 : index
          %get3A_337 = tpu.vector_load %arg29[%get3A_335, %get3A_336] {strides = array<i32>} : memref<40x128xf32, #tpu.memory_space<vmem>>, vector<1x16xf32>,
          %get3A_338 = vector.shape_cast %get3A_337 : vector<1x16xf32> to vector<16xf32>
          %mul3A_339 = arith.mulf %add3A_334, %get3A_338 : vector<16xf32>
          %swap3A_340 = arith.index_cast %scan3A_232 : i32 to index
          %swap3A_341 = arith.constant 80 : index
          %swap3A_342 = tpu.vector_load %arg23[%swap3A_340, %swap3A_341] {strides = array<i32>} : memref<40x128xf32, #tpu.memory_space<vmem>>, vector<1x16xf32>,
          %swap3A_343 = vector.shape_cast %swap3A_342 : vector<1x16xf32> to vector<16xf32>
          %swap3A_344 = vector.shape_cast %mul3A_339 : vector<16xf32> to vector<1x16xf32>
          tpu.vector_store %arg23[%swap3A_340, %swap3A_341], %swap3A_344 {strides = array<i32>} : memref<40x128xf32, #tpu.memory_space<vmem>>, vector<1x16xf32>,
          %get3A_345 = arith.index_cast %scan3A_232 : i32 to index
          %get3A_346 = arith.constant 96 : index
          %get3A_347 = tpu.vector_load %arg23[%get3A_345, %get3A_346] {strides = array<i32>} : memref<40x128xf32, #tpu.memory_space<vmem>>, vector<1x16xf32>,
          %get3A_348 = vector.shape_cast %get3A_347 : vector<1x16xf32> to vector<16xf32>
          %get3A_349 = arith.index_cast %scan3A_232 : i32 to index
          %get3A_350 = arith.constant 96 : index
          %get3A_351 = tpu.vector_load %arg26[%get3A_349, %get3A_350] {strides = array<i32>} : memref<40x128xf32, #tpu.memory_space<vmem>>, vector<1x16xf32>,
          %get3A_352 = vector.shape_cast %get3A_351 : vector<1x16xf32> to vector<16xf32>
          %add3A_353 = arith.addf %get3A_348, %get3A_352 : vector<16xf32>
          %get3A_354 = arith.index_cast %scan3A_232 : i32 to index
          %get3A_355 = arith.constant 96 : index
          %get3A_356 = tpu.vector_load %arg29[%get3A_354, %get3A_355] {strides = array<i32>} : memref<40x128xf32, #tpu.memory_space<vmem>>, vector<1x16xf32>,
          %get3A_357 = vector.shape_cast %get3A_356 : vector<1x16xf32> to vector<16xf32>
          %mul3A_358 = arith.mulf %add3A_353, %get3A_357 : vector<16xf32>
          %swap3A_359 = arith.index_cast %scan3A_232 : i32 to index
          %swap3A_360 = arith.constant 96 : index
          %swap3A_361 = tpu.vector_load %arg23[%swap3A_359, %swap3A_360] {strides = array<i32>} : memref<40x128xf32, #tpu.memory_space<vmem>>, vector<1x16xf32>,
          %swap3A_362 = vector.shape_cast %swap3A_361 : vector<1x16xf32> to vector<16xf32>
          %swap3A_363 = vector.shape_cast %mul3A_358 : vector<16xf32> to vector<1x16xf32>
          tpu.vector_store %arg23[%swap3A_359, %swap3A_360], %swap3A_363 {strides = array<i32>} : memref<40x128xf32, #tpu.memory_space<vmem>>, vector<1x16xf32>,
          %get3A_364 = arith.index_cast %scan3A_232 : i32 to index
          %get3A_365 = arith.constant 112 : index
          %get3A_366 = tpu.vector_load %arg23[%get3A_364, %get3A_365] {strides = array<i32>} : memref<40x128xf32, #tpu.memory_space<vmem>>, vector<1x16xf32>,
          %get3A_367 = vector.shape_cast %get3A_366 : vector<1x16xf32> to vector<16xf32>
          %get3A_368 = arith.index_cast %scan3A_232 : i32 to index
          %get3A_369 = arith.constant 112 : index
          %get3A_370 = tpu.vector_load %arg26[%get3A_368, %get3A_369] {strides = array<i32>} : memref<40x128xf32, #tpu.memory_space<vmem>>, vector<1x16xf32>,
          %get3A_371 = vector.shape_cast %get3A_370 : vector<1x16xf32> to vector<16xf32>
          %add3A_372 = arith.addf %get3A_367, %get3A_371 : vector<16xf32>
          %get3A_373 = arith.index_cast %scan3A_232 : i32 to index
          %get3A_374 = arith.constant 112 : index
          %get3A_375 = tpu.vector_load %arg29[%get3A_373, %get3A_374] {strides = array<i32>} : memref<40x128xf32, #tpu.memory_space<vmem>>, vector<1x16xf32>,
          %get3A_376 = vector.shape_cast %get3A_375 : vector<1x16xf32> to vector<16xf32>
          %mul3A_377 = arith.mulf %add3A_372, %get3A_376 : vector<16xf32>
          %swap3A_378 = arith.index_cast %scan3A_232 : i32 to index
          %swap3A_379 = arith.constant 112 : index
          %swap3A_380 = tpu.vector_load %arg23[%swap3A_378, %swap3A_379] {strides = array<i32>} : memref<40x128xf32, #tpu.memory_space<vmem>>, vector<1x16xf32>,
          %swap3A_381 = vector.shape_cast %swap3A_380 : vector<1x16xf32> to vector<16xf32>
          %swap3A_382 = vector.shape_cast %mul3A_377 : vector<16xf32> to vector<1x16xf32>
          tpu.vector_store %arg23[%swap3A_378, %swap3A_379], %swap3A_382 {strides = array<i32>} : memref<40x128xf32, #tpu.memory_space<vmem>>, vector<1x16xf32>,
        }
        %scan3A_221 = arith.constant 40 : i32
        %mul3A_222 = arith.constant 40 : i32
        %mul3A_223 = arith.muli %add3A_179, %mul3A_222 : i32
        %add3A_224 = arith.addi %mul3A_2, %mul3A_223 : i32
        %dma_start3A_225 = arith.constant 0 : i32
        %dma_start3A_226 = tpu.memref_slice %arg7[%add3A_224, %dma_start3A_225] : memref<320000x128xf32, #tpu.memory_space<hbm>> -> memref<40x128xf32, #tpu.memory_space<hbm>>
        %dma_start3A_227 = arith.constant 0 : i32
        %dma_start3A_228 = tpu.memref_slice %arg7[%add3A_224, %dma_start3A_227] : memref<320000x128xf32, #tpu.memory_space<hbm>> -> memref<40x128xf32, #tpu.memory_space<hbm>>
        tpu.enqueue_dma source(%arg23 : memref<40x128xf32, #tpu.memory_space<vmem>>) target(%dma_start3A_228 : memref<40x128xf32, #tpu.memory_space<hbm>>) target_semaphore(%arg36 : memref<!tpu.dma_semaphore, #tpu.memory_space<semaphore_mem>>)
        %dma_start3A_229 = arith.constant 0 : i32
        %dma_start3A_230 = arith.constant 0 : i32
        %dma_start3A_231 = tpu.memref_slice %arg30[%dma_start3A_229, %dma_start3A_230] : memref<10112x128xf32, #tpu.memory_space<vmem_shared>> -> memref<10112x128xf32, #tpu.memory_space<vmem_shared>>
        tpu.enqueue_indirect_dma source(%arg23 : memref<40x128xf32, #tpu.memory_space<vmem>>) target(%dma_start3A_231 : memref<10112x128xf32, #tpu.memory_space<vmem_shared>>) offsets(%arg14 : memref<40xi32, #tpu.memory_space<vmem>>) semaphore(%arg39 : memref<!tpu.dma_semaphore, #tpu.memory_space<semaphore_mem>>) {add = true}
      } else {
      }
    }
    %scan3A_115 = arith.constant 42 : i32
    %add3A_116 = arith.constant 9960 : i32
    %add3A_117 = arith.addi %mul3A_2, %add3A_116 : i32
    %dma_wait3A_118 = arith.constant 0 : i32
    %dma_wait3A_119 = tpu.memref_slice %arg7[%add3A_117, %dma_wait3A_118] : memref<320000x128xf32, #tpu.memory_space<hbm>> -> memref<40x128xf32, #tpu.memory_space<hbm>>
    %dma_wait3A_120 = arith.constant 0 : i32
    %dma_wait3A_121 = tpu.memref_slice %arg7[%add3A_117, %dma_wait3A_120] : memref<320000x128xf32, #tpu.memory_space<hbm>> -> memref<40x128xf32, #tpu.memory_space<hbm>>
    tpu.wait_dma2 semaphore(%arg34 : memref<!tpu.dma_semaphore, #tpu.memory_space<semaphore_mem>>) src(%arg21 : memref<40x128xf32, #tpu.memory_space<vmem>>) dst(%dma_wait3A_121 : memref<40x128xf32, #tpu.memory_space<hbm>>)
    %dma_wait3A_122 = arith.constant 0 : i32
    %dma_wait3A_123 = arith.constant 0 : i32
    %dma_wait3A_124 = tpu.memref_slice %arg30[%dma_wait3A_122, %dma_wait3A_123] : memref<10112x128xf32, #tpu.memory_space<vmem_shared>> -> memref<10112x128xf32, #tpu.memory_space<vmem_shared>>
    tpu.wait_indirect_dma semaphore(%arg37 : memref<!tpu.dma_semaphore, #tpu.memory_space<semaphore_mem>>) src(%arg21 : memref<40x128xf32, #tpu.memory_space<vmem>>) dst(%dma_wait3A_124 : memref<10112x128xf32, #tpu.memory_space<vmem_shared>>)
    %barrier3A_125 = arith.constant 0 : index
    tpu.barrier barrier_id(%barrier3A_125)
    %mul3A_126 = arith.constant 632 : i32
    %mul3A_127 = arith.muli %arg1, %mul3A_126 : i32
    %mul3A_128 = arith.constant 16 : i32
    %mul3A_129 = arith.muli %arg0, %mul3A_128 : i32
    %add3A_130 = arith.addi %mul3A_129, %arg1 : i32
    %mul3A_131 = arith.constant 632 : i32
    %mul3A_132 = arith.muli %add3A_130, %mul3A_131 : i32
    "tpu.region"() ({
      %run_scoped3A = tpu.sem_alloc : memref<!tpu.dma_semaphore, #tpu.memory_space<semaphore_mem>>
      %dma_start3A_133 = arith.constant 0 : i32
      %dma_start3A_134 = tpu.memref_slice %arg8[%mul3A_132, %dma_start3A_133] : memref<20224x128xf32, #tpu.memory_space<hbm>> -> memref<632x128xf32, #tpu.memory_space<hbm>>
      %dma_start3A_135 = arith.constant 0 : i32
      %dma_start3A_136 = tpu.memref_slice %arg30[%mul3A_127, %dma_start3A_135] : memref<10112x128xf32, #tpu.memory_space<vmem_shared>> -> memref<632x128xf32, #tpu.memory_space<vmem_shared>>
      tpu.enqueue_dma source(%dma_start3A_136 : memref<632x128xf32, #tpu.memory_space<vmem_shared>>) target(%dma_start3A_134 : memref<632x128xf32, #tpu.memory_space<hbm>>) target_semaphore(%run_scoped3A : memref<!tpu.dma_semaphore, #tpu.memory_space<semaphore_mem>>)
      %dma_wait3A_137 = arith.constant 0 : i32
      %dma_wait3A_138 = tpu.memref_slice %arg8[%mul3A_132, %dma_wait3A_137] : memref<20224x128xf32, #tpu.memory_space<hbm>> -> memref<632x128xf32, #tpu.memory_space<hbm>>
      %dma_wait3A_139 = arith.constant 0 : i32
      %dma_wait3A_140 = tpu.memref_slice %arg30[%mul3A_127, %dma_wait3A_139] : memref<10112x128xf32, #tpu.memory_space<vmem_shared>> -> memref<632x128xf32, #tpu.memory_space<vmem_shared>>
      tpu.wait_dma2 semaphore(%run_scoped3A : memref<!tpu.dma_semaphore, #tpu.memory_space<semaphore_mem>>) src(%dma_wait3A_140 : memref<632x128xf32, #tpu.memory_space<vmem_shared>>) dst(%dma_wait3A_138 : memref<632x128xf32, #tpu.memory_space<hbm>>)
      tpu.yield
    }) : () -> ()
    return
  }
}

module attributes {stable_mosaic.version = 14 : i64} {
  func.func @_ab_body(%arg0: i32, %arg1: memref<2000x128xf32, #tpu.memory_space<vmem>>, %arg2: memref<128x128xf32, #tpu.memory_space<vmem>>, %arg3: memref<128x128xf32, #tpu.memory_space<vmem>>, %arg4: memref<128x128xf32, #tpu.memory_space<vmem>>, %arg5: memref<2000x128xf32, #tpu.memory_space<vmem>>, %arg6: memref<2000x128xf32, #tpu.memory_space<vmem>>) attributes {dimension_semantics = [#tpu.dimension_semantics<arbitrary>], iteration_bounds = array<i64: 5>, scalar_prefetch = 0 : i64, scratch_operands = 0 : i64, tpu.core_type = #tpu.core_type<tc>, window_params = [{transform_indices = @transform_0, window_bounds = array<i64: 2000, 128>}, {pipeline_mode = #tpu.pipeline_mode<synchronous>, transform_indices = @transform_1, window_bounds = array<i64: 128, 128>}, {pipeline_mode = #tpu.pipeline_mode<synchronous>, transform_indices = @transform_2, window_bounds = array<i64: 128, 128>}, {pipeline_mode = #tpu.pipeline_mode<synchronous>, transform_indices = @transform_3, window_bounds = array<i64: 128, 128>}, {transform_indices = @transform_4, window_bounds = array<i64: 2000, 128>}, {transform_indices = @transform_5, window_bounds = array<i64: 2000, 128>}]} {
    %get3A = arith.constant 0 : index
    %get3A_0 = arith.constant 0 : index
    %get3A_1 = vector.load %arg2[%get3A, %get3A_0] : memref<128x128xf32, #tpu.memory_space<vmem>>, vector<128x128xf32>
    %get3A_2 = arith.constant 0 : index
    %get3A_3 = arith.constant 0 : index
    %get3A_4 = vector.load %arg3[%get3A_2, %get3A_3] : memref<128x128xf32, #tpu.memory_space<vmem>>, vector<128x128xf32>
    %dot_general3A = arith.constant dense<0.000000e+00> : vector<128x128xf32>
    %dot_general3A_5 = tpu.matmul %get3A_1, %get3A_4, %dot_general3A {dimension_numbers = #tpu.dot_dimension_numbers<[1], [0], [0], [1], [0, 0, 1, 1], [], []>, transpose_lhs_hint = false} : vector<128x128xf32>, vector<128x128xf32>, vector<128x128xf32> -> vector<128x128xf32>
    %get3A_6 = arith.constant 0 : index
    %get3A_7 = arith.constant 0 : index
    %get3A_8 = vector.load %arg2[%get3A_6, %get3A_7] : memref<128x128xf32, #tpu.memory_space<vmem>>, vector<128x128xf32>
    %get3A_9 = arith.constant 0 : index
    %get3A_10 = arith.constant 0 : index
    %get3A_11 = vector.load %arg4[%get3A_9, %get3A_10] : memref<128x128xf32, #tpu.memory_space<vmem>>, vector<128x128xf32>
    %dot_general3A_12 = arith.constant dense<0.000000e+00> : vector<128x128xf32>
    %dot_general3A_13 = tpu.matmul %get3A_8, %get3A_11, %dot_general3A_12 {dimension_numbers = #tpu.dot_dimension_numbers<[1], [0], [0], [1], [0, 0, 1, 1], [], []>, transpose_lhs_hint = false} : vector<128x128xf32>, vector<128x128xf32>, vector<128x128xf32> -> vector<128x128xf32>
    %get3A_14 = arith.constant 0 : index
    %get3A_15 = arith.constant 0 : index
    %get3A_16 = vector.load %arg1[%get3A_14, %get3A_15] : memref<2000x128xf32, #tpu.memory_space<vmem>>, vector<2000x128xf32>
    %dot_general3A_17 = arith.constant dense<0.000000e+00> : vector<2000x128xf32>
    %dot_general3A_18 = tpu.matmul %get3A_16, %dot_general3A_5, %dot_general3A_17 {dimension_numbers = #tpu.dot_dimension_numbers<[1], [0], [0], [1], [0, 0, 1, 1], [], []>, transpose_lhs_hint = false} : vector<2000x128xf32>, vector<128x128xf32>, vector<2000x128xf32> -> vector<2000x128xf32>
    %swap3A = arith.constant 0 : index
    %swap3A_19 = arith.constant 0 : index
    %swap3A_20 = vector.load %arg5[%swap3A, %swap3A_19] : memref<2000x128xf32, #tpu.memory_space<vmem>>, vector<2000x128xf32>
    tpu.vector_store %arg5[%swap3A, %swap3A_19], %dot_general3A_18 {strides = array<i32>} : memref<2000x128xf32, #tpu.memory_space<vmem>>, vector<2000x128xf32>,
    %dot_general3A_21 = arith.constant dense<0.000000e+00> : vector<2000x128xf32>
    %dot_general3A_22 = tpu.matmul %get3A_16, %dot_general3A_13, %dot_general3A_21 {dimension_numbers = #tpu.dot_dimension_numbers<[1], [0], [0], [1], [0, 0, 1, 1], [], []>, transpose_lhs_hint = false} : vector<2000x128xf32>, vector<128x128xf32>, vector<2000x128xf32> -> vector<2000x128xf32>
    %swap3A_23 = arith.constant 0 : index
    %swap3A_24 = arith.constant 0 : index
    %swap3A_25 = vector.load %arg6[%swap3A_23, %swap3A_24] : memref<2000x128xf32, #tpu.memory_space<vmem>>, vector<2000x128xf32>
    tpu.vector_store %arg6[%swap3A_23, %swap3A_24], %dot_general3A_22 {strides = array<i32>} : memref<2000x128xf32, #tpu.memory_space<vmem>>, vector<2000x128xf32>,
    return
  }
  func.func @transform_0(%arg0: i32) -> (i32, i32) {
    %c0_i32 = arith.constant 0 : i32
    %c0_i32_0 = arith.constant 0 : i32
    return %arg0, %c0_i32 : i32, i32
  }
  func.func @transform_1(%arg0: i32) -> (i32, i32) {
    %c0_i32 = arith.constant 0 : i32
    %c0_i32_0 = arith.constant 0 : i32
    %c0_i32_1 = arith.constant 0 : i32
    return %c0_i32, %c0_i32_0 : i32, i32
  }
  func.func @transform_2(%arg0: i32) -> (i32, i32) {
    %c0_i32 = arith.constant 0 : i32
    %c0_i32_0 = arith.constant 0 : i32
    %c0_i32_1 = arith.constant 0 : i32
    return %c0_i32, %c0_i32_0 : i32, i32
  }
  func.func @transform_3(%arg0: i32) -> (i32, i32) {
    %c0_i32 = arith.constant 0 : i32
    %c0_i32_0 = arith.constant 0 : i32
    %c0_i32_1 = arith.constant 0 : i32
    return %c0_i32, %c0_i32_0 : i32, i32
  }
  func.func @transform_4(%arg0: i32) -> (i32, i32) {
    %c0_i32 = arith.constant 0 : i32
    %c0_i32_0 = arith.constant 0 : i32
    return %arg0, %c0_i32 : i32, i32
  }
  func.func @transform_5(%arg0: i32) -> (i32, i32) {
    %c0_i32 = arith.constant 0 : i32
    %c0_i32_0 = arith.constant 0 : i32
    return %arg0, %c0_i32 : i32, i32
  }
}

module attributes {stable_mosaic.version = 14 : i64} {
  func.func @_ix_body(%arg0: i32, %arg1: memref<2560x128xf32, #tpu.memory_space<vmem>>, %arg2: memref<128x128xf32, #tpu.memory_space<vmem>>, %arg3: memref<20224x128xf32, #tpu.memory_space<vmem>>, %arg4: memref<2560x128xf32, #tpu.memory_space<vmem>>, %arg5: memref<10000x128xf32, #tpu.memory_space<vmem>>) attributes {dimension_semantics = [#tpu.dimension_semantics<arbitrary>], iteration_bounds = array<i64: 125>, scalar_prefetch = 0 : i64, scratch_operands = 0 : i64, tpu.core_type = #tpu.core_type<tc>, window_params = [{transform_indices = @transform_0, window_bounds = array<i64: 2560, 128>}, {pipeline_mode = #tpu.pipeline_mode<synchronous>, transform_indices = @transform_1, window_bounds = array<i64: 128, 128>}, {pipeline_mode = #tpu.pipeline_mode<synchronous>, transform_indices = @transform_2, window_bounds = array<i64: 20224, 128>}, {transform_indices = @transform_3, window_bounds = array<i64: 2560, 128>}, {pipeline_mode = #tpu.pipeline_mode<synchronous>, transform_indices = @transform_4, window_bounds = array<i64: 10000, 128>}]} {
    %get3A = arith.constant 0 : index
    %get3A_0 = arith.constant 0 : index
    %get3A_1 = vector.load %arg2[%get3A, %get3A_0] : memref<128x128xf32, #tpu.memory_space<vmem>>, vector<128x128xf32>
    %get3A_2 = arith.constant 0 : index
    %get3A_3 = arith.constant 0 : index
    %get3A_4 = vector.load %arg1[%get3A_2, %get3A_3] : memref<2560x128xf32, #tpu.memory_space<vmem>>, vector<2560x128xf32>
    %dot_general3A = arith.constant dense<0.000000e+00> : vector<2560x128xf32>
    %dot_general3A_5 = tpu.matmul %get3A_4, %get3A_1, %dot_general3A {dimension_numbers = #tpu.dot_dimension_numbers<[1], [0], [0], [1], [0, 0, 1, 1], [], []>, transpose_lhs_hint = false} : vector<2560x128xf32>, vector<128x128xf32>, vector<2560x128xf32> -> vector<2560x128xf32>
    %swap3A = arith.constant 0 : index
    %swap3A_6 = arith.constant 0 : index
    %swap3A_7 = vector.load %arg4[%swap3A, %swap3A_6] : memref<2560x128xf32, #tpu.memory_space<vmem>>, vector<2560x128xf32>
    tpu.vector_store %arg4[%swap3A, %swap3A_6], %dot_general3A_5 {strides = array<i32>} : memref<2560x128xf32, #tpu.memory_space<vmem>>, vector<2560x128xf32>,
    %eq3A = arith.constant 0 : i32
    %eq3A_8 = arith.cmpi eq, %arg0, %eq3A : i32
    %convert_element_type3A = arith.extui %eq3A_8 : i1 to i32
    %cond3A = arith.constant 0 : i32
    %cond3A_9 = arith.cmpi ne, %convert_element_type3A, %cond3A : i32
    scf.if %cond3A_9 {
      %get3A_10 = arith.constant 0 : index
      %get3A_11 = arith.constant 0 : index
      %get3A_12 = vector.load %arg3[%get3A_10, %get3A_11] : memref<20224x128xf32, #tpu.memory_space<vmem>>, vector<10112x128xf32>
      %get3A_13 = arith.constant 10112 : index
      %get3A_14 = arith.constant 0 : index
      %get3A_15 = vector.load %arg3[%get3A_13, %get3A_14] : memref<20224x128xf32, #tpu.memory_space<vmem>>, vector<10112x128xf32>
      %add3A = arith.addf %get3A_12, %get3A_15 : vector<10112x128xf32>
      %slice3A = vector.extract_strided_slice %add3A {offsets = [0, 0], sizes = [10000, 128], strides = [1, 1]} : vector<10112x128xf32> to vector<10000x128xf32>
      %dot_general3A_16 = arith.constant dense<0.000000e+00> : vector<10000x128xf32>
      %dot_general3A_17 = tpu.matmul %slice3A, %get3A_1, %dot_general3A_16 {dimension_numbers = #tpu.dot_dimension_numbers<[1], [0], [0], [1], [0, 0, 1, 1], [], []>, transpose_lhs_hint = false} : vector<10000x128xf32>, vector<128x128xf32>, vector<10000x128xf32> -> vector<10000x128xf32>
      %swap3A_18 = arith.constant 0 : index
      %swap3A_19 = arith.constant 0 : index
      %swap3A_20 = vector.load %arg5[%swap3A_18, %swap3A_19] : memref<10000x128xf32, #tpu.memory_space<vmem>>, vector<10000x128xf32>
      tpu.vector_store %arg5[%swap3A_18, %swap3A_19], %dot_general3A_17 {strides = array<i32>} : memref<10000x128xf32, #tpu.memory_space<vmem>>, vector<10000x128xf32>,
    } else {
    }
    return
  }
  func.func @transform_0(%arg0: i32) -> (i32, i32) {
    %c0_i32 = arith.constant 0 : i32
    %c0_i32_0 = arith.constant 0 : i32
    return %arg0, %c0_i32 : i32, i32
  }
  func.func @transform_1(%arg0: i32) -> (i32, i32) {
    %c0_i32 = arith.constant 0 : i32
    %c0_i32_0 = arith.constant 0 : i32
    %c0_i32_1 = arith.constant 0 : i32
    return %c0_i32, %c0_i32_0 : i32, i32
  }
  func.func @transform_2(%arg0: i32) -> (i32, i32) {
    %c0_i32 = arith.constant 0 : i32
    %c0_i32_0 = arith.constant 0 : i32
    %c0_i32_1 = arith.constant 0 : i32
    return %c0_i32, %c0_i32_0 : i32, i32
  }
  func.func @transform_3(%arg0: i32) -> (i32, i32) {
    %c0_i32 = arith.constant 0 : i32
    %c0_i32_0 = arith.constant 0 : i32
    return %arg0, %c0_i32 : i32, i32
  }
  func.func @transform_4(%arg0: i32) -> (i32, i32) {
    %c0_i32 = arith.constant 0 : i32
    %c0_i32_0 = arith.constant 0 : i32
    %c0_i32_1 = arith.constant 0 : i32
    return %c0_i32, %c0_i32_0 : i32, i32
  }
}

</mosaic_0001>

<sc_bundles>
// kernel: kernel.5.cloned.1.call-start
scs
__scs_entry_jumppad:
0x0: {  	(pc) =	sbr.rel $0x88, $3  }
0x1: {  	(tag) =	ssettag $0x0;
	lr =	simm.s32 $0x1  }
0x2: {  	[smem:$0x3F99] =	sst lr;
	_ =	strace $0xD0000000  }
0x3: {  	_ = 	snop  }
0x4: {  	_ = 	snop  }
0x5: {  	_ = 	snop  }
0x6: {  	_ = 	snop  }
0x7: {  	_ = 	snop  }
__scs_overlays_trampoline_lowered:
0x8: {  	[smem:$0x3FA8] =	sst s0  }
0x9: {  	[smem:$0x3FA9] =	sst s1  }
0xa: {  	[smem:$0x3FAA] =	sst s2  }
0xb: {  	[smem:$0x3FAB] =	sst s3  }
0xc: {  	[smem:$0x3FAC] =	sst s4  }
0xd: {  	[smem:$0x3FAD] =	sst s5  }
0xe: {  	[smem:$0x3FAE] =	sst s6  }
0xf: {  	[smem:$0x3FAF] =	sst s7  }
0x10: {  	[smem:$0x3FB0] =	sst s8  }
0x11: {  	[smem:$0x3FB1] =	sst s9;
	s0 =	simm.s32 @!p0 $0x0  }
0x12: {  	s1 =	sld [smem:$0x3F97];
	s0 =	simm.s32 @p0 $0x1  }
0x13: {  	[smem:$0x3FB2] =	sst s0;
	s0 =	simm.s32 @!p1 $0x0  }
0x14: {  	s2 =	sld [smem:$0x3F96];
	s0 =	simm.s32 @p1 $0x1  }
0x15: {  	[smem:$0x3FB3] =	sst s0;
	s0 =	simm.s32 @!p2 $0x0  }
0x16: {  	s3 =	sld [smem:$0x3FDB];
	s0 =	simm.s32 @p2 $0x1  }
0x17: {  	s4 =	simm.s32 $0x1BF5;
	[smem:$0x3FB5] =	sst s0  }
0x18: {  	s0 =	sld [smem:$0x3F98];
	_ =	swait.ge [sflag:s4], $0x0  }
0x19: {  	s7 =	sld [smem:$0x3F99]  }
0x1a: {  	s8 =	sadd.s32 $0xFFFFE003, lr  }
0x1b: {  	s9 =	sadd.s32 $0xFFFFFEF7, lr;
	s5 =	simm.s32 $0xFFFFFFFF;
	p2 =	slt.u32 s8, $0xFFFFF086  }
0x1c: {  	p1 =	slt.u32 s9, $0xF7A;
	s5 =	simm.s32 @!p2 $0x0  }
0x1d: {  	s5 =	simm.s32 @p1 $0x1;
	p0 =	seq.s32 s7, s2  }
0x1e: {  	s7 =	smul.u32 @!p0 $0xF7A, s2;
	p2 =	seq.s32 @!p0 s5, $0x0  }
0x1f: {  	s9 =	smul.u32 $0xF7A, s1;
	s8 =	simm.s32 @!p0 $0x1BF5;
	p2 =	por !p2, p0  }
0x20: {  	[sflag:s8] =	ssyncset.s32 @!p0 $0xFFFFF086;
	s6 =	sadd.s32 @!p0 s3, s7;
	s7 =	simm.s32 @!p0 $0x108  }
0x21: {  	s3 =	sadd.s32 s3, s9;
	s6 =	sadd.s32 @!p0 $0x88, s6;
	s7 =	simm.s32 @p2 $0x1082  }
0x22: {  	[simem:s7], [sflag:s8] =	dma.local @!p0 [hbm:s6], $0xF7A  }
0x23: {  	s9 =	sor.u32 $0xD0000000, s2;
	s6 =	simm.s32 $0x108;
	_ =	swait.ge @!p0 [sflag:s8], $0x0  }
0x24: {  	s3 =	sadd.s32 $0x88, s3;
	s6 =	simm.s32 @!p1 $0x1082;
	[sflag:s4] =	ssyncset.s32 $0xFFFFF086  }
0x25: {  	[simem:s6], [sflag:s4] =	dma.local [hbm:s3], $0xF7A  }
0x26: {  	[smem:$0x3F99] =	sst s1;
	(tag) =	ssettag s2;
	_ =	strace s9  }
0x27: {  	s1 =	sld [smem:$0x3FA9]  }
0x28: {  	s2 =	sld [smem:$0x3FAA]  }
0x29: {  	s4 =	sld [smem:$0x3FAC]  }
0x2a: {  	p0 =	seq.s32 s5, $0x0;
	s5 =	sld [smem:$0x3FAD]  }
0x2b: {  	s6 =	sld [smem:$0x3FAE]  }
0x2c: {  	s7 =	sld [smem:$0x3FAF]  }
0x2d: {  	s3 =	simm.s32 $0x108;
	s8 =	sld [smem:$0x3FB0]  }
0x2e: {  	s3 =	simm.s32 @!p0 $0x1082;
	s9 =	sld [smem:$0x3FB1]  }
0x2f: {  	lr =	sadd.s32 s0, s3;
	s0 =	sld [smem:$0x3FA8]  }
0x30: {  	s3 =	sld [smem:$0x3FAB]  }
0x31: {  	[smem:$0x3FB4] =	sst s10  }
0x32: {  	s10 =	sld [smem:$0x3FB2];
	_ =	sdelay $0x3  }
0x33: {  	p0 =	seq.s32 s10, $0x1;
	s10 =	sld [smem:$0x3FB4];
	_ =	sdelay $0x3  }
0x34: {  	[smem:$0x3FB4] =	sst s10  }
0x35: {  	s10 =	sld [smem:$0x3FB3];
	_ =	sdelay $0x3  }
0x36: {  	p1 =	seq.s32 s10, $0x1;
	s10 =	sld [smem:$0x3FB4];
	_ =	sdelay $0x3  }
0x37: {  	[smem:$0x3FB4] =	sst s10  }
0x38: {  	s10 =	sld [smem:$0x3FB5]  }
0x39: {  	_ = 	snop;
	(pc) =	sbr.ind lr, $3  }
0x3a: {  	_ = 	snop  }
0x3b: {  	_ = 	snop  }
0x3c: {  	p2 =	seq.s32 s10, $0x1;
	s10 =	sld [smem:$0x3FB4]  }
0x3d: {  	_ =	shalt  }
0x3e: {  	_ =	shalt  }
0x3f: {  	_ =	shalt  }
0x40: {  	_ =	shalt  }
0x41: {  	_ =	shalt  }
0x42: {  	_ =	shalt  }
0x43: {  	_ =	shalt  }
0x44: {  	_ =	shalt  }
0x45: {  	_ =	shalt  }
0x46: {  	_ =	shalt  }
0x47: {  	_ =	shalt  }
0x48: {  	_ =	shalt  }
0x49: {  	_ =	shalt  }
0x4a: {  	_ =	shalt  }
0x4b: {  	_ =	shalt  }
0x4c: {  	_ =	shalt  }
0x4d: {  	_ =	shalt  }
0x4e: {  	_ =	shalt  }
0x4f: {  	_ =	shalt  }
0x50: {  	_ =	shalt  }
0x51: {  	_ =	shalt  }
0x52: {  	_ =	shalt  }
0x53: {  	_ =	shalt  }
0x54: {  	_ =	shalt  }
0x55: {  	_ =	shalt  }
0x56: {  	_ =	shalt  }
0x57: {  	_ =	shalt  }
0x58: {  	_ =	shalt  }
0x59: {  	_ =	shalt  }
0x5a: {  	_ =	shalt  }
0x5b: {  	_ =	shalt  }
0x5c: {  	_ =	shalt  }
0x5d: {  	_ =	shalt  }
0x5e: {  	_ =	shalt  }
0x5f: {  	_ =	shalt  }
0x60: {  	_ =	shalt  }
0x61: {  	_ =	shalt  }
0x62: {  	_ =	shalt  }
0x63: {  	_ =	shalt  }
0x64: {  	_ =	shalt  }
0x65: {  	_ =	shalt  }
0x66: {  	_ =	shalt  }
0x67: {  	_ =	shalt  }
0x68: {  	_ =	shalt  }
0x69: {  	_ =	shalt  }
0x6a: {  	_ =	shalt  }
0x6b: {  	_ =	shalt  }
0x6c: {  	_ =	shalt  }
0x6d: {  	_ =	shalt  }
0x6e: {  	_ =	shalt  }
0x6f: {  	_ =	shalt  }
0x70: {  	_ =	shalt  }
0x71: {  	_ =	shalt  }
0x72: {  	_ =	shalt  }
0x73: {  	_ =	shalt  }
0x74: {  	_ =	shalt  }
0x75: {  	_ =	shalt  }
0x76: {  	_ =	shalt  }
0x77: {  	_ =	shalt  }
0x78: {  	_ =	shalt  }
0x79: {  	_ =	shalt  }
0x7a: {  	_ =	shalt  }
0x7b: {  	_ =	shalt  }
0x7c: {  	_ =	shalt  }
0x7d: {  	_ =	shalt  }
0x7e: {  	_ =	shalt  }
0x7f: {  	_ =	shalt  }
0x80: {  	_ =	shalt  }
0x81: {  	_ =	shalt  }
0x82: {  	_ =	shalt  }
0x83: {  	_ =	shalt  }
0x84: {  	_ =	shalt  }
0x85: {  	_ =	shalt  }
0x86: {  	_ =	shalt  }
0x87: {  	_ =	shalt  }
.Lfunc_end0:
.L_simem_size_0:
called_computation_lowered:
.L_overlay_start_0:
0x88: {  	s2 =	sld [smem:$0x3FD9]  }
0x89: {  	s3 =	sld [smem:$0x3FFE];
	_ =	sdelay $0x1  }
0x8a: {  	s1 =	srdreg.scid  }
0x8b: {  	s0 =	sand.u32 $0x1, s1  }
0x8c: {  	s14 =	sshll.u32 s0, $0xA;
	s2 =	sadd.s32 s3, s2  }
0x8d: {  	s2 =	sadd.s32 s2, s14  }
0x8e: {  	[smem:$0x3FC0] =	sst s2  }
0x8f: {  	_ = 	snop  }
0x90: {  	s2 =	sld [smem:$0x3FD0];
	_ =	sdelay $0x2  }
0x91: {  	s4 =	simm.s32 $0xA;
	s5 =	simm.s32 $0x10;
	s15 =	sld [smem:$0x3FC8]  }
0x92: {  	[smem:s5], [sflag:s4] =	dma.local [hbm:s2], $0x1  }
0x93: {  	_ =	swait.eq [sflag:s4], $0x1  }
0x94: {  	[sflag:s4] =	ssyncset.done $0x0  }
0x95: {  	s16 =	sld [smem:$0x10];
	[sflag:s4] =	ssyncadd.s32 $0xFFFFFFFF  }
0x96: {  	s17 =	sld [smem:$0x11];
	(tm) =	ssettm $0x1  }
0x97: {  	s18 =	sld [smem:$0x3FFB];
	_ =	sdelay $0x3  }
0x98: {  	_ =	strace s18  }
0x99: {  	s5 =	sld [smem:$0x3FFC];
	_ =	sdelay $0x3  }
0x9a: {  	_ =	strace s5  }
0x9b: {  	s5 =	sld [smem:$0x3FFD];
	_ =	sdelay $0x3  }
0x9c: {  	_ =	strace s5  }
0x9d: {  	_ =	strace $0x8FFFFFFF  }
0x9e: {  	s19 =	sld [smem:$0x3FDB];
	_ =	sdelay $0x1  }
0x9f: {  	s6 =	simm.s32 $_scs_section_size  }
0xa0: {  	s7 =	simm.s32 $_size__tile_overlayer_lowered;
	s8 =	simm.s32 $_tile_overlayer_lowered  }
0xa1: {  	s22 =	simm.s32 $0x1BFF;
	s21 =	sshll.u32 s8, $0x1;
	s5 =	sadd.s32 s6, s19  }
0xa2: {  	s9 =	simm.s32 $0x0;
	s20 =	sshll.u32 s7, $0x1;
	s7 =	sadd.s32 s21, s5  }
0xa3: {  	[timem:s9], [sflag:s22] =	dma.local [hbm:s7], s20  }
0xa4: {  	_ =	swait.ge [sflag:s22], s20  }
0xa5: {  	s6 =	ssub.s32 $0x0, s20;
	[sflag:s22] =	ssyncset.done $0x0  }
0xa6: {  	[sflag:s22] =	ssyncadd.s32 s6;
	_ =	sdelay $0x1  }
0xa7: {  	s23 =	simm.s32 $0x1B8B  }
0xa8: {  	_ =	swait.ge [sflag:s23], $0x1  }
0xa9: {  	[sflag:s23] =	ssyncset.done $0x0  }
0xaa: {  	s25 =	simm.s32 $0x1B8E;
	s24 =	sld [smem:$0x3FFE];
	[sflag:s23] =	ssyncadd.s32 $0xFFFFFFFF  }
0xab: {  	s26 =	simm.s32 $execute0_lowered;
	[smem:$0x3FD2] =	sst s25  }
0xac: {  	s7 =	sshll.u32 s26, $0x1;
	_ =	strace $0x80000046;
	[dreg:$0x1] =	wrdreg $0xFFFFFFFF  }
0xad: {  	s28 =	simm.s32 $_size_execute0_lowered;
	s5 =	sadd.s32 s5, s7;
	[dreg:$0x0] =	wrdreg $0x0  }
0xae: {  	s7 =	sshll.u32 s28, $0x1;
	[dreg:$0x2] =	wrdreg s5  }
0xaf: {  	[dreg:$0x3] =	wrdreg s7  }
0xb0: {  	[dreg:$0x4] =	wrdreg $0xC0  }
0xb1: {  	_ =	task [dreg:s9], $0x5FFFF  }
0xb2: {  	[dreg:$0x1] =	wrdreg $0xFFFFFFFF  }
0xb3: {  	[dreg:$0x0] =	wrdreg $0x60  }
0xb4: {  	[dreg:$0x2] =	wrdreg s16  }
0xb5: {  	[dreg:$0x3] =	wrdreg s24  }
0xb6: {  	[dreg:$0x4] =	wrdreg s15  }
0xb7: {  	[dreg:$0x5] =	wrdreg s17  }
0xb8: {  	[dreg:$0x6] =	wrdreg $0xBA000  }
0xb9: {  	[dreg:$0x7] =	wrdreg $0x9  }
0xba: {  	_ =	task.clear_ibuf [dreg:s9], $0x8FFFF;
	_ =	strace $0x90000046  }
0xbb: {  	s29 =	simm.s32 $0x9;
	_ =	strace $0x80000048  }
0xbc: {  	_ =	swait.ge [sflag:s29], $0x1  }
0xbd: {  	[sflag:s29] =	ssyncadd.s32 $0xFFFFFFFF  }
0xbe: {  	_ =	strace $0x90000048  }
0xbf: {  	_ =	sfence  }
0xc0: {  	s30 =	sld [smem:$0x0];
	_ =	sdelay $0x2  }
0xc1: {  	s31 =	sshll.u32 s1, $0xD;
	s1 =	sshrl.u32 s1, $0x2  }
0xc2: {  	s3 =	sand.u32 $0x4000, s31;
	s1 =	sadd.s32 s1, s30  }
0xc3: {  	s0 =	sor.u32 s3, s0;
	s1 =	sshll.u32 s1, $0x11  }
0xc4: {  	s0 =	sor.u32 s1, s0  }
0xc5: {  	s0 =	sadd.s32 $0x8F2B, s0  }
0xc6: {  	[sflag:s0] =	ssyncadd.remote.s32 $0x1  }
0xc7: {  	_ =	sfence.sel $0xFFFF  }
0xc8: {  	[dreg:$0x0] =	wrdreg $0xFFFFFFFF;
	(pc) =	sbr.abs _section_cstart, $3  }
0xc9: {  	[dreg:$0x1] =	wrdreg $0xFFFFFFFF  }
0xca: {  	_ =	task.clear_ibuf [dreg:s9], $0x2FFFF;
	_ =	strace $0x9FFFFFFF  }
0xcb: {  	(tm) =	ssettm $0x7FFFFFFF  }
tec
execute0_lowered:
.L_overlay_start_1:
0x0: {  	(tag) =	ssettag $0x1  }
0x1: {  	s1 =	rddreg [dreg:$0x0]  }
0x2: {  	s0 =	rddreg [dreg:$0x1]  }
0x3: {  	s2 =	rddreg [dreg:$0x2]  }
0x4: {  	s5 =	rddreg [dreg:$0x3]  }
0x5: {  	s3 =	rddreg [dreg:$0x4]  }
0x6: {  	s4 =	simm.s32 $0x0;
	s8 =	srdreg.scid;
	s16 =	stileid.u32  }
0x7: {  	[smem:$0x7FF] =	sst s4;
	s10 =	sand.u32 $0x1, s8;
	s13 =	sshll.u32 s16, $0x1  }
0x8: {  	s6 =	sadd.s32 $0x42400, s0;
	s7 =	sadd.s32 $0x2400, s0;
	s28 =	sor.u32 s10, s13  }
0x9: {  	s11 =	smul.u32 $0x4F000, s16;
	s8 =	sadd.s32 $0x22400, s0;
	s30 =	sshll.u32 s28, $0xC  }
0xa: {  	s9 =	sadd.s32 $0x69600, s0;
	_ =	strace $0x80000047;
	s14 =	sadd.s32 s7, s30  }
0xb: {  	s18 =	smul.u32 $0x2710, s28;
	s15 =	sadd.s32 s8, s30;
	[dreg:$0x9] =	wrdreg s14  }
0xc: {  	s26 =	ssub.s32 $0x2, s10;
	s11 =	sshrl.u32 s11, $0x2;
	[dreg:$0xa] =	wrdreg s15  }
0xd: {  	s12 =	sshrl.u32 s26, $0x1;
	s17 =	sadd.s32 s11, s3;
	[dreg:$0x7] =	wrdreg s18  }
0xe: {  	s19 =	sor.u32 $0x10, s30;
	s11 =	sadd.s32 $0x12C00, s17;
	[dreg:$0x6] =	wrdreg s17  }
0xf: {  	s13 =	sshll.u32 s28, $0xF;
	s20 =	sadd.s32 s7, s19;
	[dreg:$0x8] =	wrdreg s11  }
0x10: {  	s21 =	smul.u32 $0x138800, s28;
	s14 =	sadd.s32 s8, s19;
	[dreg:$0xb] =	wrdreg s20  }
0x11: {  	s0 =	ssub.s32 s26, s12;
	s26 =	sadd.s32 $0x50, s18;
	[dreg:$0xc] =	wrdreg s14  }
0x12: {  	s12 =	smul.u32 $0x27100, s28;
	s28 =	sadd.s32 $0x78, s18;
	[dreg:$0x11] =	wrdreg s26  }
0x13: {  	s0 =	smax.u32 s0, $0x1;
	[dreg:$0x13] =	wrdreg s28  }
0x14: {  	s10 =	sshll.u32 s10, $0x4;
	s15 =	sadd.s32 $0x2800, s17;
	[dreg:$0x14] =	wrdreg s0  }
0x15: {  	s10 =	sor.u32 s16, s10;
	s16 =	sadd.s32 $0x3C00, s17;
	[dreg:$0x1b] =	wrdreg s15  }
0x16: {  	s10 =	smul.u32 $0x2780, s10;
	s19 =	sadd.s32 $0x6400, s17;
	[dreg:$0x1c] =	wrdreg s16  }
0x17: {  	s22 =	sshrl.u32 s21, $0x3;
	s21 =	sadd.s32 $0x8C00, s17;
	[dreg:$0x1e] =	wrdreg s19  }
0x18: {  	s24 =	sadd.s32 s2, s12;
	[smem:$0x7F6] =	sst s21  }
0x19: {  	s5 =	sadd.s32 s5, s10;
	[dreg:$0xf] =	wrdreg s24  }
0x1a: {  	s11 =	sor.u32 $0x20, s30;
	s30 =	sadd.s32 $0x28, s18;
	[dreg:$0x12] =	wrdreg s5  }
0x1b: {  	s10 =	sadd.s32 $0xC8, s18;
	[dreg:$0x15] =	wrdreg s30  }
0x1c: {  	s12 =	sadd.s32 $0x118, s18;
	[dreg:$0x17] =	wrdreg s10  }
0x1d: {  	s29 =	simm.s32 $0x100;
	s20 =	sadd.s32 $0x7800, s17;
	[dreg:$0x19] =	wrdreg s12  }
0x1e: {  	s14 =	sadd.s32 s2, s22;
	s22 =	sadd.s32 $0xA000, s17;
	[dreg:$0x1f] =	wrdreg s20  }
0x1f: {  	s31 =	simm.s32 $0x3;
	s26 =	sadd.s32 $0xF000, s17;
	[smem:$0x7F7] =	sst s22  }
0x20: {  	s28 =	sadd.s32 $0x10400, s17;
	s21 =	simm.s32 $0x400;
	[smem:$0x7FB] =	sst s26  }
0x21: {  	s19 =	simm.s32 $0xA;
	s23 =	sadd.s32 s7, s11;
	[smem:$0x7FC] =	sst s28  }
0x22: {  	s16 =	simm.s32 $0x5;
	s11 =	sadd.s32 s8, s11;
	[dreg:$0xd] =	wrdreg s23  }
0x23: {  	s15 =	simm.s32 $0x0;
	s25 =	sadd.s32 $0x280, s14;
	[dreg:$0xe] =	wrdreg s11  }
0x24: {  	s5 =	sadd.s32 $0xA0, s18;
	s14 =	sadd.s32 $0x1400, s17;
	[dreg:$0x10] =	wrdreg s25  }
0x25: {  	s24 =	sadd.s32 $0xC800, s17;
	s30 =	sadd.s32 $0x11800, s17;
	[dreg:$0x16] =	wrdreg s5  }
0x26: {  	s20 =	simm.s32 $0x28;
	s10 =	simm.s32 $0xC;
	[dreg:$0x1a] =	wrdreg s14  }
0x27: {  	s12 =	simm.s32 $0x1;
	s22 =	simm.s32 $0x7;
	[smem:$0x7F9] =	sst s24  }
0x28: {  	s26 =	simm.s32 $0x2;
	s11 =	sadd.s32 $0xF0, s18;
	[smem:$0x7FD] =	sst s30  }
.Ltmp0:
0x29: {  	s18 =	sadd.s32 $0x5000, s17;
	[dreg:$0x18] =	wrdreg s11;
	(pc) =	sbr.rel .LBB2_1-.Ltmp0, $4  }
0x2a: {  	s23 =	sadd.s32 $0xB400, s17;
	s25 =	sadd.s32 $0xDC00, s17;
	[dreg:$0x1d] =	wrdreg s18  }
0x2b: {  	s5 =	simm.s32 $0x600;
	s14 =	simm.s32 $0x10;
	[smem:$0x7F8] =	sst s23  }
0x2c: {  	s24 =	simm.s32 $0xD;
	[smem:$0x7FA] =	sst s25;
	s25 =	simm.s32 $0xB  }
0x2d: {  	v0 =	vimm.f32 $0.0e+00;
	s23 =	simm.s32 $0x2E00;
	s11 =	simm.s32 $0x4;
	s18 =	simm.s32 $0x8  }
.LBB2_18:
0x2e: {  	s0 =	stileid.u32;
	[bflag:$0x0] =	sbarrier.arrive $0xFFFF  }
0x2f: {  	s0 =	sshll.u32 s0, $0x6;
	s17 =	rddreg [dreg:$0x6]  }
0x30: {  	s15 =	rddreg [dreg:$0x12];
	s0 =	sor.u32 $0x1C10, s0;
	s14 =	sshrl.u32 s17, $0x3  }
0x31: {  	[hbm:s15], [sflag:s0] =	dma.local [spmem:s14], $0x2780  }
0x32: {  	s14 =	simm.s32 $0x10  }
0x33: {  	_ =	swait.ge [sflag:s14], $0x2780  }
0x34: {  	s28 =	sld [smem:$0x7F5];
	_ =	sdelay $0x2  }
0x35: {  	s30 =	rddreg [dreg:$0x14];
	s15 =	sadd.s32 $0x1, s28  }
0x36: {  	p0 =	sne.s32 s15, s30  }
.Ltmp1:
0x37: {  	_ = 	snop;
	(pc) =	sbr.rel @!p0 .LBB2_19-.Ltmp1, $3  }
0x38: {  	_ =	sdelay $0x1  }
0x39: {  	[sflag:s14] =	ssyncset.done $0x0  }
0x3a: {  	s21 =	simm.s32 $0x400;
	s23 =	simm.s32 $0x2E00;
	[sflag:s14] =	ssyncadd.s32 $0xFFFFD880  }
.LBB2_1:
0x3b: {  	[smem:$0x7F5] =	sst s15;
	s0 =	simm.s32 $0x0;
	s15 =	simm.s32 $0x200  }
.LBB2_2:
0x3c: {  	p0 =	sne.s32 s15, $0x4E00;
	[tilespmem:s0+$0x670] =	vst v0  }
0x3d: {  	[tilespmem:s0+$0x600] =	vst v0  }
0x3e: {  	[tilespmem:s0+$0x610] =	vst v0  }
.Ltmp2:
0x3f: {  	[tilespmem:s0+$0x620] =	vst v0;
	(pc) =	sbr.rel @p0 .LBB2_2-.Ltmp2, $4  }
0x40: {  	[tilespmem:s0+$0x630] =	vst v0  }
0x41: {  	[tilespmem:s0+$0x640] =	vst v0  }
0x42: {  	[tilespmem:s0+$0x650] =	vst v0  }
0x43: {  	[tilespmem:s0+$0x660] =	vst v0;
	s0 =	sshra.s32 s15, $0x2;
	s15 =	sadd.s32 $0x200, s15  }
0x44: {  	[tilespmem:s0+$0x670] =	vst v0  }
0x45: {  	[tilespmem:s0+$0x600] =	vst v0  }
0x46: {  	[tilespmem:s0+$0x610] =	vst v0  }
0x47: {  	[tilespmem:s0+$0x620] =	vst v0  }
0x48: {  	[tilespmem:s0+$0x630] =	vst v0  }
0x49: {  	[tilespmem:s0+$0x640] =	vst v0  }
0x4a: {  	[tilespmem:s0+$0x650] =	vst v0  }
0x4b: {  	[tilespmem:s0+$0x660] =	vst v0  }
0x4c: {  	[spmem:s17] =	stream.linear.scatter [tilespmem:s5], [sflag:$0x10], $0x1400, $0x38;
	[tilespmem:$0x1F600] =	vst v63  }
0x4d: {  	_ =	swait.ge [sflag:s14], $0x1400  }
0x4e: {  	[sflag:s14] =	ssyncset.done $0x0  }
0x4f: {  	s17 =	rddreg [dreg:$0x1a];
	[sflag:s14] =	ssyncadd.s32 $0xFFFFEC00  }
0x50: {  	[spmem:s17] =	stream.linear.scatter [tilespmem:s5], [sflag:$0x10], $0x1400, $0x38;
	[tilespmem:$0x1F600] =	vst v63  }
0x51: {  	_ =	swait.ge [sflag:s14], $0x1400  }
0x52: {  	[sflag:s14] =	ssyncset.done $0x0  }
0x53: {  	s28 =	rddreg [dreg:$0x1b];
	[sflag:s14] =	ssyncadd.s32 $0xFFFFEC00  }
0x54: {  	[spmem:s28] =	stream.linear.scatter [tilespmem:s5], [sflag:$0x10], $0x1400, $0x38;
	[tilespmem:$0x1F600] =	vst v63  }
0x55: {  	_ =	swait.ge [sflag:s14], $0x1400  }
0x56: {  	[sflag:s14] =	ssyncset.done $0x0  }
0x57: {  	s30 =	rddreg [dreg:$0x1c];
	[sflag:s14] =	ssyncadd.s32 $0xFFFFEC00  }
0x58: {  	[spmem:s30] =	stream.linear.scatter [tilespmem:s5], [sflag:$0x10], $0x1400, $0x38;
	[tilespmem:$0x1F600] =	vst v63  }
0x59: {  	_ =	swait.ge [sflag:s14], $0x1400  }
0x5a: {  	[sflag:s14] =	ssyncset.done $0x0  }
0x5b: {  	s15 =	rddreg [dreg:$0x1d];
	[sflag:s14] =	ssyncadd.s32 $0xFFFFEC00  }
0x5c: {  	[spmem:s15] =	stream.linear.scatter [tilespmem:s5], [sflag:$0x10], $0x1400, $0x38;
	[tilespmem:$0x1F600] =	vst v63  }
0x5d: {  	_ =	swait.ge [sflag:s14], $0x1400  }
0x5e: {  	[sflag:s14] =	ssyncset.done $0x0  }
0x5f: {  	s17 =	rddreg [dreg:$0x1e];
	[sflag:s14] =	ssyncadd.s32 $0xFFFFEC00  }
0x60: {  	[spmem:s17] =	stream.linear.scatter [tilespmem:s5], [sflag:$0x10], $0x1400, $0x38;
	[tilespmem:$0x1F600] =	vst v63  }
0x61: {  	_ =	swait.ge [sflag:s14], $0x1400  }
0x62: {  	[sflag:s14] =	ssyncset.done $0x0  }
0x63: {  	s28 =	rddreg [dreg:$0x1f];
	[sflag:s14] =	ssyncadd.s32 $0xFFFFEC00  }
0x64: {  	[spmem:s28] =	stream.linear.scatter [tilespmem:s5], [sflag:$0x10], $0x1400, $0x38;
	[tilespmem:$0x1F600] =	vst v63  }
0x65: {  	_ =	swait.ge [sflag:s14], $0x1400  }
0x66: {  	s30 =	sld [smem:$0x7F6]  }
0x67: {  	[sflag:s14] =	ssyncset.done $0x0  }
0x68: {  	[sflag:s14] =	ssyncadd.s32 $0xFFFFEC00  }
0x69: {  	[spmem:s30] =	stream.linear.scatter [tilespmem:s5], [sflag:$0x10], $0x1400, $0x38;
	[tilespmem:$0x1F600] =	vst v63  }
0x6a: {  	_ =	swait.ge [sflag:s14], $0x1400  }
0x6b: {  	s15 =	sld [smem:$0x7F7]  }
0x6c: {  	[sflag:s14] =	ssyncset.done $0x0  }
0x6d: {  	[sflag:s14] =	ssyncadd.s32 $0xFFFFEC00  }
0x6e: {  	[spmem:s15] =	stream.linear.scatter [tilespmem:s5], [sflag:$0x10], $0x1400, $0x38;
	[tilespmem:$0x1F600] =	vst v63  }
0x6f: {  	_ =	swait.ge [sflag:s14], $0x1400  }
0x70: {  	s17 =	sld [smem:$0x7F8]  }
0x71: {  	[sflag:s14] =	ssyncset.done $0x0  }
0x72: {  	[sflag:s14] =	ssyncadd.s32 $0xFFFFEC00  }
0x73: {  	[spmem:s17] =	stream.linear.scatter [tilespmem:s5], [sflag:$0x10], $0x1400, $0x38;
	[tilespmem:$0x1F600] =	vst v63  }
0x74: {  	_ =	swait.ge [sflag:s14], $0x1400  }
0x75: {  	s28 =	sld [smem:$0x7F9]  }
0x76: {  	[sflag:s14] =	ssyncset.done $0x0  }
0x77: {  	[sflag:s14] =	ssyncadd.s32 $0xFFFFEC00  }
0x78: {  	[spmem:s28] =	stream.linear.scatter [tilespmem:s5], [sflag:$0x10], $0x1400, $0x38;
	[tilespmem:$0x1F600] =	vst v63  }
0x79: {  	_ =	swait.ge [sflag:s14], $0x1400  }
0x7a: {  	s30 =	sld [smem:$0x7FA]  }
0x7b: {  	[sflag:s14] =	ssyncset.done $0x0  }
0x7c: {  	[sflag:s14] =	ssyncadd.s32 $0xFFFFEC00  }
0x7d: {  	[spmem:s30] =	stream.linear.scatter [tilespmem:s5], [sflag:$0x10], $0x1400, $0x38;
	[tilespmem:$0x1F600] =	vst v63  }
0x7e: {  	_ =	swait.ge [sflag:s14], $0x1400  }
0x7f: {  	s15 =	sld [smem:$0x7FB]  }
0x80: {  	[sflag:s14] =	ssyncset.done $0x0  }
0x81: {  	[sflag:s14] =	ssyncadd.s32 $0xFFFFEC00  }
0x82: {  	[spmem:s15] =	stream.linear.scatter [tilespmem:s5], [sflag:$0x10], $0x1400, $0x38;
	[tilespmem:$0x1F600] =	vst v63  }
0x83: {  	_ =	swait.ge [sflag:s14], $0x1400  }
0x84: {  	s17 =	sld [smem:$0x7FC]  }
0x85: {  	[sflag:s14] =	ssyncset.done $0x0  }
0x86: {  	[sflag:s14] =	ssyncadd.s32 $0xFFFFEC00  }
0x87: {  	[spmem:s17] =	stream.linear.scatter [tilespmem:s5], [sflag:$0x10], $0x1400, $0x38;
	[tilespmem:$0x1F600] =	vst v63  }
0x88: {  	_ =	swait.ge [sflag:s14], $0x1400  }
0x89: {  	s28 =	sld [smem:$0x7FD]  }
0x8a: {  	[sflag:s14] =	ssyncset.done $0x0  }
0x8b: {  	[sflag:s14] =	ssyncadd.s32 $0xFFFFEC00  }
0x8c: {  	[spmem:s28] =	stream.linear.scatter [tilespmem:s5], [sflag:$0x10], $0x1400, $0x38;
	[tilespmem:$0x1F600] =	vst v63  }
0x8d: {  	_ =	swait.ge [sflag:s14], $0x1400  }
0x8e: {  	[sflag:s14] =	ssyncset.done $0x0  }
0x8f: {  	s30 =	rddreg [dreg:$0x8];
	[sflag:s14] =	ssyncadd.s32 $0xFFFFEC00  }
0x90: {  	[spmem:s30] =	stream.linear.scatter [tilespmem:s5], [sflag:$0x10], $0x1000, $0x38;
	[tilespmem:$0x1F600] =	vst v63  }
0x91: {  	_ =	swait.ge [sflag:s14], $0x1000  }
0x92: {  	[sflag:s14] =	ssyncset.done $0x0  }
0x93: {  	[sflag:s14] =	ssyncadd.s32 $0xFFFFF000  }
0x94: {  	[bflag:$0x0] =	sbarrier.arrive $0xFFFF  }
0x95: {  	s28 =	simm.s32 $0x0;
	s14 =	rddreg [dreg:$0x9]  }
0x96: {  	[tilespmem:s28], [sflag:$0xA] =	stream.linear.gather [hbm4b:s14+s28], $0x80, $0x38;
	[tilespmem:$0x1F600] =	vst v63  }
0x97: {  	s15 =	rddreg [dreg:$0xa];
	s14 =	simm.s32 $0x300  }
0x98: {  	[tilespmem:s14], [sflag:$0xA] =	stream.linear.gather [hbm4b:s15+s28], $0x80, $0x38;
	[tilespmem:$0x1F600] =	vst v63  }
0x99: {  	s17 =	rddreg [dreg:$0xb];
	s15 =	simm.s32 $0x80  }
0x9a: {  	[tilespmem:s15], [sflag:$0xB] =	stream.linear.gather [hbm4b:s17+s28], $0x80, $0x38;
	[tilespmem:$0x1F600] =	vst v63  }
0x9b: {  	s30 =	rddreg [dreg:$0xc];
	s17 =	simm.s32 $0x380  }
0x9c: {  	[tilespmem:s17], [sflag:$0xB] =	stream.linear.gather [hbm4b:s30+s28], $0x80, $0x38;
	[tilespmem:$0x1F600] =	vst v63  }
0x9d: {  	s30 =	rddreg [dreg:$0xd]  }
0x9e: {  	[tilespmem:s29], [sflag:$0xC] =	stream.linear.gather [hbm4b:s30+s28], $0x80, $0x38;
	[tilespmem:$0x1F600] =	vst v63  }
0x9f: {  	s30 =	rddreg [dreg:$0xe]  }
0xa0: {  	[tilespmem:s21], [sflag:$0xC] =	stream.linear.gather [hbm4b:s30+s28], $0x80, $0x38;
	[tilespmem:$0x1F600] =	vst v63  }
0xa1: {  	_ =	swait.ge [sflag:s19], $0x80  }
0xa2: {  	[sflag:s19] =	ssyncset.done $0x0  }
0xa3: {  	[sflag:s19] =	ssyncadd.s32 $0xFFFFFF80  }
0xa4: {  	_ =	swait.ge [sflag:s19], $0x80  }
0xa5: {  	[sflag:s19] =	ssyncset.done $0x0  }
0xa6: {  	[sflag:s19] =	ssyncadd.s32 $0xFFFFFF80  }
0xa7: {  	[tilespmem:s5], [sflag:$0x1] =	stream.indirect.gather [hbm4b:s1+s20], $0x80, s28, s20, $0xb8;
	[tilespmem:$0x1F600] =	vst v63  }
0xa8: {  	s30 =	simm.s32 $0x4200  }
0xa9: {  	[tilespmem:s30], [sflag:$0x1] =	stream.indirect.gather [hbm4b:s6+s20], $0x80, s14, s20, $0xb8;
	[tilespmem:$0x1F600] =	vst v63  }
0xaa: {  	s14 =	rddreg [dreg:$0xf];
	s30 =	simm.s32 $0x7E00  }
0xab: {  	[tilespmem:s30], [sflag:$0x1] =	stream.linear.gather [hbm4b:s14+s28], $0x1400, $0x38;
	[tilespmem:$0x1F600] =	vst v63  }
0xac: {  	_ =	swait.ge [sflag:s25], $0x80  }
0xad: {  	[sflag:s25] =	ssyncset.done $0x0  }
0xae: {  	[sflag:s25] =	ssyncadd.s32 $0xFFFFFF80  }
0xaf: {  	_ =	swait.ge [sflag:s25], $0x80  }
0xb0: {  	[sflag:s25] =	ssyncset.done $0x0  }
0xb1: {  	s14 =	simm.s32 $0x1A00;
	[sflag:s25] =	ssyncadd.s32 $0xFFFFFF80  }
0xb2: {  	[tilespmem:s14], [sflag:$0x2] =	stream.indirect.gather [hbm4b:s1+s20], $0x80, s15, s20, $0xb8;
	[tilespmem:$0x1F600] =	vst v63  }
0xb3: {  	s15 =	simm.s32 $0x5600  }
0xb4: {  	[tilespmem:s15], [sflag:$0x2] =	stream.indirect.gather [hbm4b:s6+s20], $0x80, s17, s20, $0xb8;
	[tilespmem:$0x1F600] =	vst v63  }
0xb5: {  	s30 =	simm.s32 $0x9200;
	s17 =	rddreg [dreg:$0x10]  }
0xb6: {  	[tilespmem:s30], [sflag:$0x2] =	stream.linear.gather [hbm4b:s17+s28], $0x1400, $0x38;
	[tilespmem:$0x1F600] =	vst v63  }
0xb7: {  	s17 =	simm.s32 $0x0  }
.LBB2_4:
0xb8: {  	p0 =	seq.s32 s17, $0x0  }
0xb9: {  	s0 =	simm.s32 @!p0 $0x6  }
0xba: {  	_ =	swait.ge @!p0 [sflag:s0], $0x1400  }
0xbb: {  	[sflag:s0] =	ssyncset.done @!p0 $0x0  }
0xbc: {  	[sflag:s0] =	ssyncadd.s32 @!p0 $0xFFFFEC00;
	s0 =	simm.s32 @!p0 $0x9  }
0xbd: {  	_ =	swait.ge @!p0 [sflag:s0], $0x1400  }
0xbe: {  	[sflag:s0] =	ssyncset.done @!p0 $0x0  }
0xbf: {  	[sflag:s0] =	ssyncadd.s32 @!p0 $0xFFFFEC00  }
0xc0: {  	_ =	swait.ge [sflag:s10], $0x80  }
0xc1: {  	[sflag:s10] =	ssyncset.done $0x0  }
0xc2: {  	[sflag:s10] =	ssyncadd.s32 $0xFFFFFF80  }
0xc3: {  	_ =	swait.ge [sflag:s10], $0x80  }
0xc4: {  	[sflag:s10] =	ssyncset.done $0x0  }
0xc5: {  	s30 =	smul.u32 $0xF0, s17;
	[sflag:s10] =	ssyncadd.s32 $0xFFFFFF80  }
0xc6: {  	[tilespmem:s23], [sflag:$0x3] =	stream.indirect.gather [hbm4b:s1+s20], $0x80, s29, s20, $0xb8;
	[tilespmem:$0x1F600] =	vst v63  }
0xc7: {  	s29 =	rddreg [dreg:$0x11]  }
0xc8: {  	s23 =	simm.s32 $0x6A00;
	s0 =	sadd.s32 s30, s29  }
0xc9: {  	[tilespmem:s23], [sflag:$0x3] =	stream.indirect.gather [hbm4b:s6+s20], $0x80, s21, s20, $0xb8;
	[tilespmem:$0x1F600] =	vst v63  }
0xca: {  	s15 =	sshll.u32 s0, $0x4  }
0xcb: {  	s14 =	simm.s32 $0xA600;
	s28 =	simm.s32 $0x0;
	s0 =	sadd.s32 s2, s15  }
0xcc: {  	[tilespmem:s14], [sflag:$0x3] =	stream.linear.gather [hbm4b:s0+s28], $0x1400, $0x38;
	[tilespmem:$0x1F600] =	vst v63  }
0xcd: {  	_ =	swait.ge [sflag:s12], $0x1400  }
0xce: {  	s21 =	smul.u32 $0x300, s17;
	[sflag:s12] =	ssyncset.done $0x0  }
0xcf: {  	[sflag:s12] =	ssyncadd.s32 $0xFFFFEC00  }
0xd0: {  	s14 =	sadd.s32 $0x180, s21;
	_ =	swait.ge [sflag:s12], $0x1400  }
0xd1: {  	s29 =	sand.u32 $0x1FC00, s14;
	[sflag:s12] =	ssyncset.done $0x0  }
0xd2: {  	s0 =	sand.u32 $0x380, s14;
	s23 =	sadd.s32 s13, s29;
	[sflag:s12] =	ssyncadd.s32 $0xFFFFEC00  }
0xd3: {  	s0 =	sor.u32 s0, s23;
	_ =	swait.ge [sflag:s12], $0x1400  }
0xd4: {  	s0 =	sshrl.u32 s0, $0x3;
	[sflag:s12] =	ssyncset.done $0x0  }
0xd5: {  	s29 =	simm.s32 $0x180;
	s14 =	sadd.s32 s7, s0;
	[sflag:s12] =	ssyncadd.s32 $0xFFFFEC00  }
0xd6: {  	[tilespmem:s29], [sflag:$0xD] =	stream.linear.gather [hbm4b:s14+s28], $0x80, $0x38;
	[tilespmem:$0x1F600] =	vst v63  }
0xd7: {  	s23 =	simm.s32 $0x0;
	s0 =	sadd.s32 s8, s0;
	s29 =	simm.s32 $0x480  }
0xd8: {  	[tilespmem:s29], [sflag:$0xD] =	stream.linear.gather [hbm4b:s0+s28], $0x80, $0x38;
	[tilespmem:$0x1F600] =	vst v63  }
0xd9: {  	v6 =	vld [tilespmem:s23+$0x7E00]  }
0xda: {  	v5 =	vld [tilespmem:s23+$0x7E10]  }
0xdb: {  	v4 =	vld [tilespmem:s23+$0x7E20]  }
0xdc: {  	v3 =	vld [tilespmem:s23+$0x7E30]  }
0xdd: {  	v2 =	vld [tilespmem:s23+$0x7E40]  }
0xde: {  	v1 =	vld [tilespmem:s23+$0x7E50]  }
0xdf: {  	v13 =	vld [tilespmem:s23+$0x4200]  }
0xe0: {  	v18 =	vld [tilespmem:s23+$0x4210]  }
0xe1: {  	v12 =	vld [tilespmem:s23+$0x4220]  }
0xe2: {  	v11 =	vld [tilespmem:s23+$0x4230]  }
0xe3: {  	v10 =	vld [tilespmem:s23+$0x4240]  }
0xe4: {  	v9 =	vld [tilespmem:s23+$0x4250]  }
0xe5: {  	v8 =	vld [tilespmem:s23+$0x4260]  }
0xe6: {  	v7 =	vld [tilespmem:s23+$0x4270]  }
0xe7: {  	v19 =	vld [tilespmem:s23+$0x600]  }
0xe8: {  	v20 =	vld [tilespmem:s23+$0x610]  }
0xe9: {  	v17 =	vld [tilespmem:s23+$0x620]  }
0xea: {  	v16 =	vld [tilespmem:s23+$0x630]  }
0xeb: {  	v15 =	vld [tilespmem:s23+$0x640]  }
0xec: {  	v14 =	vld [tilespmem:s23+$0x650];
	v19 =	vadd.f32 v13, v19  }
0xed: {  	s28 =	simm.s32 $0x200;
	v18 =	vadd.f32 v18, v20;
	v13 =	vld [tilespmem:s23+$0x660]  }
.LBB2_5:
0xee: {  	p0 =	sne.s32 s28, $0x4E00;
	v6 =	vmul.f32 v6, v19;
	v12 =	vadd.f32 v12, v17;
	v17 =	vld [tilespmem:s23+$0x670]  }
0xef: {  	v5 =	vmul.f32 v5, v18;
	v11 =	vadd.f32 v11, v16;
	v16 =	vld [tilespmem:s23+$0x7E60]  }
0xf0: {  	s0 =	sshra.s32 s28, $0x2;
	[tilespmem:s23+$0x600] =	vst v6;
	v4 =	vmul.f32 v4, v12;
	v10 =	vadd.f32 v10, v15;
	v12 =	vld [tilespmem:s23+$0x7E70]  }
0xf1: {  	v6 =	vld [tilespmem:s0+$0x7E00];
	[tilespmem:s23+$0x610] =	vst v5;
	v3 =	vmul.f32 v3, v11;
	v9 =	vadd.f32 v9, v14  }
0xf2: {  	v5 =	vld [tilespmem:s0+$0x7E10];
	[tilespmem:s23+$0x620] =	vst v4;
	v2 =	vmul.f32 v2, v10;
	v8 =	vadd.f32 v8, v13  }
0xf3: {  	v4 =	vld [tilespmem:s0+$0x7E20];
	[tilespmem:s23+$0x630] =	vst v3;
	v1 =	vmul.f32 v1, v9;
	v7 =	vadd.f32 v7, v17  }
0xf4: {  	v3 =	vld [tilespmem:s0+$0x7E30];
	[tilespmem:s23+$0x640] =	vst v2;
	v8 =	vmul.f32 v16, v8  }
0xf5: {  	v2 =	vld [tilespmem:s0+$0x7E40];
	[tilespmem:s23+$0x650] =	vst v1;
	v7 =	vmul.f32 v12, v7  }
0xf6: {  	v1 =	vld [tilespmem:s0+$0x7E50];
	[tilespmem:s23+$0x660] =	vst v8  }
0xf7: {  	v13 =	vld [tilespmem:s0+$0x4200];
	[tilespmem:s23+$0x670] =	vst v7;
	s23 =	smov.u32 s0  }
0xf8: {  	v18 =	vld [tilespmem:s23+$0x4210]  }
0xf9: {  	v12 =	vld [tilespmem:s23+$0x4220]  }
0xfa: {  	v11 =	vld [tilespmem:s23+$0x4230]  }
0xfb: {  	v10 =	vld [tilespmem:s23+$0x4240]  }
0xfc: {  	v9 =	vld [tilespmem:s23+$0x4250]  }
0xfd: {  	v8 =	vld [tilespmem:s23+$0x4260]  }
0xfe: {  	v7 =	vld [tilespmem:s23+$0x4270]  }
0xff: {  	v14 =	vld [tilespmem:s23+$0x600]  }
0x100: {  	v20 =	vld [tilespmem:s23+$0x610]  }
.Ltmp3:
0x101: {  	v17 =	vld [tilespmem:s23+$0x620];
	(pc) =	sbr.rel @p0 .LBB2_5-.Ltmp3, $4  }
0x102: {  	v16 =	vld [tilespmem:s23+$0x630]  }
0x103: {  	v15 =	vld [tilespmem:s23+$0x640]  }
0x104: {  	v19 =	vadd.f32 v13, v14;
	v14 =	vld [tilespmem:s23+$0x650]  }
0x105: {  	s28 =	sadd.s32 $0x200, s28;
	v18 =	vadd.f32 v18, v20;
	v13 =	vld [tilespmem:s23+$0x660]  }
0x106: {  	v6 =	vmul.f32 v6, v19;
	v19 =	vld [tilespmem:s23+$0x670];
	v12 =	vadd.f32 v12, v17  }
0x107: {  	v17 =	vld [tilespmem:s23+$0x7E60];
	v5 =	vmul.f32 v5, v18;
	v11 =	vadd.f32 v11, v16  }
0x108: {  	[tilespmem:s23+$0x600] =	vst v6;
	v4 =	vmul.f32 v4, v12;
	v6 =	vadd.f32 v10, v15;
	v10 =	vld [tilespmem:s23+$0x7E70]  }
0x109: {  	[tilespmem:s23+$0x610] =	vst v5;
	v3 =	vmul.f32 v3, v11;
	v5 =	vadd.f32 v9, v14  }
0x10a: {  	[tilespmem:s23+$0x620] =	vst v4;
	v2 =	vmul.f32 v2, v6;
	v4 =	vadd.f32 v8, v13  }
0x10b: {  	[tilespmem:s23+$0x630] =	vst v3;
	v1 =	vmul.f32 v1, v5;
	v3 =	vadd.f32 v7, v19  }
0x10c: {  	s0 =	rddreg [dreg:$0x7];
	[tilespmem:s23+$0x640] =	vst v2;
	v2 =	vmul.f32 v17, v4  }
0x10d: {  	s0 =	sadd.s32 s0, s30;
	[tilespmem:s23+$0x650] =	vst v1;
	v1 =	vmul.f32 v10, v3  }
0x10e: {  	s0 =	sshll.u32 s0, $0x4;
	[tilespmem:s23+$0x660] =	vst v2  }
0x10f: {  	s0 =	sadd.s32 s9, s0;
	[tilespmem:s23+$0x670] =	vst v1  }
0x110: {  	[hbm4b:s0+s4] =	stream.linear.scatter [tilespmem:s5], [sflag:$0x4], $0x1400, $0x38;
	[tilespmem:$0x1F600] =	vst v63  }
0x111: {  	_ = 	snop  }
0x112: {  	[spmem:s3] =	stream.indirect.scatter.add.f32 [tilespmem:s5], [sflag:$0x7], $0x80, s4, s20, $0xb8;
	[tilespmem:$0x1F600] =	vst v63  }
0x113: {  	_ =	swait.ge [sflag:s11], $0x1400  }
0x114: {  	[sflag:s11] =	ssyncset.done $0x0  }
0x115: {  	[sflag:s11] =	ssyncadd.s32 $0xFFFFEC00  }
0x116: {  	_ =	swait.ge [sflag:s22], $0x1400  }
0x117: {  	[sflag:s22] =	ssyncset.done $0x0  }
0x118: {  	[sflag:s22] =	ssyncadd.s32 $0xFFFFEC00  }
0x119: {  	_ =	swait.ge [sflag:s24], $0x80  }
0x11a: {  	[sflag:s24] =	ssyncset.done $0x0  }
0x11b: {  	[sflag:s24] =	ssyncadd.s32 $0xFFFFFF80  }
0x11c: {  	_ =	swait.ge [sflag:s24], $0x80  }
0x11d: {  	[sflag:s24] =	ssyncset.done $0x0  }
0x11e: {  	s14 =	simm.s32 $0x180;
	[sflag:s24] =	ssyncadd.s32 $0xFFFFFF80  }
0x11f: {  	[tilespmem:s5], [sflag:$0x1] =	stream.indirect.gather [hbm4b:s1+s20], $0x80, s14, s20, $0xb8;
	[tilespmem:$0x1F600] =	vst v63  }
0x120: {  	s23 =	simm.s32 $0x4200;
	s14 =	simm.s32 $0x480  }
0x121: {  	[tilespmem:s23], [sflag:$0x1] =	stream.indirect.gather [hbm4b:s6+s20], $0x80, s14, s20, $0xb8;
	[tilespmem:$0x1F600] =	vst v63  }
0x122: {  	s23 =	rddreg [dreg:$0x13]  }
0x123: {  	s0 =	sadd.s32 s30, s23  }
0x124: {  	s23 =	sshll.u32 s0, $0x4  }
0x125: {  	s14 =	simm.s32 $0x7E00;
	s0 =	sadd.s32 s2, s23  }
0x126: {  	[tilespmem:s14], [sflag:$0x1] =	stream.linear.gather [hbm4b:s0+s4], $0x1400, $0x38;
	[tilespmem:$0x1F600] =	vst v63  }
0x127: {  	_ =	swait.ge [sflag:s26], $0x1400  }
0x128: {  	[sflag:s26] =	ssyncset.done $0x0  }
0x129: {  	p0 =	seq.s32 s17, $0x29;
	[sflag:s26] =	ssyncadd.s32 $0xFFFFEC00  }
0x12a: {  	s0 =	sadd.s32 @!p0 $0x200, s21;
	_ =	swait.ge [sflag:s26], $0x1400  }
0x12b: {  	s28 =	sand.u32 @!p0 $0x1FC00, s0;
	[sflag:s26] =	ssyncset.done $0x0  }
0x12c: {  	s0 =	sand.u32 @!p0 $0x300, s0;
	s28 =	sadd.s32 @!p0 s13, s28;
	[sflag:s26] =	ssyncadd.s32 $0xFFFFEC00  }
0x12d: {  	s0 =	sor.u32 @!p0 s0, s28;
	_ =	swait.ge [sflag:s26], $0x1400  }
0x12e: {  	s29 =	simm.s32 @!p0 $0x0;
	s0 =	sshrl.u32 @!p0 s0, $0x3;
	[sflag:s26] =	ssyncset.done $0x0  }
0x12f: {  	s14 =	simm.s32 @!p0 $0x200;
	s28 =	sadd.s32 @!p0 s7, s0;
	[sflag:s26] =	ssyncadd.s32 $0xFFFFEC00  }
0x130: {  	[tilespmem:s14], [sflag:$0xE] =	stream.linear.gather @!p0 [hbm4b:s28+s29], $0x80, $0x38;
	[tilespmem:$0x1F600] =	vst v63  }
0x131: {  	s0 =	sadd.s32 @!p0 s8, s0;
	s14 =	simm.s32 @!p0 $0x500;
	s28 =	simm.s32 $0x0  }
0x132: {  	[tilespmem:s14], [sflag:$0xE] =	stream.linear.gather @!p0 [hbm4b:s0+s29], $0x80, $0x38;
	[tilespmem:$0x1F600] =	vst v63  }
0x133: {  	v6 =	vld [tilespmem:s28+$0x9200]  }
0x134: {  	v5 =	vld [tilespmem:s28+$0x9210]  }
0x135: {  	v4 =	vld [tilespmem:s28+$0x9220]  }
0x136: {  	v3 =	vld [tilespmem:s28+$0x9230]  }
0x137: {  	v2 =	vld [tilespmem:s28+$0x9240]  }
0x138: {  	v1 =	vld [tilespmem:s28+$0x9250]  }
0x139: {  	v13 =	vld [tilespmem:s28+$0x5600]  }
0x13a: {  	v18 =	vld [tilespmem:s28+$0x5610]  }
0x13b: {  	v12 =	vld [tilespmem:s28+$0x5620]  }
0x13c: {  	v11 =	vld [tilespmem:s28+$0x5630]  }
0x13d: {  	v10 =	vld [tilespmem:s28+$0x5640]  }
0x13e: {  	v9 =	vld [tilespmem:s28+$0x5650]  }
0x13f: {  	v8 =	vld [tilespmem:s28+$0x5660]  }
0x140: {  	v7 =	vld [tilespmem:s28+$0x5670]  }
0x141: {  	v19 =	vld [tilespmem:s28+$0x1A00]  }
0x142: {  	v20 =	vld [tilespmem:s28+$0x1A10]  }
0x143: {  	v17 =	vld [tilespmem:s28+$0x1A20]  }
0x144: {  	v16 =	vld [tilespmem:s28+$0x1A30]  }
0x145: {  	v15 =	vld [tilespmem:s28+$0x1A40]  }
0x146: {  	s14 =	rddreg [dreg:$0x15];
	v14 =	vld [tilespmem:s28+$0x1A50];
	v19 =	vadd.f32 v13, v19  }
0x147: {  	s0 =	simm.s32 $0x200;
	s29 =	sadd.s32 s30, s14;
	v18 =	vadd.f32 v18, v20;
	v13 =	vld [tilespmem:s28+$0x1A60]  }
.LBB2_7:
0x148: {  	p1 =	sne.s32 s0, $0x4E00;
	v6 =	vmul.f32 v6, v19;
	v12 =	vadd.f32 v12, v17;
	v17 =	vld [tilespmem:s28+$0x1A70]  }
0x149: {  	v5 =	vmul.f32 v5, v18;
	v11 =	vadd.f32 v11, v16;
	v16 =	vld [tilespmem:s28+$0x9260]  }
0x14a: {  	s14 =	sshra.s32 s0, $0x2;
	[tilespmem:s28+$0x1A00] =	vst v6;
	v4 =	vmul.f32 v4, v12;
	v10 =	vadd.f32 v10, v15;
	v12 =	vld [tilespmem:s28+$0x9270]  }
0x14b: {  	v6 =	vld [tilespmem:s14+$0x9200];
	[tilespmem:s28+$0x1A10] =	vst v5;
	v3 =	vmul.f32 v3, v11;
	v9 =	vadd.f32 v9, v14  }
0x14c: {  	v5 =	vld [tilespmem:s14+$0x9210];
	[tilespmem:s28+$0x1A20] =	vst v4;
	v2 =	vmul.f32 v2, v10;
	v8 =	vadd.f32 v8, v13  }
0x14d: {  	v4 =	vld [tilespmem:s14+$0x9220];
	[tilespmem:s28+$0x1A30] =	vst v3;
	v1 =	vmul.f32 v1, v9;
	v7 =	vadd.f32 v7, v17  }
0x14e: {  	v3 =	vld [tilespmem:s14+$0x9230];
	[tilespmem:s28+$0x1A40] =	vst v2;
	v8 =	vmul.f32 v16, v8  }
0x14f: {  	v2 =	vld [tilespmem:s14+$0x9240];
	[tilespmem:s28+$0x1A50] =	vst v1;
	v7 =	vmul.f32 v12, v7  }
0x150: {  	v1 =	vld [tilespmem:s14+$0x9250];
	[tilespmem:s28+$0x1A60] =	vst v8  }
0x151: {  	v13 =	vld [tilespmem:s14+$0x5600];
	[tilespmem:s28+$0x1A70] =	vst v7;
	s28 =	smov.u32 s14  }
0x152: {  	v18 =	vld [tilespmem:s28+$0x5610]  }
0x153: {  	v12 =	vld [tilespmem:s28+$0x5620]  }
0x154: {  	v11 =	vld [tilespmem:s28+$0x5630]  }
0x155: {  	v10 =	vld [tilespmem:s28+$0x5640]  }
0x156: {  	v9 =	vld [tilespmem:s28+$0x5650]  }
0x157: {  	v8 =	vld [tilespmem:s28+$0x5660]  }
0x158: {  	v7 =	vld [tilespmem:s28+$0x5670]  }
0x159: {  	v14 =	vld [tilespmem:s28+$0x1A00]  }
0x15a: {  	v20 =	vld [tilespmem:s28+$0x1A10]  }
.Ltmp4:
0x15b: {  	v17 =	vld [tilespmem:s28+$0x1A20];
	(pc) =	sbr.rel @p1 .LBB2_7-.Ltmp4, $4  }
0x15c: {  	v16 =	vld [tilespmem:s28+$0x1A30]  }
0x15d: {  	v15 =	vld [tilespmem:s28+$0x1A40]  }
0x15e: {  	v19 =	vadd.f32 v13, v14;
	v14 =	vld [tilespmem:s28+$0x1A50]  }
0x15f: {  	s0 =	sadd.s32 $0x200, s0;
	v18 =	vadd.f32 v18, v20;
	v13 =	vld [tilespmem:s28+$0x1A60]  }
0x160: {  	v6 =	vmul.f32 v6, v19;
	v19 =	vld [tilespmem:s28+$0x1A70];
	v12 =	vadd.f32 v12, v17  }
0x161: {  	v17 =	vld [tilespmem:s28+$0x9260];
	v5 =	vmul.f32 v5, v18;
	v11 =	vadd.f32 v11, v16  }
0x162: {  	[tilespmem:s28+$0x1A00] =	vst v6;
	v4 =	vmul.f32 v4, v12;
	v6 =	vadd.f32 v10, v15;
	v10 =	vld [tilespmem:s28+$0x9270]  }
0x163: {  	[tilespmem:s28+$0x1A10] =	vst v5;
	v3 =	vmul.f32 v3, v11;
	v5 =	vadd.f32 v9, v14  }
0x164: {  	[tilespmem:s28+$0x1A20] =	vst v4;
	v2 =	vmul.f32 v2, v6;
	v4 =	vadd.f32 v8, v13  }
0x165: {  	[tilespmem:s28+$0x1A30] =	vst v3;
	v1 =	vmul.f32 v1, v5;
	v3 =	vadd.f32 v7, v19  }
0x166: {  	[tilespmem:s28+$0x1A40] =	vst v2;
	v2 =	vmul.f32 v17, v4  }
0x167: {  	[tilespmem:s28+$0x1A50] =	vst v1;
	v1 =	vmul.f32 v10, v3  }
0x168: {  	s0 =	sshll.u32 s29, $0x4;
	[tilespmem:s28+$0x1A60] =	vst v2  }
0x169: {  	s14 =	simm.s32 $0x1A00;
	s0 =	sadd.s32 s9, s0;
	[tilespmem:s28+$0x1A70] =	vst v1  }
0x16a: {  	[hbm4b:s0+s4] =	stream.linear.scatter [tilespmem:s14], [sflag:$0x5], $0x1400, $0x38;
	[tilespmem:$0x1F600] =	vst v63  }
0x16b: {  	s29 =	simm.s32 $0x80  }
0x16c: {  	[spmem:s3] =	stream.indirect.scatter.add.f32 [tilespmem:s14], [sflag:$0x8], $0x80, s29, s20, $0xb8;
	[tilespmem:$0x1F600] =	vst v63  }
0x16d: {  	_ =	swait.ge [sflag:s16], $0x1400  }
0x16e: {  	[sflag:s16] =	ssyncset.done $0x0  }
0x16f: {  	[sflag:s16] =	ssyncadd.s32 $0xFFFFEC00  }
0x170: {  	_ =	swait.ge [sflag:s18], $0x1400  }
0x171: {  	[sflag:s18] =	ssyncset.done $0x0  }
0x172: {  	s0 =	simm.s32 @p0 $0x3;
	[sflag:s18] =	ssyncadd.s32 $0xFFFFEC00  }
0x173: {  	_ =	swait.ge @p0 [sflag:s0], $0x1400  }
0x174: {  	[sflag:s0] =	ssyncset.done @p0 $0x0  }
0x175: {  	[sflag:s0] =	ssyncadd.s32 @p0 $0xFFFFEC00  }
0x176: {  	_ =	swait.ge @p0 [sflag:s0], $0x1400  }
0x177: {  	[sflag:s0] =	ssyncset.done @p0 $0x0  }
0x178: {  	[sflag:s0] =	ssyncadd.s32 @p0 $0xFFFFEC00  }
0x179: {  	_ =	swait.ge @p0 [sflag:s0], $0x1400  }
0x17a: {  	[sflag:s0] =	ssyncset.done @p0 $0x0  }
0x17b: {  	[sflag:s0] =	ssyncadd.s32 @p0 $0xFFFFEC00;
	s0 =	simm.s32 @!p0 $0xE  }
0x17c: {  	_ =	swait.ge @!p0 [sflag:s0], $0x80  }
0x17d: {  	[sflag:s0] =	ssyncset.done @!p0 $0x0  }
0x17e: {  	[sflag:s0] =	ssyncadd.s32 @!p0 $0xFFFFFF80  }
0x17f: {  	_ =	swait.ge @!p0 [sflag:s0], $0x80  }
0x180: {  	s28 =	simm.s32 @!p0 $0x1A00;
	[sflag:s0] =	ssyncset.done @!p0 $0x0  }
0x181: {  	s14 =	simm.s32 @!p0 $0x200;
	[sflag:s0] =	ssyncadd.s32 @!p0 $0xFFFFFF80;
	s0 =	simm.s32 @!p0 $0x28  }
0x182: {  	[tilespmem:s28], [sflag:$0x2] =	stream.indirect.gather @!p0 [hbm4b:s1+s0], $0x80, s14, s0, $0xb8;
	[tilespmem:$0x1F600] =	vst v63  }
0x183: {  	s14 =	simm.s32 @!p0 $0x500;
	s28 =	simm.s32 @!p0 $0x5600  }
0x184: {  	[tilespmem:s28], [sflag:$0x2] =	stream.indirect.gather @!p0 [hbm4b:s6+s0], $0x80, s14, s0, $0xb8;
	[tilespmem:$0x1F600] =	vst v63  }
0x185: {  	s0 =	rddreg [dreg:$0x16]  }
0x186: {  	s0 =	sadd.s32 @!p0 s30, s0  }
0x187: {  	s0 =	sshll.u32 @!p0 s0, $0x4  }
0x188: {  	s14 =	simm.s32 @!p0 $0x0;
	s28 =	simm.s32 @!p0 $0x9200;
	s0 =	sadd.s32 @!p0 s2, s0  }
0x189: {  	[tilespmem:s28], [sflag:$0x2] =	stream.linear.gather @!p0 [hbm4b:s0+s14], $0x1400, $0x38;
	[tilespmem:$0x1F600] =	vst v63  }
0x18a: {  	s0 =	simm.s32 @!p0 $0x3  }
0x18b: {  	_ =	swait.ge @!p0 [sflag:s0], $0x1400  }
0x18c: {  	[sflag:s0] =	ssyncset.done @!p0 $0x0  }
0x18d: {  	[sflag:s0] =	ssyncadd.s32 @!p0 $0xFFFFEC00  }
0x18e: {  	s28 =	sadd.s32 @!p0 $0x280, s21;
	_ =	swait.ge @!p0 [sflag:s0], $0x1400  }
0x18f: {  	s29 =	sand.u32 @!p0 $0x1FC00, s28;
	[sflag:s0] =	ssyncset.done @!p0 $0x0  }
0x190: {  	s28 =	sand.u32 @!p0 $0x380, s28;
	s29 =	sadd.s32 @!p0 s13, s29;
	[sflag:s0] =	ssyncadd.s32 @!p0 $0xFFFFEC00  }
0x191: {  	s28 =	sor.u32 @!p0 s28, s29;
	_ =	swait.ge @!p0 [sflag:s0], $0x1400  }
0x192: {  	s28 =	sshrl.u32 @!p0 s28, $0x3;
	[sflag:s0] =	ssyncset.done @!p0 $0x0  }
0x193: {  	s29 =	simm.s32 @!p0 $0x280;
	[sflag:s0] =	ssyncadd.s32 @!p0 $0xFFFFEC00;
	s0 =	sadd.s32 @!p0 s7, s28  }
0x194: {  	[tilespmem:s29], [sflag:$0xF] =	stream.linear.gather @!p0 [hbm4b:s0+s14], $0x80, $0x38;
	[tilespmem:$0x1F600] =	vst v63  }
0x195: {  	s0 =	sadd.s32 @!p0 s8, s28;
	s28 =	simm.s32 @!p0 $0x580  }
0x196: {  	[tilespmem:s28], [sflag:$0xF] =	stream.linear.gather @!p0 [hbm4b:s0+s14], $0x80, $0x38;
	[tilespmem:$0x1F600] =	vst v63  }
0x197: {  	s28 =	simm.s32 $0x0  }
0x198: {  	v6 =	vld [tilespmem:s28+$0xA600]  }
0x199: {  	v5 =	vld [tilespmem:s28+$0xA610]  }
0x19a: {  	v4 =	vld [tilespmem:s28+$0xA620]  }
0x19b: {  	v3 =	vld [tilespmem:s28+$0xA630]  }
0x19c: {  	v2 =	vld [tilespmem:s28+$0xA640]  }
0x19d: {  	v1 =	vld [tilespmem:s28+$0xA650]  }
0x19e: {  	v13 =	vld [tilespmem:s28+$0x6A00]  }
0x19f: {  	v18 =	vld [tilespmem:s28+$0x6A10]  }
0x1a0: {  	v12 =	vld [tilespmem:s28+$0x6A20]  }
0x1a1: {  	v11 =	vld [tilespmem:s28+$0x6A30]  }
0x1a2: {  	v10 =	vld [tilespmem:s28+$0x6A40]  }
0x1a3: {  	v9 =	vld [tilespmem:s28+$0x6A50]  }
0x1a4: {  	v8 =	vld [tilespmem:s28+$0x6A60]  }
0x1a5: {  	v7 =	vld [tilespmem:s28+$0x6A70]  }
0x1a6: {  	v19 =	vld [tilespmem:s28+$0x2E00]  }
0x1a7: {  	v20 =	vld [tilespmem:s28+$0x2E10]  }
0x1a8: {  	v17 =	vld [tilespmem:s28+$0x2E20]  }
0x1a9: {  	v16 =	vld [tilespmem:s28+$0x2E30]  }
0x1aa: {  	v15 =	vld [tilespmem:s28+$0x2E40]  }
0x1ab: {  	v14 =	vld [tilespmem:s28+$0x2E50];
	v19 =	vadd.f32 v13, v19  }
0x1ac: {  	s0 =	simm.s32 $0x200;
	v18 =	vadd.f32 v18, v20;
	v13 =	vld [tilespmem:s28+$0x2E60]  }
.LBB2_9:
0x1ad: {  	p1 =	sne.s32 s0, $0x4E00;
	v6 =	vmul.f32 v6, v19;
	v12 =	vadd.f32 v12, v17;
	v17 =	vld [tilespmem:s28+$0x2E70]  }
0x1ae: {  	v5 =	vmul.f32 v5, v18;
	v11 =	vadd.f32 v11, v16;
	v16 =	vld [tilespmem:s28+$0xA660]  }
0x1af: {  	s14 =	sshra.s32 s0, $0x2;
	[tilespmem:s28+$0x2E00] =	vst v6;
	v4 =	vmul.f32 v4, v12;
	v10 =	vadd.f32 v10, v15;
	v12 =	vld [tilespmem:s28+$0xA670]  }
0x1b0: {  	v6 =	vld [tilespmem:s14+$0xA600];
	[tilespmem:s28+$0x2E10] =	vst v5;
	v3 =	vmul.f32 v3, v11;
	v9 =	vadd.f32 v9, v14  }
0x1b1: {  	v5 =	vld [tilespmem:s14+$0xA610];
	[tilespmem:s28+$0x2E20] =	vst v4;
	v2 =	vmul.f32 v2, v10;
	v8 =	vadd.f32 v8, v13  }
0x1b2: {  	v4 =	vld [tilespmem:s14+$0xA620];
	[tilespmem:s28+$0x2E30] =	vst v3;
	v1 =	vmul.f32 v1, v9;
	v7 =	vadd.f32 v7, v17  }
0x1b3: {  	v3 =	vld [tilespmem:s14+$0xA630];
	[tilespmem:s28+$0x2E40] =	vst v2;
	v8 =	vmul.f32 v16, v8  }
0x1b4: {  	v2 =	vld [tilespmem:s14+$0xA640];
	[tilespmem:s28+$0x2E50] =	vst v1;
	v7 =	vmul.f32 v12, v7  }
0x1b5: {  	v1 =	vld [tilespmem:s14+$0xA650];
	[tilespmem:s28+$0x2E60] =	vst v8  }
0x1b6: {  	v13 =	vld [tilespmem:s14+$0x6A00];
	[tilespmem:s28+$0x2E70] =	vst v7;
	s28 =	smov.u32 s14  }
0x1b7: {  	v18 =	vld [tilespmem:s28+$0x6A10]  }
0x1b8: {  	v12 =	vld [tilespmem:s28+$0x6A20]  }
0x1b9: {  	v11 =	vld [tilespmem:s28+$0x6A30]  }
0x1ba: {  	v10 =	vld [tilespmem:s28+$0x6A40]  }
0x1bb: {  	v9 =	vld [tilespmem:s28+$0x6A50]  }
0x1bc: {  	v8 =	vld [tilespmem:s28+$0x6A60]  }
0x1bd: {  	v7 =	vld [tilespmem:s28+$0x6A70]  }
0x1be: {  	v14 =	vld [tilespmem:s28+$0x2E00]  }
0x1bf: {  	v20 =	vld [tilespmem:s28+$0x2E10]  }
.Ltmp5:
0x1c0: {  	v17 =	vld [tilespmem:s28+$0x2E20];
	(pc) =	sbr.rel @p1 .LBB2_9-.Ltmp5, $4  }
0x1c1: {  	v16 =	vld [tilespmem:s28+$0x2E30]  }
0x1c2: {  	v15 =	vld [tilespmem:s28+$0x2E40]  }
0x1c3: {  	v19 =	vadd.f32 v13, v14;
	v14 =	vld [tilespmem:s28+$0x2E50]  }
0x1c4: {  	s0 =	sadd.s32 $0x200, s0;
	v18 =	vadd.f32 v18, v20;
	v13 =	vld [tilespmem:s28+$0x2E60]  }
0x1c5: {  	v6 =	vmul.f32 v6, v19;
	v19 =	vld [tilespmem:s28+$0x2E70];
	v12 =	vadd.f32 v12, v17  }
0x1c6: {  	v17 =	vld [tilespmem:s28+$0xA660];
	v5 =	vmul.f32 v5, v18;
	v11 =	vadd.f32 v11, v16  }
0x1c7: {  	[tilespmem:s28+$0x2E00] =	vst v6;
	v4 =	vmul.f32 v4, v12;
	v6 =	vadd.f32 v10, v15;
	v10 =	vld [tilespmem:s28+$0xA670]  }
0x1c8: {  	[tilespmem:s28+$0x2E10] =	vst v5;
	v3 =	vmul.f32 v3, v11;
	v5 =	vadd.f32 v9, v14  }
0x1c9: {  	[tilespmem:s28+$0x2E20] =	vst v4;
	v2 =	vmul.f32 v2, v6;
	v4 =	vadd.f32 v8, v13  }
0x1ca: {  	[tilespmem:s28+$0x2E30] =	vst v3;
	v1 =	vmul.f32 v1, v5;
	v3 =	vadd.f32 v7, v19  }
0x1cb: {  	[tilespmem:s28+$0x2E40] =	vst v2;
	v2 =	vmul.f32 v17, v4  }
0x1cc: {  	[tilespmem:s28+$0x2E50] =	vst v1;
	v1 =	vmul.f32 v10, v3  }
0x1cd: {  	[tilespmem:s28+$0x2E60] =	vst v2  }
0x1ce: {  	s0 =	sadd.s32 s9, s15;
	s14 =	simm.s32 $0x2E00;
	[tilespmem:s28+$0x2E70] =	vst v1  }
0x1cf: {  	[hbm4b:s0+s4] =	stream.linear.scatter [tilespmem:s14], [sflag:$0x6], $0x1400, $0x38;
	[tilespmem:$0x1F600] =	vst v63  }
0x1d0: {  	s29 =	simm.s32 $0x100;
	s15 =	simm.s32 $0x6  }
0x1d1: {  	[spmem:s3] =	stream.indirect.scatter.add.f32 [tilespmem:s14], [sflag:$0x9], $0x80, s29, s20, $0xb8;
	[tilespmem:$0x1F600] =	vst v63  }
0x1d2: {  	_ =	swait.ge [sflag:s15], $0x1400  }
0x1d3: {  	[sflag:s15] =	ssyncset.done $0x0  }
0x1d4: {  	s28 =	simm.s32 $0x9;
	[sflag:s15] =	ssyncadd.s32 $0xFFFFEC00  }
0x1d5: {  	_ =	swait.ge [sflag:s28], $0x1400  }
0x1d6: {  	[sflag:s28] =	ssyncset.done $0x0  }
0x1d7: {  	s0 =	simm.s32 @p0 $0x1;
	[sflag:s28] =	ssyncadd.s32 $0xFFFFEC00  }
0x1d8: {  	_ =	swait.ge @p0 [sflag:s0], $0x1400  }
0x1d9: {  	[sflag:s0] =	ssyncset.done @p0 $0x0  }
0x1da: {  	[sflag:s0] =	ssyncadd.s32 @p0 $0xFFFFEC00  }
0x1db: {  	_ =	swait.ge @p0 [sflag:s0], $0x1400  }
0x1dc: {  	[sflag:s0] =	ssyncset.done @p0 $0x0  }
0x1dd: {  	[sflag:s0] =	ssyncadd.s32 @p0 $0xFFFFEC00  }
0x1de: {  	_ =	swait.ge @p0 [sflag:s0], $0x1400  }
0x1df: {  	[sflag:s0] =	ssyncset.done @p0 $0x0  }
0x1e0: {  	[sflag:s0] =	ssyncadd.s32 @p0 $0xFFFFEC00;
	s0 =	simm.s32 @!p0 $0xF  }
0x1e1: {  	_ =	swait.ge @!p0 [sflag:s0], $0x80  }
0x1e2: {  	[sflag:s0] =	ssyncset.done @!p0 $0x0  }
0x1e3: {  	[sflag:s0] =	ssyncadd.s32 @!p0 $0xFFFFFF80  }
0x1e4: {  	_ =	swait.ge @!p0 [sflag:s0], $0x80  }
0x1e5: {  	s14 =	simm.s32 @!p0 $0x280;
	[sflag:s0] =	ssyncset.done @!p0 $0x0  }
0x1e6: {  	s15 =	simm.s32 @!p0 $0x2E00;
	[sflag:s0] =	ssyncadd.s32 @!p0 $0xFFFFFF80;
	s0 =	simm.s32 @!p0 $0x28  }
0x1e7: {  	[tilespmem:s15], [sflag:$0x3] =	stream.indirect.gather @!p0 [hbm4b:s1+s0], $0x80, s14, s0, $0xb8;
	[tilespmem:$0x1F600] =	vst v63  }
0x1e8: {  	s14 =	simm.s32 @!p0 $0x580;
	s15 =	simm.s32 @!p0 $0x6A00  }
0x1e9: {  	[tilespmem:s15], [sflag:$0x3] =	stream.indirect.gather @!p0 [hbm4b:s6+s0], $0x80, s14, s0, $0xb8;
	[tilespmem:$0x1F600] =	vst v63  }
0x1ea: {  	s0 =	rddreg [dreg:$0x17]  }
0x1eb: {  	s0 =	sadd.s32 @!p0 s30, s0  }
0x1ec: {  	s0 =	sshll.u32 @!p0 s0, $0x4  }
0x1ed: {  	s14 =	simm.s32 @!p0 $0x0;
	s15 =	simm.s32 @!p0 $0xA600;
	s0 =	sadd.s32 @!p0 s2, s0  }
0x1ee: {  	[tilespmem:s15], [sflag:$0x3] =	stream.linear.gather @!p0 [hbm4b:s0+s14], $0x1400, $0x38;
	[tilespmem:$0x1F600] =	vst v63  }
0x1ef: {  	s0 =	simm.s32 @!p0 $0x1  }
0x1f0: {  	_ =	swait.ge @!p0 [sflag:s0], $0x1400  }
0x1f1: {  	[sflag:s0] =	ssyncset.done @!p0 $0x0  }
0x1f2: {  	[sflag:s0] =	ssyncadd.s32 @!p0 $0xFFFFEC00  }
0x1f3: {  	s15 =	sadd.s32 @!p0 $0x300, s21;
	_ =	swait.ge @!p0 [sflag:s0], $0x1400  }
0x1f4: {  	s28 =	sand.u32 @!p0 $0x1FC00, s15;
	[sflag:s0] =	ssyncset.done @!p0 $0x0  }
0x1f5: {  	s15 =	sand.u32 @!p0 $0x300, s15;
	s28 =	sadd.s32 @!p0 s13, s28;
	[sflag:s0] =	ssyncadd.s32 @!p0 $0xFFFFEC00  }
0x1f6: {  	s15 =	sor.u32 @!p0 s15, s28;
	_ =	swait.ge @!p0 [sflag:s0], $0x1400  }
0x1f7: {  	s15 =	sshrl.u32 @!p0 s15, $0x3;
	[sflag:s0] =	ssyncset.done @!p0 $0x0  }
0x1f8: {  	[sflag:s0] =	ssyncadd.s32 @!p0 $0xFFFFEC00;
	s0 =	sadd.s32 @!p0 s7, s15  }
0x1f9: {  	[tilespmem:s14], [sflag:$0xA] =	stream.linear.gather @!p0 [hbm4b:s0+s14], $0x80, $0x38;
	[tilespmem:$0x1F600] =	vst v63  }
0x1fa: {  	s0 =	sadd.s32 @!p0 s8, s15;
	s15 =	simm.s32 @!p0 $0x300  }
0x1fb: {  	[tilespmem:s15], [sflag:$0xA] =	stream.linear.gather @!p0 [hbm4b:s0+s14], $0x80, $0x38;
	[tilespmem:$0x1F600] =	vst v63  }
0x1fc: {  	s15 =	simm.s32 $0x0  }
0x1fd: {  	v6 =	vld [tilespmem:s15+$0x7E00]  }
0x1fe: {  	v5 =	vld [tilespmem:s15+$0x7E10]  }
0x1ff: {  	v4 =	vld [tilespmem:s15+$0x7E20]  }
0x200: {  	v3 =	vld [tilespmem:s15+$0x7E30]  }
0x201: {  	v2 =	vld [tilespmem:s15+$0x7E40]  }
0x202: {  	v1 =	vld [tilespmem:s15+$0x7E50]  }
0x203: {  	v13 =	vld [tilespmem:s15+$0x4200]  }
0x204: {  	v18 =	vld [tilespmem:s15+$0x4210]  }
0x205: {  	v12 =	vld [tilespmem:s15+$0x4220]  }
0x206: {  	v11 =	vld [tilespmem:s15+$0x4230]  }
0x207: {  	v10 =	vld [tilespmem:s15+$0x4240]  }
0x208: {  	v9 =	vld [tilespmem:s15+$0x4250]  }
0x209: {  	v8 =	vld [tilespmem:s15+$0x4260]  }
0x20a: {  	v7 =	vld [tilespmem:s15+$0x4270]  }
0x20b: {  	v19 =	vld [tilespmem:s15+$0x600]  }
0x20c: {  	v20 =	vld [tilespmem:s15+$0x610]  }
0x20d: {  	v17 =	vld [tilespmem:s15+$0x620]  }
0x20e: {  	v16 =	vld [tilespmem:s15+$0x630]  }
0x20f: {  	v15 =	vld [tilespmem:s15+$0x640]  }
0x210: {  	v14 =	vld [tilespmem:s15+$0x650];
	v19 =	vadd.f32 v13, v19  }
0x211: {  	s0 =	simm.s32 $0x200;
	v18 =	vadd.f32 v18, v20;
	v13 =	vld [tilespmem:s15+$0x660]  }
.LBB2_11:
0x212: {  	p1 =	sne.s32 s0, $0x4E00;
	v6 =	vmul.f32 v6, v19;
	v12 =	vadd.f32 v12, v17;
	v17 =	vld [tilespmem:s15+$0x670]  }
0x213: {  	v5 =	vmul.f32 v5, v18;
	v11 =	vadd.f32 v11, v16;
	v16 =	vld [tilespmem:s15+$0x7E60]  }
0x214: {  	s14 =	sshra.s32 s0, $0x2;
	[tilespmem:s15+$0x600] =	vst v6;
	v4 =	vmul.f32 v4, v12;
	v10 =	vadd.f32 v10, v15;
	v12 =	vld [tilespmem:s15+$0x7E70]  }
0x215: {  	v6 =	vld [tilespmem:s14+$0x7E00];
	[tilespmem:s15+$0x610] =	vst v5;
	v3 =	vmul.f32 v3, v11;
	v9 =	vadd.f32 v9, v14  }
0x216: {  	v5 =	vld [tilespmem:s14+$0x7E10];
	[tilespmem:s15+$0x620] =	vst v4;
	v2 =	vmul.f32 v2, v10;
	v8 =	vadd.f32 v8, v13  }
0x217: {  	v4 =	vld [tilespmem:s14+$0x7E20];
	[tilespmem:s15+$0x630] =	vst v3;
	v1 =	vmul.f32 v1, v9;
	v7 =	vadd.f32 v7, v17  }
0x218: {  	v3 =	vld [tilespmem:s14+$0x7E30];
	[tilespmem:s15+$0x640] =	vst v2;
	v8 =	vmul.f32 v16, v8  }
0x219: {  	v2 =	vld [tilespmem:s14+$0x7E40];
	[tilespmem:s15+$0x650] =	vst v1;
	v7 =	vmul.f32 v12, v7  }
0x21a: {  	v1 =	vld [tilespmem:s14+$0x7E50];
	[tilespmem:s15+$0x660] =	vst v8  }
0x21b: {  	v13 =	vld [tilespmem:s14+$0x4200];
	[tilespmem:s15+$0x670] =	vst v7;
	s15 =	smov.u32 s14  }
0x21c: {  	v18 =	vld [tilespmem:s15+$0x4210]  }
0x21d: {  	v12 =	vld [tilespmem:s15+$0x4220]  }
0x21e: {  	v11 =	vld [tilespmem:s15+$0x4230]  }
0x21f: {  	v10 =	vld [tilespmem:s15+$0x4240]  }
0x220: {  	v9 =	vld [tilespmem:s15+$0x4250]  }
0x221: {  	v8 =	vld [tilespmem:s15+$0x4260]  }
0x222: {  	v7 =	vld [tilespmem:s15+$0x4270]  }
0x223: {  	v14 =	vld [tilespmem:s15+$0x600]  }
0x224: {  	v20 =	vld [tilespmem:s15+$0x610]  }
.Ltmp6:
0x225: {  	v17 =	vld [tilespmem:s15+$0x620];
	(pc) =	sbr.rel @p1 .LBB2_11-.Ltmp6, $4  }
0x226: {  	v16 =	vld [tilespmem:s15+$0x630]  }
0x227: {  	v15 =	vld [tilespmem:s15+$0x640]  }
0x228: {  	v19 =	vadd.f32 v13, v14;
	v14 =	vld [tilespmem:s15+$0x650]  }
0x229: {  	s0 =	sadd.s32 $0x200, s0;
	v18 =	vadd.f32 v18, v20;
	v13 =	vld [tilespmem:s15+$0x660]  }
0x22a: {  	v6 =	vmul.f32 v6, v19;
	v58 =	vld [tilespmem:s15+$0x670];
	v12 =	vadd.f32 v12, v17  }
0x22b: {  	v59 =	vld [tilespmem:s15+$0x7E60];
	v5 =	vmul.f32 v5, v18;
	v11 =	vadd.f32 v11, v16  }
0x22c: {  	v61 =	vld [tilespmem:s15+$0x7E70];
	[tilespmem:s15+$0x600] =	vst v6;
	v4 =	vmul.f32 v4, v12;
	v60 =	vadd.f32 v10, v15  }
0x22d: {  	[tilespmem:s15+$0x610] =	vst v5;
	v3 =	vmul.f32 v3, v11;
	v62 =	vadd.f32 v9, v14  }
0x22e: {  	[tilespmem:s15+$0x620] =	vst v4;
	v2 =	vmul.f32 v2, v60;
	v63 =	vadd.f32 v8, v13  }
0x22f: {  	[tilespmem:s15+$0x630] =	vst v3;
	v1 =	vmul.f32 v1, v62;
	v3 =	vadd.f32 v7, v58  }
0x230: {  	[tilespmem:s15+$0x640] =	vst v2;
	v2 =	vmul.f32 v59, v63  }
0x231: {  	[tilespmem:s15+$0x650] =	vst v1;
	v1 =	vmul.f32 v61, v3  }
0x232: {  	[tilespmem:s15+$0x660] =	vst v2  }
0x233: {  	s0 =	sadd.s32 s9, s23;
	[tilespmem:s15+$0x670] =	vst v1  }
0x234: {  	[hbm4b:s0+s4] =	stream.linear.scatter [tilespmem:s5], [sflag:$0x4], $0x1400, $0x38;
	[tilespmem:$0x1F600] =	vst v63  }
0x235: {  	s28 =	simm.s32 $0x180  }
0x236: {  	[spmem:s3] =	stream.indirect.scatter.add.f32 [tilespmem:s5], [sflag:$0x7], $0x80, s28, s20, $0xb8;
	[tilespmem:$0x1F600] =	vst v63  }
0x237: {  	_ =	swait.ge [sflag:s11], $0x1400  }
.Ltmp7:
0x238: {  	[sflag:s11] =	ssyncset.done $0x0;
	(pc) =	sbr.rel @p0 .LBB2_18-.Ltmp7, $4  }
0x239: {  	[sflag:s11] =	ssyncadd.s32 $0xFFFFEC00  }
0x23a: {  	_ =	swait.ge [sflag:s22], $0x1400  }
0x23b: {  	[sflag:s22] =	ssyncset.done $0x0  }
0x23c: {  	[sflag:s22] =	ssyncadd.s32 $0xFFFFEC00  }
0x23d: {  	_ =	swait.ge [sflag:s19], $0x80  }
0x23e: {  	[sflag:s19] =	ssyncset.done $0x0  }
0x23f: {  	[sflag:s19] =	ssyncadd.s32 $0xFFFFFF80  }
0x240: {  	_ =	swait.ge [sflag:s19], $0x80  }
0x241: {  	[sflag:s19] =	ssyncset.done $0x0  }
0x242: {  	s0 =	simm.s32 $0x0;
	[sflag:s19] =	ssyncadd.s32 $0xFFFFFF80  }
0x243: {  	[tilespmem:s5], [sflag:$0x1] =	stream.indirect.gather [hbm4b:s1+s20], $0x80, s0, s20, $0xb8;
	[tilespmem:$0x1F600] =	vst v63  }
0x244: {  	s14 =	simm.s32 $0x300;
	s15 =	simm.s32 $0x4200  }
0x245: {  	[tilespmem:s15], [sflag:$0x1] =	stream.indirect.gather [hbm4b:s6+s20], $0x80, s14, s20, $0xb8;
	[tilespmem:$0x1F600] =	vst v63  }
0x246: {  	s15 =	rddreg [dreg:$0x18]  }
0x247: {  	s14 =	sadd.s32 s30, s15  }
0x248: {  	s14 =	sshll.u32 s14, $0x4  }
0x249: {  	s23 =	simm.s32 $0x7E00;
	s14 =	sadd.s32 s2, s14  }
0x24a: {  	[tilespmem:s23], [sflag:$0x1] =	stream.linear.gather [hbm4b:s14+s0], $0x1400, $0x38;
	[tilespmem:$0x1F600] =	vst v63  }
0x24b: {  	_ =	swait.ge [sflag:s26], $0x1400  }
0x24c: {  	[sflag:s26] =	ssyncset.done $0x0  }
0x24d: {  	[sflag:s26] =	ssyncadd.s32 $0xFFFFEC00  }
0x24e: {  	s28 =	sadd.s32 $0x380, s21;
	_ =	swait.ge [sflag:s26], $0x1400  }
0x24f: {  	s23 =	sand.u32 $0x1FC00, s28;
	[sflag:s26] =	ssyncset.done $0x0  }
0x250: {  	s14 =	sand.u32 $0x380, s28;
	s15 =	sadd.s32 s13, s23;
	[sflag:s26] =	ssyncadd.s32 $0xFFFFEC00  }
0x251: {  	s14 =	sor.u32 s14, s15;
	_ =	swait.ge [sflag:s26], $0x1400  }
0x252: {  	s14 =	sshrl.u32 s14, $0x3;
	[sflag:s26] =	ssyncset.done $0x0  }
0x253: {  	s23 =	simm.s32 $0x80;
	s28 =	sadd.s32 s7, s14;
	[sflag:s26] =	ssyncadd.s32 $0xFFFFEC00  }
0x254: {  	[tilespmem:s23], [sflag:$0xB] =	stream.linear.gather [hbm4b:s28+s0], $0x80, $0x38;
	[tilespmem:$0x1F600] =	vst v63  }
0x255: {  	s15 =	simm.s32 $0x0;
	s14 =	sadd.s32 s8, s14;
	s28 =	simm.s32 $0x380  }
0x256: {  	[tilespmem:s28], [sflag:$0xB] =	stream.linear.gather [hbm4b:s14+s0], $0x80, $0x38;
	[tilespmem:$0x1F600] =	vst v63  }
0x257: {  	v6 =	vld [tilespmem:s15+$0x9200]  }
0x258: {  	v5 =	vld [tilespmem:s15+$0x9210]  }
0x259: {  	v4 =	vld [tilespmem:s15+$0x9220]  }
0x25a: {  	v3 =	vld [tilespmem:s15+$0x9230]  }
0x25b: {  	v2 =	vld [tilespmem:s15+$0x9240]  }
0x25c: {  	v1 =	vld [tilespmem:s15+$0x9250]  }
0x25d: {  	v13 =	vld [tilespmem:s15+$0x5600]  }
0x25e: {  	v18 =	vld [tilespmem:s15+$0x5610]  }
0x25f: {  	v12 =	vld [tilespmem:s15+$0x5620]  }
0x260: {  	v11 =	vld [tilespmem:s15+$0x5630]  }
0x261: {  	v10 =	vld [tilespmem:s15+$0x5640]  }
0x262: {  	v9 =	vld [tilespmem:s15+$0x5650]  }
0x263: {  	v8 =	vld [tilespmem:s15+$0x5660]  }
0x264: {  	v7 =	vld [tilespmem:s15+$0x5670]  }
0x265: {  	v19 =	vld [tilespmem:s15+$0x1A00]  }
0x266: {  	v20 =	vld [tilespmem:s15+$0x1A10]  }
0x267: {  	v17 =	vld [tilespmem:s15+$0x1A20]  }
0x268: {  	v16 =	vld [tilespmem:s15+$0x1A30]  }
0x269: {  	v15 =	vld [tilespmem:s15+$0x1A40]  }
0x26a: {  	v14 =	vld [tilespmem:s15+$0x1A50];
	v19 =	vadd.f32 v13, v19  }
0x26b: {  	s0 =	simm.s32 $0x200;
	v18 =	vadd.f32 v18, v20;
	v13 =	vld [tilespmem:s15+$0x1A60]  }
.LBB2_14:
0x26c: {  	p0 =	sne.s32 s0, $0x4E00;
	v6 =	vmul.f32 v6, v19;
	v12 =	vadd.f32 v12, v17;
	v17 =	vld [tilespmem:s15+$0x1A70]  }
0x26d: {  	v5 =	vmul.f32 v5, v18;
	v11 =	vadd.f32 v11, v16;
	v16 =	vld [tilespmem:s15+$0x9260]  }
0x26e: {  	s14 =	sshra.s32 s0, $0x2;
	[tilespmem:s15+$0x1A00] =	vst v6;
	v4 =	vmul.f32 v4, v12;
	v10 =	vadd.f32 v10, v15;
	v12 =	vld [tilespmem:s15+$0x9270]  }
0x26f: {  	v6 =	vld [tilespmem:s14+$0x9200];
	[tilespmem:s15+$0x1A10] =	vst v5;
	v3 =	vmul.f32 v3, v11;
	v9 =	vadd.f32 v9, v14  }
0x270: {  	v5 =	vld [tilespmem:s14+$0x9210];
	[tilespmem:s15+$0x1A20] =	vst v4;
	v2 =	vmul.f32 v2, v10;
	v8 =	vadd.f32 v8, v13  }
0x271: {  	v4 =	vld [tilespmem:s14+$0x9220];
	[tilespmem:s15+$0x1A30] =	vst v3;
	v1 =	vmul.f32 v1, v9;
	v7 =	vadd.f32 v7, v17  }
0x272: {  	v3 =	vld [tilespmem:s14+$0x9230];
	[tilespmem:s15+$0x1A40] =	vst v2;
	v8 =	vmul.f32 v16, v8  }
0x273: {  	v2 =	vld [tilespmem:s14+$0x9240];
	[tilespmem:s15+$0x1A50] =	vst v1;
	v7 =	vmul.f32 v12, v7  }
0x274: {  	v1 =	vld [tilespmem:s14+$0x9250];
	[tilespmem:s15+$0x1A60] =	vst v8  }
0x275: {  	v13 =	vld [tilespmem:s14+$0x5600];
	[tilespmem:s15+$0x1A70] =	vst v7;
	s15 =	smov.u32 s14  }
0x276: {  	v18 =	vld [tilespmem:s15+$0x5610]  }
0x277: {  	v12 =	vld [tilespmem:s15+$0x5620]  }
0x278: {  	v11 =	vld [tilespmem:s15+$0x5630]  }
0x279: {  	v10 =	vld [tilespmem:s15+$0x5640]  }
0x27a: {  	v9 =	vld [tilespmem:s15+$0x5650]  }
0x27b: {  	v8 =	vld [tilespmem:s15+$0x5660]  }
0x27c: {  	v7 =	vld [tilespmem:s15+$0x5670]  }
0x27d: {  	v14 =	vld [tilespmem:s15+$0x1A00]  }
0x27e: {  	v20 =	vld [tilespmem:s15+$0x1A10]  }
.Ltmp8:
0x27f: {  	v17 =	vld [tilespmem:s15+$0x1A20];
	(pc) =	sbr.rel @p0 .LBB2_14-.Ltmp8, $4  }
0x280: {  	v16 =	vld [tilespmem:s15+$0x1A30]  }
0x281: {  	v15 =	vld [tilespmem:s15+$0x1A40]  }
0x282: {  	v19 =	vadd.f32 v13, v14;
	v14 =	vld [tilespmem:s15+$0x1A50]  }
0x283: {  	s0 =	sadd.s32 $0x200, s0;
	v18 =	vadd.f32 v18, v20;
	v13 =	vld [tilespmem:s15+$0x1A60]  }
0x284: {  	v6 =	vmul.f32 v6, v19;
	v19 =	vld [tilespmem:s15+$0x1A70];
	v12 =	vadd.f32 v12, v17  }
0x285: {  	v17 =	vld [tilespmem:s15+$0x9260];
	v5 =	vmul.f32 v5, v18;
	v11 =	vadd.f32 v11, v16  }
0x286: {  	[tilespmem:s15+$0x1A00] =	vst v6;
	v4 =	vmul.f32 v4, v12;
	v6 =	vadd.f32 v10, v15;
	v10 =	vld [tilespmem:s15+$0x9270]  }
0x287: {  	[tilespmem:s15+$0x1A10] =	vst v5;
	v3 =	vmul.f32 v3, v11;
	v5 =	vadd.f32 v9, v14  }
0x288: {  	[tilespmem:s15+$0x1A20] =	vst v4;
	v2 =	vmul.f32 v2, v6;
	v4 =	vadd.f32 v8, v13  }
0x289: {  	[tilespmem:s15+$0x1A30] =	vst v3;
	v1 =	vmul.f32 v1, v5;
	v3 =	vadd.f32 v7, v19  }
0x28a: {  	s0 =	rddreg [dreg:$0x16];
	[tilespmem:s15+$0x1A40] =	vst v2;
	v2 =	vmul.f32 v17, v4  }
0x28b: {  	s0 =	sadd.s32 s30, s0;
	[tilespmem:s15+$0x1A50] =	vst v1;
	v1 =	vmul.f32 v10, v3  }
0x28c: {  	s0 =	sshll.u32 s0, $0x4;
	[tilespmem:s15+$0x1A60] =	vst v2  }
0x28d: {  	s14 =	simm.s32 $0x0;
	s0 =	sadd.s32 s9, s0;
	[tilespmem:s15+$0x1A70] =	vst v1;
	s15 =	simm.s32 $0x1A00  }
0x28e: {  	[hbm4b:s0+s14] =	stream.linear.scatter [tilespmem:s15], [sflag:$0x5], $0x1400, $0x38;
	[tilespmem:$0x1F600] =	vst v63  }
0x28f: {  	s23 =	simm.s32 $0x200  }
0x290: {  	[spmem:s3] =	stream.indirect.scatter.add.f32 [tilespmem:s15], [sflag:$0x8], $0x80, s23, s20, $0xb8;
	[tilespmem:$0x1F600] =	vst v63  }
0x291: {  	_ =	swait.ge [sflag:s16], $0x1400  }
0x292: {  	[sflag:s16] =	ssyncset.done $0x0  }
0x293: {  	[sflag:s16] =	ssyncadd.s32 $0xFFFFEC00  }
0x294: {  	_ =	swait.ge [sflag:s18], $0x1400  }
0x295: {  	[sflag:s18] =	ssyncset.done $0x0  }
0x296: {  	[sflag:s18] =	ssyncadd.s32 $0xFFFFEC00  }
0x297: {  	_ =	swait.ge [sflag:s25], $0x80  }
0x298: {  	[sflag:s25] =	ssyncset.done $0x0  }
0x299: {  	[sflag:s25] =	ssyncadd.s32 $0xFFFFFF80  }
0x29a: {  	_ =	swait.ge [sflag:s25], $0x80  }
0x29b: {  	[sflag:s25] =	ssyncset.done $0x0  }
0x29c: {  	s28 =	simm.s32 $0x80;
	[sflag:s25] =	ssyncadd.s32 $0xFFFFFF80  }
0x29d: {  	[tilespmem:s15], [sflag:$0x2] =	stream.indirect.gather [hbm4b:s1+s20], $0x80, s28, s20, $0xb8;
	[tilespmem:$0x1F600] =	vst v63  }
0x29e: {  	s23 =	simm.s32 $0x380;
	s28 =	simm.s32 $0x5600  }
0x29f: {  	[tilespmem:s28], [sflag:$0x2] =	stream.indirect.gather [hbm4b:s6+s20], $0x80, s23, s20, $0xb8;
	[tilespmem:$0x1F600] =	vst v63  }
0x2a0: {  	s23 =	rddreg [dreg:$0x19]  }
0x2a1: {  	s0 =	sadd.s32 s30, s23  }
0x2a2: {  	s0 =	sshll.u32 s0, $0x4  }
0x2a3: {  	s28 =	simm.s32 $0x9200;
	s0 =	sadd.s32 s2, s0  }
0x2a4: {  	[tilespmem:s28], [sflag:$0x2] =	stream.linear.gather [hbm4b:s0+s14], $0x1400, $0x38;
	[tilespmem:$0x1F600] =	vst v63  }
0x2a5: {  	_ =	swait.ge [sflag:s31], $0x1400  }
0x2a6: {  	[sflag:s31] =	ssyncset.done $0x0  }
0x2a7: {  	[sflag:s31] =	ssyncadd.s32 $0xFFFFEC00  }
0x2a8: {  	s15 =	sadd.s32 $0x400, s21;
	_ =	swait.ge [sflag:s31], $0x1400  }
0x2a9: {  	s0 =	sand.u32 $0x1FC00, s15;
	[sflag:s31] =	ssyncset.done $0x0  }
0x2aa: {  	s23 =	sand.u32 $0x300, s21;
	s0 =	sadd.s32 s13, s0;
	[sflag:s31] =	ssyncadd.s32 $0xFFFFEC00  }
0x2ab: {  	s0 =	sor.u32 s23, s0;
	_ =	swait.ge [sflag:s31], $0x1400  }
0x2ac: {  	s0 =	sshrl.u32 s0, $0x3;
	[sflag:s31] =	ssyncset.done $0x0  }
0x2ad: {  	s28 =	sadd.s32 s7, s0;
	[sflag:s31] =	ssyncadd.s32 $0xFFFFEC00  }
0x2ae: {  	[tilespmem:s29], [sflag:$0xC] =	stream.linear.gather [hbm4b:s28+s14], $0x80, $0x38;
	[tilespmem:$0x1F600] =	vst v63  }
0x2af: {  	s21 =	simm.s32 $0x400;
	s15 =	simm.s32 $0x0;
	s0 =	sadd.s32 s8, s0  }
0x2b0: {  	[tilespmem:s21], [sflag:$0xC] =	stream.linear.gather [hbm4b:s0+s14], $0x80, $0x38;
	[tilespmem:$0x1F600] =	vst v63  }
0x2b1: {  	v6 =	vld [tilespmem:s15+$0xA600]  }
0x2b2: {  	v5 =	vld [tilespmem:s15+$0xA610]  }
0x2b3: {  	v4 =	vld [tilespmem:s15+$0xA620]  }
0x2b4: {  	v3 =	vld [tilespmem:s15+$0xA630]  }
0x2b5: {  	v2 =	vld [tilespmem:s15+$0xA640]  }
0x2b6: {  	v1 =	vld [tilespmem:s15+$0xA650]  }
0x2b7: {  	v13 =	vld [tilespmem:s15+$0x6A00]  }
0x2b8: {  	v18 =	vld [tilespmem:s15+$0x6A10]  }
0x2b9: {  	v12 =	vld [tilespmem:s15+$0x6A20]  }
0x2ba: {  	v11 =	vld [tilespmem:s15+$0x6A30]  }
0x2bb: {  	v10 =	vld [tilespmem:s15+$0x6A40]  }
0x2bc: {  	v9 =	vld [tilespmem:s15+$0x6A50]  }
0x2bd: {  	v8 =	vld [tilespmem:s15+$0x6A60]  }
0x2be: {  	v7 =	vld [tilespmem:s15+$0x6A70]  }
0x2bf: {  	v19 =	vld [tilespmem:s15+$0x2E00]  }
0x2c0: {  	v20 =	vld [tilespmem:s15+$0x2E10]  }
0x2c1: {  	v17 =	vld [tilespmem:s15+$0x2E20]  }
0x2c2: {  	v16 =	vld [tilespmem:s15+$0x2E30]  }
0x2c3: {  	v15 =	vld [tilespmem:s15+$0x2E40]  }
0x2c4: {  	v14 =	vld [tilespmem:s15+$0x2E50];
	v19 =	vadd.f32 v13, v19  }
0x2c5: {  	s23 =	simm.s32 $0x2E00;
	s0 =	simm.s32 $0x200;
	v18 =	vadd.f32 v18, v20;
	v13 =	vld [tilespmem:s15+$0x2E60]  }
.LBB2_16:
0x2c6: {  	p0 =	sne.s32 s0, $0x4E00;
	v6 =	vmul.f32 v6, v19;
	v12 =	vadd.f32 v12, v17;
	v17 =	vld [tilespmem:s15+$0x2E70]  }
0x2c7: {  	v5 =	vmul.f32 v5, v18;
	v11 =	vadd.f32 v11, v16;
	v16 =	vld [tilespmem:s15+$0xA660]  }
0x2c8: {  	s14 =	sshra.s32 s0, $0x2;
	[tilespmem:s15+$0x2E00] =	vst v6;
	v4 =	vmul.f32 v4, v12;
	v10 =	vadd.f32 v10, v15;
	v12 =	vld [tilespmem:s15+$0xA670]  }
0x2c9: {  	v6 =	vld [tilespmem:s14+$0xA600];
	[tilespmem:s15+$0x2E10] =	vst v5;
	v3 =	vmul.f32 v3, v11;
	v9 =	vadd.f32 v9, v14  }
0x2ca: {  	v5 =	vld [tilespmem:s14+$0xA610];
	[tilespmem:s15+$0x2E20] =	vst v4;
	v2 =	vmul.f32 v2, v10;
	v8 =	vadd.f32 v8, v13  }
0x2cb: {  	v4 =	vld [tilespmem:s14+$0xA620];
	[tilespmem:s15+$0x2E30] =	vst v3;
	v1 =	vmul.f32 v1, v9;
	v7 =	vadd.f32 v7, v17  }
0x2cc: {  	v3 =	vld [tilespmem:s14+$0xA630];
	[tilespmem:s15+$0x2E40] =	vst v2;
	v8 =	vmul.f32 v16, v8  }
0x2cd: {  	v2 =	vld [tilespmem:s14+$0xA640];
	[tilespmem:s15+$0x2E50] =	vst v1;
	v7 =	vmul.f32 v12, v7  }
0x2ce: {  	v1 =	vld [tilespmem:s14+$0xA650];
	[tilespmem:s15+$0x2E60] =	vst v8  }
0x2cf: {  	v13 =	vld [tilespmem:s14+$0x6A00];
	[tilespmem:s15+$0x2E70] =	vst v7;
	s15 =	smov.u32 s14  }
0x2d0: {  	v18 =	vld [tilespmem:s15+$0x6A10]  }
0x2d1: {  	v12 =	vld [tilespmem:s15+$0x6A20]  }
0x2d2: {  	v11 =	vld [tilespmem:s15+$0x6A30]  }
0x2d3: {  	v10 =	vld [tilespmem:s15+$0x6A40]  }
0x2d4: {  	v9 =	vld [tilespmem:s15+$0x6A50]  }
0x2d5: {  	v8 =	vld [tilespmem:s15+$0x6A60]  }
0x2d6: {  	v7 =	vld [tilespmem:s15+$0x6A70]  }
0x2d7: {  	v14 =	vld [tilespmem:s15+$0x2E00]  }
0x2d8: {  	v20 =	vld [tilespmem:s15+$0x2E10]  }
.Ltmp9:
0x2d9: {  	v17 =	vld [tilespmem:s15+$0x2E20];
	(pc) =	sbr.rel @p0 .LBB2_16-.Ltmp9, $4  }
0x2da: {  	v16 =	vld [tilespmem:s15+$0x2E30]  }
0x2db: {  	v15 =	vld [tilespmem:s15+$0x2E40]  }
0x2dc: {  	v19 =	vadd.f32 v13, v14;
	v14 =	vld [tilespmem:s15+$0x2E50]  }
0x2dd: {  	s0 =	sadd.s32 $0x200, s0;
	v18 =	vadd.f32 v18, v20;
	v13 =	vld [tilespmem:s15+$0x2E60]  }
0x2de: {  	v6 =	vmul.f32 v6, v19;
	v58 =	vld [tilespmem:s15+$0x2E70];
	v12 =	vadd.f32 v12, v17  }
0x2df: {  	v59 =	vld [tilespmem:s15+$0xA660];
	v5 =	vmul.f32 v5, v18;
	v11 =	vadd.f32 v11, v16  }
0x2e0: {  	v61 =	vld [tilespmem:s15+$0xA670];
	[tilespmem:s15+$0x2E00] =	vst v6;
	v4 =	vmul.f32 v4, v12;
	v60 =	vadd.f32 v10, v15  }
0x2e1: {  	[tilespmem:s15+$0x2E10] =	vst v5;
	v3 =	vmul.f32 v3, v11;
	v62 =	vadd.f32 v9, v14  }
0x2e2: {  	[tilespmem:s15+$0x2E20] =	vst v4;
	v2 =	vmul.f32 v2, v60;
	v63 =	vadd.f32 v8, v13  }
0x2e3: {  	[tilespmem:s15+$0x2E30] =	vst v3;
	v1 =	vmul.f32 v1, v62;
	v3 =	vadd.f32 v7, v58  }
0x2e4: {  	s0 =	rddreg [dreg:$0x17];
	[tilespmem:s15+$0x2E40] =	vst v2;
	v2 =	vmul.f32 v59, v63  }
0x2e5: {  	s0 =	sadd.s32 s30, s0;
	[tilespmem:s15+$0x2E50] =	vst v1;
	v1 =	vmul.f32 v61, v3  }
.Ltmp10:
0x2e6: {  	s0 =	sshll.u32 s0, $0x4;
	[tilespmem:s15+$0x2E60] =	vst v2;
	(pc) =	sbr.rel .LBB2_4-.Ltmp10, $4  }
0x2e7: {  	s0 =	sadd.s32 s9, s0;
	[tilespmem:s15+$0x2E70] =	vst v1  }
0x2e8: {  	[hbm4b:s0+s4] =	stream.linear.scatter [tilespmem:s23], [sflag:$0x6], $0x1400, $0x38;
	[tilespmem:$0x1F600] =	vst v63  }
0x2e9: {  	s17 =	sadd.s32 $0x1, s17;
	s30 =	simm.s32 $0x280  }
0x2ea: {  	[spmem:s3] =	stream.indirect.scatter.add.f32 [tilespmem:s23], [sflag:$0x9], $0x80, s30, s20, $0xb8;
	[tilespmem:$0x1F600] =	vst v63  }
.LBB2_19:
0x2eb: {  	_ =	sfence.sel $0x180000  }
0x2ec: {  	[bflag:$0x0] =	sbarrier.arrive $0xFFFF  }
0x2ed: {  	_ =	strace $0x90000047  }
0x2ee: {  	s0 =	stileid.u32;
	[bflag:$0x2] =	sbarrier.arrive $0xFFFF  }
0x2ef: {  	p0 =	sne.s32 s0, $0x0;
	s0 =	rddreg [dreg:$0x5]  }
0x2f0: {  	s0 =	sadd.s32 @!p0 $0x100000, s0  }
0x2f1: {  	[sflag:s0] =	ssyncadd.tile.s32 @!p0 $0x1;
	_ =	shalt  }
.Lfunc_end2:
_tile_overlayer_lowered:
.L_overlay_start_2:
0x2f2: {  	(tag) =	ssettag $0x2  }
0x2f3: {  	s0 =	rddreg [dreg:$0x0];
	s2 =	stileid.u32  }
0x2f4: {  	s1 =	rddreg [dreg:$0x1];
	p0 =	sne.s32 s2, $0x0  }
0x2f5: {  	s3 =	rddreg [dreg:$0x2];
	[bflag:$0x3] =	sbarrier.arrive $0xFFFF;
	s2 =	simm.s32 @!p0 $0x1C10  }
0x2f6: {  	[timem:s3], [sflag:s2] =	dma.local @!p0 [hbm:s0], s1  }
0x2f7: {  	s0 =	simm.s32 @!p0 $0x10  }
0x2f8: {  	_ =	swait.ge @!p0 [sflag:s0], s1  }
0x2f9: {  	s1 =	ssub.s32 @!p0 $0x0, s1;
	[sflag:s0] =	ssyncset.done @!p0 $0x0  }
0x2fa: {  	[sflag:s0] =	ssyncadd.s32 @!p0 s1  }
0x2fb: {  	[bflag:$0x3] =	sbarrier.arrive $0xFFFF  }
0x2fc: {  	_ =	shalt  }

</sc_bundles>
